<compile_context>
chip_gen: v7x
topology: tpu7x:2x2x1
jax: 0.10.2.dev20260603
libtpu: 0.0.44.dev20260713+nightly
codegen_flags: <defaults>
</compile_context>

<pallas_src>
import functools

import jax
import jax.numpy as jnp
from jax import lax
from jax.experimental import pallas as pl
from jax.experimental.pallas import tpu as pltpu
from jax.experimental.pallas import tpu_sc as plsc

N_NODES = 10000
N_PAD = 10240
E_TOT = 330000
NC, NS = 2, 16
NW = NC * NS
CHUNK = 128
NBUF = 2
C_A = 82
C_B = 82
CPT_MAX = max(C_A, C_B)
E_PAD = NS * (C_A + C_B) * CHUNK
ROWS_PT = N_PAD // NS
HID = 64
W3PAD = 16

@functools.cache
def _mesh():
    return plsc.VectorSubcoreMesh(core_axis_name="c", subcore_axis_name="s",
                                  num_cores=NC, num_subcores=NS)



def _seg_body(width, g_hbm, src_hbm, dst_hbm, zrows_hbm, out_hbm,
              src_v, dst_v, rows_v, acc_sh, g_sh, *sems):
    core = lax.axis_index("c")
    sid = lax.axis_index("s")
    wid = sid * NC + core
    cpt = lax.select(core == 0, C_A, C_B)
    gsems = sems
    pltpu.sync_copy(zrows_hbm, acc_sh.at[pl.ds(sid * ROWS_PT, ROWS_PT)])
    pltpu.sync_copy(g_hbm.at[pl.ds(sid * ROWS_PT, ROWS_PT)],
                    g_sh.at[pl.ds(sid * ROWS_PT, ROWS_PT)])
    pltpu.sync_copy(src_hbm.at[wid], src_v)
    pltpu.sync_copy(dst_hbm.at[wid], dst_v)
    plsc.subcore_barrier()

    def _gather(j, b):
        pltpu.async_copy(g_sh.at[src_v.at[j]], rows_v.at[b], gsems[b])

    def _gather_wait(j, b):
        pltpu.make_async_copy(g_sh.at[src_v.at[j]], rows_v.at[b],
                              gsems[b]).wait()

    for b in range(NBUF):
        _gather(b, b)

    def body(g, _):
        j0 = g * NBUF
        for b in range(NBUF):
            j = j0 + b
            _gather_wait(j, b)
            pltpu.sync_copy(rows_v.at[b], acc_sh.at[dst_v.at[j]], add=True)
            nj = j + NBUF

            @pl.when(nj < cpt)
            def _():
                _gather(nj, b)
        return ()

    lax.fori_loop(0, cpt // NBUF, body, ())
    plsc.subcore_barrier()
    pltpu.sync_copy(acc_sh.at[pl.ds(sid * ROWS_PT, ROWS_PT)],
                    out_hbm.at[core, pl.ds(sid * ROWS_PT, ROWS_PT)])


def _seg_sum(g, src2, dst2, zrows, width):
    return pl.kernel(
        functools.partial(_seg_body, width),
        out_type=jax.ShapeDtypeStruct((NC, N_PAD, width), jnp.float32),
        mesh=_mesh(),
        scratch_types=[
            pltpu.VMEM((CPT_MAX, CHUNK), jnp.int32),
            pltpu.VMEM((CPT_MAX, CHUNK), jnp.int32),
            pltpu.VMEM((NBUF, CHUNK, width), jnp.float32),
            pltpu.VMEM_SHARED((N_PAD, width), jnp.float32),
            pltpu.VMEM_SHARED((N_PAD, width), jnp.float32),
        ] + [pltpu.SemaphoreType.DMA] * NBUF,
        compiler_params=pltpu.CompilerParams(use_tc_tiling_on_sc=False),
    )(g, src2, dst2, zrows)


def _deg_body(ones_hbm, dst_hbm, zrows_hbm, out_hbm, ones_v, dst_v, acc_sh, sem):
    core = lax.axis_index("c")
    sid = lax.axis_index("s")
    wid = sid * NC + core
    cpt = lax.select(core == 0, C_A, C_B)
    pltpu.sync_copy(zrows_hbm, acc_sh.at[pl.ds(sid * ROWS_PT, ROWS_PT)])
    pltpu.sync_copy(ones_hbm, ones_v)
    pltpu.sync_copy(dst_hbm.at[wid], dst_v)
    plsc.subcore_barrier()

    DEPTH = 4

    def _fire(j):
        pltpu.async_copy(ones_v, acc_sh.at[dst_v.at[j]], sem, add=True)

    def _drain(j):
        pltpu.make_async_copy(ones_v, acc_sh.at[dst_v.at[j]], sem).wait()

    for j in range(DEPTH):
        _fire(j)

    def body(j, _):
        _drain(j)
        _fire(j + DEPTH)
        return ()

    lax.fori_loop(0, cpt - DEPTH, body, ())

    def tail(j, _):
        _drain(j)
        return ()

    lax.fori_loop(cpt - DEPTH, cpt, tail, ())
    plsc.subcore_barrier()
    pltpu.sync_copy(acc_sh.at[pl.ds(sid * ROWS_PT, ROWS_PT)],
                    out_hbm.at[core, pl.ds(sid * ROWS_PT, ROWS_PT)])


def _deg_count(ones, dst2, zrows):
    return pl.kernel(
        _deg_body,
        out_type=jax.ShapeDtypeStruct((NC, N_PAD, W3PAD), jnp.float32),
        mesh=_mesh(),
        scratch_types=[
            pltpu.VMEM((CHUNK, W3PAD), jnp.float32),
            pltpu.VMEM((CPT_MAX, CHUNK), jnp.int32),
            pltpu.VMEM_SHARED((N_PAD, W3PAD), jnp.float32),
            pltpu.SemaphoreType.DMA,
        ],
        compiler_params=pltpu.CompilerParams(use_tc_tiling_on_sc=False),
    )(ones, dst2, zrows)



def _dis(degp_ref):
    deg = degp_ref[0, :, 0:1] + degp_ref[1, :, 0:1]
    return jnp.where(deg > 0.0, lax.rsqrt(deg), 0.0)


def _tc_first_body(x_ref, w_ref, degp_ref, o_ref):
    dis = _dis(degp_ref)
    o_ref[...] = jnp.dot(x_ref[...], w_ref[...],
                         preferred_element_type=jnp.float32) * dis


def _tc_mid_body(sp_ref, degp_ref, w_ref, b_ref, o_ref):
    dis = _dis(degp_ref)
    h = (sp_ref[0] + sp_ref[1]) * dis + b_ref[...]
    h = jnp.where(h >= 0.0, h, 0.01 * h)
    o_ref[...] = jnp.dot(h, w_ref[...],
                         preferred_element_type=jnp.float32) * dis


def _tc_fin_body(sp_ref, degp_ref, b_ref, o_ref):
    dis = _dis(degp_ref)
    o_ref[...] = (sp_ref[0, :, 0:1] + sp_ref[1, :, 0:1]) * dis + b_ref[...]


def _tc_call(body, out_shape, *args):
    return pl.pallas_call(
        body,
        out_shape=out_shape,
        in_specs=[pl.BlockSpec(memory_space=pltpu.VMEM) for _ in args],
        out_specs=pl.BlockSpec(memory_space=pltpu.VMEM),
    )(*args)



def kernel(x, edge_index, W1, b1, W2, b2, W3, b3):
    f32 = jnp.float32
    ei = edge_index.astype(jnp.int32)
    loop = jnp.arange(N_NODES, dtype=jnp.int32)
    pad = jnp.full((E_PAD - E_TOT,), N_NODES, jnp.int32)

    def _layout(flat):
        na = NS * C_A * CHUNK
        a = flat[:na].reshape(NS, C_A, CHUNK)
        a = jnp.pad(a, ((0, 0), (0, CPT_MAX - C_A), (0, 0)))
        b = flat[na:].reshape(NS, C_B, CHUNK)
        b = jnp.pad(b, ((0, 0), (0, CPT_MAX - C_B), (0, 0)))
        return jnp.stack([a, b], axis=1).reshape(NW, CPT_MAX, CHUNK)

    src2 = _layout(jnp.concatenate([ei[0], loop, pad]))
    dst2 = _layout(jnp.concatenate([ei[1], loop, pad]))

    x_pad = jnp.zeros((N_PAD, x.shape[1]), f32).at[:N_NODES].set(x)
    zrows_h = jnp.zeros((ROWS_PT, HID), f32)
    zrows_s = jnp.zeros((ROWS_PT, W3PAD), f32)
    ones = jnp.zeros((CHUNK, W3PAD), f32).at[:, 0].set(1.0)
    W3p = jnp.zeros((HID, W3PAD), f32).at[:, 0:1].set(W3)

    degp = _deg_count(ones, dst2, zrows_s)

    g1 = _tc_call(_tc_first_body,
                  jax.ShapeDtypeStruct((N_PAD, HID), f32),
                  x_pad, W1, degp)
    s1 = _seg_sum(g1, src2, dst2, zrows_h, HID)

    g2 = _tc_call(_tc_mid_body,
                  jax.ShapeDtypeStruct((N_PAD, HID), f32),
                  s1, degp, W2, b1.reshape(1, HID))
    s2 = _seg_sum(g2, src2, dst2, zrows_h, HID)

    g3 = _tc_call(_tc_mid_body,
                  jax.ShapeDtypeStruct((N_PAD, W3PAD), f32),
                  s2, degp, W3p, b2.reshape(1, HID))
    s3 = _seg_sum(g3, src2, dst2, zrows_s, W3PAD)

    out = _tc_call(_tc_fin_body,
                   jax.ShapeDtypeStruct((N_PAD, 1), f32),
                   s3, degp, b3.reshape(1, 1))
    return out[:N_NODES]

# --- scband reference (transcript-rebuilt; emitter-appended) ---
"""Pipeline reference for scband-gnnroute-planner-39926015983752 (READ-ONLY COPY).

The authoritative reference and input builder live on the scoring server;
editing this copy changes nothing except your own understanding.
"""

import jax, jax.numpy as jnp
import numpy as np

N_NODES = 10000
N_EDGES = 320000
IN_CH = 128
HID_CH = 64
OUT_CH = 1


def setup_inputs(seed: int = 0) -> dict:
    key = jax.random.key(seed)
    k1, k2, k3, k4, k5 = jax.random.split(key, 5)
    x = jax.random.normal(k1, (N_NODES, IN_CH), dtype=jnp.float32)
    edge_index = jax.random.randint(k2, (2, N_EDGES), 0, N_NODES, dtype=jnp.int64)
    # learned params (glorot-style scale for weights, zeros for bias, as in PyG GCNConv)
    W1 = jax.random.normal(k3, (IN_CH, HID_CH), dtype=jnp.float32) * (1.0 / np.sqrt(IN_CH))
    b1 = jnp.zeros((HID_CH,), dtype=jnp.float32)
    W2 = jax.random.normal(k4, (HID_CH, HID_CH), dtype=jnp.float32) * (1.0 / np.sqrt(HID_CH))
    b2 = jnp.zeros((HID_CH,), dtype=jnp.float32)
    W3 = jax.random.normal(k5, (HID_CH, OUT_CH), dtype=jnp.float32) * (1.0 / np.sqrt(HID_CH))
    b3 = jnp.zeros((OUT_CH,), dtype=jnp.float32)
    return {"x": x, "edge_index": edge_index, "W1": W1, "b1": b1, "W2": W2, "b2": b2, "W3": W3, "b3": b3}


def _gcn_conv(x, src, dst, W, b, num_nodes):
    # GCNConv: h = x @ W; symmetric normalization with self-loops already in src/dst
    h = x @ W
    deg = jnp.zeros((num_nodes,), dtype=h.dtype).at[dst].add(1.0)
    deg_inv_sqrt = jnp.where(deg > 0, 1.0 / jnp.sqrt(deg), 0.0)
    norm = deg_inv_sqrt[src] * deg_inv_sqrt[dst]
    msg = h[src] * norm[:, None]
    out = jnp.zeros((num_nodes, h.shape[1]), dtype=h.dtype).at[dst].add(msg)
    return out + b


def reference(x, edge_index, W1, b1, W2, b2, W3, b3):
    num_nodes = x.shape[0]
    loop = jnp.arange(num_nodes, dtype=edge_index.dtype)
    src = jnp.concatenate([edge_index[0], loop])
    dst = jnp.concatenate([edge_index[1], loop])
    act = lambda t: jax.nn.leaky_relu(t, negative_slope=0.01)
    h = _gcn_conv(x, src, dst, W1, b1, num_nodes)
    h = act(h)
    h = _gcn_conv(h, src, dst, W2, b2, num_nodes)
    h = act(h)
    h = _gcn_conv(h, src, dst, W3, b3, num_nodes)
    return h

if __name__ == "__main__":
    import jax
    _d = setup_inputs()
    print(jax.jit(kernel)(*tuple(_d.values())))

</pallas_src>

<mosaic_0001>
#map = affine_map<(d0, d1) -> (0, 0)>
#map1 = affine_map<(d0, d1) -> (0, 0, 0)>
module attributes {stable_mosaic.version = 14 : i64} {
  func.func @_deg_body(%arg0: i32, %arg1: i32, %arg2: memref<128x16xf32, #tpu.memory_space<hbm>>, %arg3: memref<32x82x128xi32, #tpu.memory_space<hbm>>, %arg4: memref<640x16xf32, #tpu.memory_space<hbm>>, %arg5: memref<2x10240x16xf32, #tpu.memory_space<hbm>>, %arg6: memref<128x16xf32, #tpu.memory_space<vmem>>, %arg7: memref<82x128xi32, #tpu.memory_space<vmem>>, %arg8: memref<10240x16xf32, #tpu.memory_space<vmem_shared>>, %arg9: memref<!tpu.dma_semaphore, #tpu.memory_space<semaphore_mem>>) attributes {dimension_semantics = [#tpu.dimension_semantics<core_parallel>, #tpu.dimension_semantics<subcore_parallel>], iteration_bounds = array<i64: 2, 16>, scalar_prefetch = 0 : i64, scratch_operands = 4 : i64, tpu.core_type = #tpu.core_type<sc_vector_subcore>, window_params = [{transform_indices = #map}, {transform_indices = #map1}, {transform_indices = #map}, {transform_indices = #map1}]} {
    %mul3A = arith.constant 2 : i32
    %mul3A_0 = arith.muli %arg1, %mul3A : i32
    %add3A = arith.addi %mul3A_0, %arg0 : i32
    %eq3A = arith.constant 0 : i32
    %eq3A_1 = arith.cmpi eq, %arg0, %eq3A : i32
    %select_n3A = arith.constant 82 : i32
    %select_n3A_2 = arith.constant 82 : i32
    %select_n3A_3 = arith.select %eq3A_1, %select_n3A_2, %select_n3A : i32
    %mul3A_4 = arith.constant 640 : i32
    %mul3A_5 = arith.muli %arg1, %mul3A_4 : i32
    "tpu.region"() ({
      %run_scoped3A = tpu.sem_alloc : memref<!tpu.dma_semaphore, #tpu.memory_space<semaphore_mem>>
      %dma_start3A_57 = arith.constant 0 : i32
      %dma_start3A_58 = tpu.memref_slice %arg8[%mul3A_5, %dma_start3A_57] : memref<10240x16xf32, #tpu.memory_space<vmem_shared>> -> memref<640x16xf32, #tpu.memory_space<vmem_shared>>
      tpu.enqueue_dma source(%arg4 : memref<640x16xf32, #tpu.memory_space<hbm>>) target(%dma_start3A_58 : memref<640x16xf32, #tpu.memory_space<vmem_shared>>) target_semaphore(%run_scoped3A : memref<!tpu.dma_semaphore, #tpu.memory_space<semaphore_mem>>)
      %dma_wait3A = arith.constant 0 : i32
      %dma_wait3A_59 = tpu.memref_slice %arg8[%mul3A_5, %dma_wait3A] : memref<10240x16xf32, #tpu.memory_space<vmem_shared>> -> memref<640x16xf32, #tpu.memory_space<vmem_shared>>
      tpu.wait_dma2 semaphore(%run_scoped3A : memref<!tpu.dma_semaphore, #tpu.memory_space<semaphore_mem>>) src(%arg4 : memref<640x16xf32, #tpu.memory_space<hbm>>) dst(%dma_wait3A_59 : memref<640x16xf32, #tpu.memory_space<vmem_shared>>)
      tpu.yield
    }) : () -> ()
    "tpu.region"() ({
      %run_scoped3A = tpu.sem_alloc : memref<!tpu.dma_semaphore, #tpu.memory_space<semaphore_mem>>
      tpu.enqueue_dma source(%arg2 : memref<128x16xf32, #tpu.memory_space<hbm>>) target(%arg6 : memref<128x16xf32, #tpu.memory_space<vmem>>) target_semaphore(%run_scoped3A : memref<!tpu.dma_semaphore, #tpu.memory_space<semaphore_mem>>)
      tpu.wait_dma2 semaphore(%run_scoped3A : memref<!tpu.dma_semaphore, #tpu.memory_space<semaphore_mem>>) src(%arg2 : memref<128x16xf32, #tpu.memory_space<hbm>>) dst(%arg6 : memref<128x16xf32, #tpu.memory_space<vmem>>)
      tpu.yield
    }) : () -> ()
    "tpu.region"() ({
      %run_scoped3A = tpu.sem_alloc : memref<!tpu.dma_semaphore, #tpu.memory_space<semaphore_mem>>
      %dma_start3A_57 = arith.constant 0 : i32
      %dma_start3A_58 = arith.constant 0 : i32
      %dma_start3A_59 = tpu.memref_slice %arg3[%add3A, %dma_start3A_57, %dma_start3A_58] : memref<32x82x128xi32, #tpu.memory_space<hbm>> -> memref<1x82x128xi32, #tpu.memory_space<hbm>>
      %dma_start3A_60 = tpu.memref_squeeze %dma_start3A_59 : memref<1x82x128xi32, #tpu.memory_space<hbm>> -> memref<82x128xi32, #tpu.memory_space<hbm>>
      %dma_start3A_61 = arith.constant 0 : i32
      %dma_start3A_62 = arith.constant 0 : i32
      %dma_start3A_63 = tpu.memref_slice %arg3[%add3A, %dma_start3A_61, %dma_start3A_62] : memref<32x82x128xi32, #tpu.memory_space<hbm>> -> memref<1x82x128xi32, #tpu.memory_space<hbm>>
      %dma_start3A_64 = tpu.memref_squeeze %dma_start3A_63 : memref<1x82x128xi32, #tpu.memory_space<hbm>> -> memref<82x128xi32, #tpu.memory_space<hbm>>
      tpu.enqueue_dma source(%dma_start3A_64 : memref<82x128xi32, #tpu.memory_space<hbm>>) target(%arg7 : memref<82x128xi32, #tpu.memory_space<vmem>>) target_semaphore(%run_scoped3A : memref<!tpu.dma_semaphore, #tpu.memory_space<semaphore_mem>>)
      %dma_wait3A = arith.constant 0 : i32
      %dma_wait3A_65 = arith.constant 0 : i32
      %dma_wait3A_66 = tpu.memref_slice %arg3[%add3A, %dma_wait3A, %dma_wait3A_65] : memref<32x82x128xi32, #tpu.memory_space<hbm>> -> memref<1x82x128xi32, #tpu.memory_space<hbm>>
      %dma_wait3A_67 = tpu.memref_squeeze %dma_wait3A_66 : memref<1x82x128xi32, #tpu.memory_space<hbm>> -> memref<82x128xi32, #tpu.memory_space<hbm>>
      %dma_wait3A_68 = arith.constant 0 : i32
      %dma_wait3A_69 = arith.constant 0 : i32
      %dma_wait3A_70 = tpu.memref_slice %arg3[%add3A, %dma_wait3A_68, %dma_wait3A_69] : memref<32x82x128xi32, #tpu.memory_space<hbm>> -> memref<1x82x128xi32, #tpu.memory_space<hbm>>
      %dma_wait3A_71 = tpu.memref_squeeze %dma_wait3A_70 : memref<1x82x128xi32, #tpu.memory_space<hbm>> -> memref<82x128xi32, #tpu.memory_space<hbm>>
      tpu.wait_dma2 semaphore(%run_scoped3A : memref<!tpu.dma_semaphore, #tpu.memory_space<semaphore_mem>>) src(%dma_wait3A_71 : memref<82x128xi32, #tpu.memory_space<hbm>>) dst(%arg7 : memref<82x128xi32, #tpu.memory_space<vmem>>)
      tpu.yield
    }) : () -> ()
    %barrier3A = arith.constant 0 : index
    tpu.barrier barrier_id(%barrier3A)
    %dma_start3A = arith.constant 0 : i32
    %dma_start3A_6 = arith.constant 0 : i32
    %dma_start3A_7 = tpu.memref_slice %arg7[%dma_start3A, %dma_start3A_6] : memref<82x128xi32, #tpu.memory_space<vmem>> -> memref<1x128xi32, #tpu.memory_space<vmem>>
    %dma_start3A_8 = tpu.memref_squeeze %dma_start3A_7 : memref<1x128xi32, #tpu.memory_space<vmem>> -> memref<128xi32, #tpu.memory_space<vmem>>
    %dma_start3A_9 = arith.constant 0 : i32
    %dma_start3A_10 = arith.constant 0 : i32
    %dma_start3A_11 = tpu.memref_slice %arg8[%dma_start3A_9, %dma_start3A_10] : memref<10240x16xf32, #tpu.memory_space<vmem_shared>> -> memref<10240x16xf32, #tpu.memory_space<vmem_shared>>
    tpu.enqueue_indirect_dma source(%arg6 : memref<128x16xf32, #tpu.memory_space<vmem>>) target(%dma_start3A_11 : memref<10240x16xf32, #tpu.memory_space<vmem_shared>>) offsets(%dma_start3A_8 : memref<128xi32, #tpu.memory_space<vmem>>) semaphore(%arg9 : memref<!tpu.dma_semaphore, #tpu.memory_space<semaphore_mem>>) {add = true}
    %dma_start3A_12 = arith.constant 1 : i32
    %dma_start3A_13 = arith.constant 0 : i32
    %dma_start3A_14 = tpu.memref_slice %arg7[%dma_start3A_12, %dma_start3A_13] : memref<82x128xi32, #tpu.memory_space<vmem>> -> memref<1x128xi32, #tpu.memory_space<vmem>>
    %dma_start3A_15 = tpu.memref_squeeze %dma_start3A_14 : memref<1x128xi32, #tpu.memory_space<vmem>> -> memref<128xi32, #tpu.memory_space<vmem>>
    %dma_start3A_16 = arith.constant 0 : i32
    %dma_start3A_17 = arith.constant 0 : i32
    %dma_start3A_18 = tpu.memref_slice %arg8[%dma_start3A_16, %dma_start3A_17] : memref<10240x16xf32, #tpu.memory_space<vmem_shared>> -> memref<10240x16xf32, #tpu.memory_space<vmem_shared>>
    tpu.enqueue_indirect_dma source(%arg6 : memref<128x16xf32, #tpu.memory_space<vmem>>) target(%dma_start3A_18 : memref<10240x16xf32, #tpu.memory_space<vmem_shared>>) offsets(%dma_start3A_15 : memref<128xi32, #tpu.memory_space<vmem>>) semaphore(%arg9 : memref<!tpu.dma_semaphore, #tpu.memory_space<semaphore_mem>>) {add = true}
    %dma_start3A_19 = arith.constant 2 : i32
    %dma_start3A_20 = arith.constant 0 : i32
    %dma_start3A_21 = tpu.memref_slice %arg7[%dma_start3A_19, %dma_start3A_20] : memref<82x128xi32, #tpu.memory_space<vmem>> -> memref<1x128xi32, #tpu.memory_space<vmem>>
    %dma_start3A_22 = tpu.memref_squeeze %dma_start3A_21 : memref<1x128xi32, #tpu.memory_space<vmem>> -> memref<128xi32, #tpu.memory_space<vmem>>
    %dma_start3A_23 = arith.constant 0 : i32
    %dma_start3A_24 = arith.constant 0 : i32
    %dma_start3A_25 = tpu.memref_slice %arg8[%dma_start3A_23, %dma_start3A_24] : memref<10240x16xf32, #tpu.memory_space<vmem_shared>> -> memref<10240x16xf32, #tpu.memory_space<vmem_shared>>
    tpu.enqueue_indirect_dma source(%arg6 : memref<128x16xf32, #tpu.memory_space<vmem>>) target(%dma_start3A_25 : memref<10240x16xf32, #tpu.memory_space<vmem_shared>>) offsets(%dma_start3A_22 : memref<128xi32, #tpu.memory_space<vmem>>) semaphore(%arg9 : memref<!tpu.dma_semaphore, #tpu.memory_space<semaphore_mem>>) {add = true}
    %dma_start3A_26 = arith.constant 3 : i32
    %dma_start3A_27 = arith.constant 0 : i32
    %dma_start3A_28 = tpu.memref_slice %arg7[%dma_start3A_26, %dma_start3A_27] : memref<82x128xi32, #tpu.memory_space<vmem>> -> memref<1x128xi32, #tpu.memory_space<vmem>>
    %dma_start3A_29 = tpu.memref_squeeze %dma_start3A_28 : memref<1x128xi32, #tpu.memory_space<vmem>> -> memref<128xi32, #tpu.memory_space<vmem>>
    %dma_start3A_30 = arith.constant 0 : i32
    %dma_start3A_31 = arith.constant 0 : i32
    %dma_start3A_32 = tpu.memref_slice %arg8[%dma_start3A_30, %dma_start3A_31] : memref<10240x16xf32, #tpu.memory_space<vmem_shared>> -> memref<10240x16xf32, #tpu.memory_space<vmem_shared>>
    tpu.enqueue_indirect_dma source(%arg6 : memref<128x16xf32, #tpu.memory_space<vmem>>) target(%dma_start3A_32 : memref<10240x16xf32, #tpu.memory_space<vmem_shared>>) offsets(%dma_start3A_29 : memref<128xi32, #tpu.memory_space<vmem>>) semaphore(%arg9 : memref<!tpu.dma_semaphore, #tpu.memory_space<semaphore_mem>>) {add = true}
    %sub3A = arith.constant 4 : i32
    %sub3A_33 = arith.subi %select_n3A_3, %sub3A : i32
    %while3A = arith.constant 0 : i32
    %while3A_34 = arith.subi %sub3A_33, %while3A : i32
    %while3A_35 = arith.addi %while3A, %while3A_34 : i32
    %while3A_36 = arith.constant 1 : i32
    %while3A_37 = arith.divsi %while3A_34, %while3A_36 : i32
    %while3A_38 = arith.muli %while3A_37, %while3A_36 : i32
    %while3A_39 = arith.addi %while3A, %while3A_38 : i32
    %while3A_40 = arith.constant 1 : i32
    scf.for %while3A_57 = %while3A to %while3A_39 step %while3A_40  : i32 {
      %dma_wait3A = arith.constant 0 : i32
      %dma_wait3A_58 = tpu.memref_slice %arg7[%while3A_57, %dma_wait3A] : memref<82x128xi32, #tpu.memory_space<vmem>> -> memref<1x128xi32, #tpu.memory_space<vmem>>
      %dma_wait3A_59 = tpu.memref_squeeze %dma_wait3A_58 : memref<1x128xi32, #tpu.memory_space<vmem>> -> memref<128xi32, #tpu.memory_space<vmem>>
      %dma_wait3A_60 = arith.constant 0 : i32
      %dma_wait3A_61 = arith.constant 0 : i32
      %dma_wait3A_62 = tpu.memref_slice %arg8[%dma_wait3A_60, %dma_wait3A_61] : memref<10240x16xf32, #tpu.memory_space<vmem_shared>> -> memref<10240x16xf32, #tpu.memory_space<vmem_shared>>
      tpu.wait_indirect_dma semaphore(%arg9 : memref<!tpu.dma_semaphore, #tpu.memory_space<semaphore_mem>>) src(%arg6 : memref<128x16xf32, #tpu.memory_space<vmem>>) dst(%dma_wait3A_62 : memref<10240x16xf32, #tpu.memory_space<vmem_shared>>)
      %add3A_63 = arith.constant 4 : i32
      %add3A_64 = arith.addi %while3A_57, %add3A_63 : i32
      %dma_start3A_65 = arith.constant 0 : i32
      %dma_start3A_66 = tpu.memref_slice %arg7[%add3A_64, %dma_start3A_65] : memref<82x128xi32, #tpu.memory_space<vmem>> -> memref<1x128xi32, #tpu.memory_space<vmem>>
      %dma_start3A_67 = tpu.memref_squeeze %dma_start3A_66 : memref<1x128xi32, #tpu.memory_space<vmem>> -> memref<128xi32, #tpu.memory_space<vmem>>
      %dma_start3A_68 = arith.constant 0 : i32
      %dma_start3A_69 = arith.constant 0 : i32
      %dma_start3A_70 = tpu.memref_slice %arg8[%dma_start3A_68, %dma_start3A_69] : memref<10240x16xf32, #tpu.memory_space<vmem_shared>> -> memref<10240x16xf32, #tpu.memory_space<vmem_shared>>
      tpu.enqueue_indirect_dma source(%arg6 : memref<128x16xf32, #tpu.memory_space<vmem>>) target(%dma_start3A_70 : memref<10240x16xf32, #tpu.memory_space<vmem_shared>>) offsets(%dma_start3A_67 : memref<128xi32, #tpu.memory_space<vmem>>) semaphore(%arg9 : memref<!tpu.dma_semaphore, #tpu.memory_space<semaphore_mem>>) {add = true}
    }
    %while3A_41 = arith.constant 1 : i32
    scf.for %while3A_57 = %while3A_39 to %while3A_35 step %while3A_41  : i32 {
      %dma_wait3A = arith.constant 0 : i32
      %dma_wait3A_58 = tpu.memref_slice %arg7[%while3A_57, %dma_wait3A] : memref<82x128xi32, #tpu.memory_space<vmem>> -> memref<1x128xi32, #tpu.memory_space<vmem>>
      %dma_wait3A_59 = tpu.memref_squeeze %dma_wait3A_58 : memref<1x128xi32, #tpu.memory_space<vmem>> -> memref<128xi32, #tpu.memory_space<vmem>>
      %dma_wait3A_60 = arith.constant 0 : i32
      %dma_wait3A_61 = arith.constant 0 : i32
      %dma_wait3A_62 = tpu.memref_slice %arg8[%dma_wait3A_60, %dma_wait3A_61] : memref<10240x16xf32, #tpu.memory_space<vmem_shared>> -> memref<10240x16xf32, #tpu.memory_space<vmem_shared>>
      tpu.wait_indirect_dma semaphore(%arg9 : memref<!tpu.dma_semaphore, #tpu.memory_space<semaphore_mem>>) src(%arg6 : memref<128x16xf32, #tpu.memory_space<vmem>>) dst(%dma_wait3A_62 : memref<10240x16xf32, #tpu.memory_space<vmem_shared>>)
      %add3A_63 = arith.constant 4 : i32
      %add3A_64 = arith.addi %while3A_57, %add3A_63 : i32
      %dma_start3A_65 = arith.constant 0 : i32
      %dma_start3A_66 = tpu.memref_slice %arg7[%add3A_64, %dma_start3A_65] : memref<82x128xi32, #tpu.memory_space<vmem>> -> memref<1x128xi32, #tpu.memory_space<vmem>>
      %dma_start3A_67 = tpu.memref_squeeze %dma_start3A_66 : memref<1x128xi32, #tpu.memory_space<vmem>> -> memref<128xi32, #tpu.memory_space<vmem>>
      %dma_start3A_68 = arith.constant 0 : i32
      %dma_start3A_69 = arith.constant 0 : i32
      %dma_start3A_70 = tpu.memref_slice %arg8[%dma_start3A_68, %dma_start3A_69] : memref<10240x16xf32, #tpu.memory_space<vmem_shared>> -> memref<10240x16xf32, #tpu.memory_space<vmem_shared>>
      tpu.enqueue_indirect_dma source(%arg6 : memref<128x16xf32, #tpu.memory_space<vmem>>) target(%dma_start3A_70 : memref<10240x16xf32, #tpu.memory_space<vmem_shared>>) offsets(%dma_start3A_67 : memref<128xi32, #tpu.memory_space<vmem>>) semaphore(%arg9 : memref<!tpu.dma_semaphore, #tpu.memory_space<semaphore_mem>>) {add = true}
    }
    %sub3A_42 = arith.constant 4 : i32
    %sub3A_43 = arith.subi %select_n3A_3, %sub3A_42 : i32
    %while3A_44 = arith.subi %select_n3A_3, %sub3A_43 : i32
    %while3A_45 = arith.addi %sub3A_43, %while3A_44 : i32
    %while3A_46 = arith.constant 1 : i32
    %while3A_47 = arith.divsi %while3A_44, %while3A_46 : i32
    %while3A_48 = arith.muli %while3A_47, %while3A_46 : i32
    %while3A_49 = arith.addi %sub3A_43, %while3A_48 : i32
    %while3A_50 = arith.constant 1 : i32
    scf.for %while3A_57 = %sub3A_43 to %while3A_49 step %while3A_50  : i32 {
      %dma_wait3A = arith.constant 0 : i32
      %dma_wait3A_58 = tpu.memref_slice %arg7[%while3A_57, %dma_wait3A] : memref<82x128xi32, #tpu.memory_space<vmem>> -> memref<1x128xi32, #tpu.memory_space<vmem>>
      %dma_wait3A_59 = tpu.memref_squeeze %dma_wait3A_58 : memref<1x128xi32, #tpu.memory_space<vmem>> -> memref<128xi32, #tpu.memory_space<vmem>>
      %dma_wait3A_60 = arith.constant 0 : i32
      %dma_wait3A_61 = arith.constant 0 : i32
      %dma_wait3A_62 = tpu.memref_slice %arg8[%dma_wait3A_60, %dma_wait3A_61] : memref<10240x16xf32, #tpu.memory_space<vmem_shared>> -> memref<10240x16xf32, #tpu.memory_space<vmem_shared>>
      tpu.wait_indirect_dma semaphore(%arg9 : memref<!tpu.dma_semaphore, #tpu.memory_space<semaphore_mem>>) src(%arg6 : memref<128x16xf32, #tpu.memory_space<vmem>>) dst(%dma_wait3A_62 : memref<10240x16xf32, #tpu.memory_space<vmem_shared>>)
    }
    %while3A_51 = arith.constant 1 : i32
    scf.for %while3A_57 = %while3A_49 to %while3A_45 step %while3A_51  : i32 {
      %dma_wait3A = arith.constant 0 : i32
      %dma_wait3A_58 = tpu.memref_slice %arg7[%while3A_57, %dma_wait3A] : memref<82x128xi32, #tpu.memory_space<vmem>> -> memref<1x128xi32, #tpu.memory_space<vmem>>
      %dma_wait3A_59 = tpu.memref_squeeze %dma_wait3A_58 : memref<1x128xi32, #tpu.memory_space<vmem>> -> memref<128xi32, #tpu.memory_space<vmem>>
      %dma_wait3A_60 = arith.constant 0 : i32
      %dma_wait3A_61 = arith.constant 0 : i32
      %dma_wait3A_62 = tpu.memref_slice %arg8[%dma_wait3A_60, %dma_wait3A_61] : memref<10240x16xf32, #tpu.memory_space<vmem_shared>> -> memref<10240x16xf32, #tpu.memory_space<vmem_shared>>
      tpu.wait_indirect_dma semaphore(%arg9 : memref<!tpu.dma_semaphore, #tpu.memory_space<semaphore_mem>>) src(%arg6 : memref<128x16xf32, #tpu.memory_space<vmem>>) dst(%dma_wait3A_62 : memref<10240x16xf32, #tpu.memory_space<vmem_shared>>)
    }
    %barrier3A_52 = arith.constant 0 : index
    tpu.barrier barrier_id(%barrier3A_52)
    %mul3A_53 = arith.constant 640 : i32
    %mul3A_54 = arith.muli %arg1, %mul3A_53 : i32
    %mul3A_55 = arith.constant 640 : i32
    %mul3A_56 = arith.muli %arg1, %mul3A_55 : i32
    "tpu.region"() ({
      %run_scoped3A = tpu.sem_alloc : memref<!tpu.dma_semaphore, #tpu.memory_space<semaphore_mem>>
      %dma_start3A_57 = arith.constant 0 : i32
      %dma_start3A_58 = tpu.memref_slice %arg5[%arg0, %mul3A_56, %dma_start3A_57] : memref<2x10240x16xf32, #tpu.memory_space<hbm>> -> memref<1x640x16xf32, #tpu.memory_space<hbm>>
      %dma_start3A_59 = tpu.memref_squeeze %dma_start3A_58 : memref<1x640x16xf32, #tpu.memory_space<hbm>> -> memref<640x16xf32, #tpu.memory_space<hbm>>
      %dma_start3A_60 = arith.constant 0 : i32
      %dma_start3A_61 = tpu.memref_slice %arg8[%mul3A_54, %dma_start3A_60] : memref<10240x16xf32, #tpu.memory_space<vmem_shared>> -> memref<640x16xf32, #tpu.memory_space<vmem_shared>>
      tpu.enqueue_dma source(%dma_start3A_61 : memref<640x16xf32, #tpu.memory_space<vmem_shared>>) target(%dma_start3A_59 : memref<640x16xf32, #tpu.memory_space<hbm>>) target_semaphore(%run_scoped3A : memref<!tpu.dma_semaphore, #tpu.memory_space<semaphore_mem>>)
      %dma_wait3A = arith.constant 0 : i32
      %dma_wait3A_62 = tpu.memref_slice %arg5[%arg0, %mul3A_56, %dma_wait3A] : memref<2x10240x16xf32, #tpu.memory_space<hbm>> -> memref<1x640x16xf32, #tpu.memory_space<hbm>>
      %dma_wait3A_63 = tpu.memref_squeeze %dma_wait3A_62 : memref<1x640x16xf32, #tpu.memory_space<hbm>> -> memref<640x16xf32, #tpu.memory_space<hbm>>
      %dma_wait3A_64 = arith.constant 0 : i32
      %dma_wait3A_65 = tpu.memref_slice %arg8[%mul3A_54, %dma_wait3A_64] : memref<10240x16xf32, #tpu.memory_space<vmem_shared>> -> memref<640x16xf32, #tpu.memory_space<vmem_shared>>
      tpu.wait_dma2 semaphore(%run_scoped3A : memref<!tpu.dma_semaphore, #tpu.memory_space<semaphore_mem>>) src(%dma_wait3A_65 : memref<640x16xf32, #tpu.memory_space<vmem_shared>>) dst(%dma_wait3A_63 : memref<640x16xf32, #tpu.memory_space<hbm>>)
      tpu.yield
    }) : () -> ()
    return
  }
}

#map = affine_map<(d0, d1) -> (0, 0)>
#map1 = affine_map<(d0, d1) -> (0, 0, 0)>
module attributes {stable_mosaic.version = 14 : i64} {
  func.func @_seg_body(%arg0: i32, %arg1: i32, %arg2: memref<10240x16xf32, #tpu.memory_space<hbm>>, %arg3: memref<32x82x128xi32, #tpu.memory_space<hbm>>, %arg4: memref<32x82x128xi32, #tpu.memory_space<hbm>>, %arg5: memref<640x16xf32, #tpu.memory_space<hbm>>, %arg6: memref<2x10240x16xf32, #tpu.memory_space<hbm>>, %arg7: memref<82x128xi32, #tpu.memory_space<vmem>>, %arg8: memref<82x128xi32, #tpu.memory_space<vmem>>, %arg9: memref<2x128x16xf32, #tpu.memory_space<vmem>>, %arg10: memref<10240x16xf32, #tpu.memory_space<vmem_shared>>, %arg11: memref<10240x16xf32, #tpu.memory_space<vmem_shared>>, %arg12: memref<!tpu.dma_semaphore, #tpu.memory_space<semaphore_mem>>, %arg13: memref<!tpu.dma_semaphore, #tpu.memory_space<semaphore_mem>>) attributes {dimension_semantics = [#tpu.dimension_semantics<core_parallel>, #tpu.dimension_semantics<subcore_parallel>], iteration_bounds = array<i64: 2, 16>, scalar_prefetch = 0 : i64, scratch_operands = 7 : i64, tpu.core_type = #tpu.core_type<sc_vector_subcore>, window_params = [{transform_indices = #map}, {transform_indices = #map1}, {transform_indices = #map1}, {transform_indices = #map}, {transform_indices = #map1}]} {
    %mul3A = arith.constant 2 : i32
    %mul3A_0 = arith.muli %arg1, %mul3A : i32
    %add3A = arith.addi %mul3A_0, %arg0 : i32
    %eq3A = arith.constant 0 : i32
    %eq3A_1 = arith.cmpi eq, %arg0, %eq3A : i32
    %select_n3A = arith.constant 82 : i32
    %select_n3A_2 = arith.constant 82 : i32
    %select_n3A_3 = arith.select %eq3A_1, %select_n3A_2, %select_n3A : i32
    %mul3A_4 = arith.constant 640 : i32
    %mul3A_5 = arith.muli %arg1, %mul3A_4 : i32
    "tpu.region"() ({
      %run_scoped3A = tpu.sem_alloc : memref<!tpu.dma_semaphore, #tpu.memory_space<semaphore_mem>>
      %dma_start3A_63 = arith.constant 0 : i32
      %dma_start3A_64 = tpu.memref_slice %arg10[%mul3A_5, %dma_start3A_63] : memref<10240x16xf32, #tpu.memory_space<vmem_shared>> -> memref<640x16xf32, #tpu.memory_space<vmem_shared>>
      tpu.enqueue_dma source(%arg5 : memref<640x16xf32, #tpu.memory_space<hbm>>) target(%dma_start3A_64 : memref<640x16xf32, #tpu.memory_space<vmem_shared>>) target_semaphore(%run_scoped3A : memref<!tpu.dma_semaphore, #tpu.memory_space<semaphore_mem>>)
      %dma_wait3A = arith.constant 0 : i32
      %dma_wait3A_65 = tpu.memref_slice %arg10[%mul3A_5, %dma_wait3A] : memref<10240x16xf32, #tpu.memory_space<vmem_shared>> -> memref<640x16xf32, #tpu.memory_space<vmem_shared>>
      tpu.wait_dma2 semaphore(%run_scoped3A : memref<!tpu.dma_semaphore, #tpu.memory_space<semaphore_mem>>) src(%arg5 : memref<640x16xf32, #tpu.memory_space<hbm>>) dst(%dma_wait3A_65 : memref<640x16xf32, #tpu.memory_space<vmem_shared>>)
      tpu.yield
    }) : () -> ()
    %mul3A_6 = arith.constant 640 : i32
    %mul3A_7 = arith.muli %arg1, %mul3A_6 : i32
    %mul3A_8 = arith.constant 640 : i32
    %mul3A_9 = arith.muli %arg1, %mul3A_8 : i32
    "tpu.region"() ({
      %run_scoped3A = tpu.sem_alloc : memref<!tpu.dma_semaphore, #tpu.memory_space<semaphore_mem>>
      %dma_start3A_63 = arith.constant 0 : i32
      %dma_start3A_64 = tpu.memref_slice %arg11[%mul3A_9, %dma_start3A_63] : memref<10240x16xf32, #tpu.memory_space<vmem_shared>> -> memref<640x16xf32, #tpu.memory_space<vmem_shared>>
      %dma_start3A_65 = arith.constant 0 : i32
      %dma_start3A_66 = tpu.memref_slice %arg2[%mul3A_7, %dma_start3A_65] : memref<10240x16xf32, #tpu.memory_space<hbm>> -> memref<640x16xf32, #tpu.memory_space<hbm>>
      tpu.enqueue_dma source(%dma_start3A_66 : memref<640x16xf32, #tpu.memory_space<hbm>>) target(%dma_start3A_64 : memref<640x16xf32, #tpu.memory_space<vmem_shared>>) target_semaphore(%run_scoped3A : memref<!tpu.dma_semaphore, #tpu.memory_space<semaphore_mem>>)
      %dma_wait3A = arith.constant 0 : i32
      %dma_wait3A_67 = tpu.memref_slice %arg11[%mul3A_9, %dma_wait3A] : memref<10240x16xf32, #tpu.memory_space<vmem_shared>> -> memref<640x16xf32, #tpu.memory_space<vmem_shared>>
      %dma_wait3A_68 = arith.constant 0 : i32
      %dma_wait3A_69 = tpu.memref_slice %arg2[%mul3A_7, %dma_wait3A_68] : memref<10240x16xf32, #tpu.memory_space<hbm>> -> memref<640x16xf32, #tpu.memory_space<hbm>>
      tpu.wait_dma2 semaphore(%run_scoped3A : memref<!tpu.dma_semaphore, #tpu.memory_space<semaphore_mem>>) src(%dma_wait3A_69 : memref<640x16xf32, #tpu.memory_space<hbm>>) dst(%dma_wait3A_67 : memref<640x16xf32, #tpu.memory_space<vmem_shared>>)
      tpu.yield
    }) : () -> ()
    "tpu.region"() ({
      %run_scoped3A = tpu.sem_alloc : memref<!tpu.dma_semaphore, #tpu.memory_space<semaphore_mem>>
      %dma_start3A_63 = arith.constant 0 : i32
      %dma_start3A_64 = arith.constant 0 : i32
      %dma_start3A_65 = tpu.memref_slice %arg3[%add3A, %dma_start3A_63, %dma_start3A_64] : memref<32x82x128xi32, #tpu.memory_space<hbm>> -> memref<1x82x128xi32, #tpu.memory_space<hbm>>
      %dma_start3A_66 = tpu.memref_squeeze %dma_start3A_65 : memref<1x82x128xi32, #tpu.memory_space<hbm>> -> memref<82x128xi32, #tpu.memory_space<hbm>>
      %dma_start3A_67 = arith.constant 0 : i32
      %dma_start3A_68 = arith.constant 0 : i32
      %dma_start3A_69 = tpu.memref_slice %arg3[%add3A, %dma_start3A_67, %dma_start3A_68] : memref<32x82x128xi32, #tpu.memory_space<hbm>> -> memref<1x82x128xi32, #tpu.memory_space<hbm>>
      %dma_start3A_70 = tpu.memref_squeeze %dma_start3A_69 : memref<1x82x128xi32, #tpu.memory_space<hbm>> -> memref<82x128xi32, #tpu.memory_space<hbm>>
      tpu.enqueue_dma source(%dma_start3A_70 : memref<82x128xi32, #tpu.memory_space<hbm>>) target(%arg7 : memref<82x128xi32, #tpu.memory_space<vmem>>) target_semaphore(%run_scoped3A : memref<!tpu.dma_semaphore, #tpu.memory_space<semaphore_mem>>)
      %dma_wait3A = arith.constant 0 : i32
      %dma_wait3A_71 = arith.constant 0 : i32
      %dma_wait3A_72 = tpu.memref_slice %arg3[%add3A, %dma_wait3A, %dma_wait3A_71] : memref<32x82x128xi32, #tpu.memory_space<hbm>> -> memref<1x82x128xi32, #tpu.memory_space<hbm>>
      %dma_wait3A_73 = tpu.memref_squeeze %dma_wait3A_72 : memref<1x82x128xi32, #tpu.memory_space<hbm>> -> memref<82x128xi32, #tpu.memory_space<hbm>>
      %dma_wait3A_74 = arith.constant 0 : i32
      %dma_wait3A_75 = arith.constant 0 : i32
      %dma_wait3A_76 = tpu.memref_slice %arg3[%add3A, %dma_wait3A_74, %dma_wait3A_75] : memref<32x82x128xi32, #tpu.memory_space<hbm>> -> memref<1x82x128xi32, #tpu.memory_space<hbm>>
      %dma_wait3A_77 = tpu.memref_squeeze %dma_wait3A_76 : memref<1x82x128xi32, #tpu.memory_space<hbm>> -> memref<82x128xi32, #tpu.memory_space<hbm>>
      tpu.wait_dma2 semaphore(%run_scoped3A : memref<!tpu.dma_semaphore, #tpu.memory_space<semaphore_mem>>) src(%dma_wait3A_77 : memref<82x128xi32, #tpu.memory_space<hbm>>) dst(%arg7 : memref<82x128xi32, #tpu.memory_space<vmem>>)
      tpu.yield
    }) : () -> ()
    "tpu.region"() ({
      %run_scoped3A = tpu.sem_alloc : memref<!tpu.dma_semaphore, #tpu.memory_space<semaphore_mem>>
      %dma_start3A_63 = arith.constant 0 : i32
      %dma_start3A_64 = arith.constant 0 : i32
      %dma_start3A_65 = tpu.memref_slice %arg4[%add3A, %dma_start3A_63, %dma_start3A_64] : memref<32x82x128xi32, #tpu.memory_space<hbm>> -> memref<1x82x128xi32, #tpu.memory_space<hbm>>
      %dma_start3A_66 = tpu.memref_squeeze %dma_start3A_65 : memref<1x82x128xi32, #tpu.memory_space<hbm>> -> memref<82x128xi32, #tpu.memory_space<hbm>>
      %dma_start3A_67 = arith.constant 0 : i32
      %dma_start3A_68 = arith.constant 0 : i32
      %dma_start3A_69 = tpu.memref_slice %arg4[%add3A, %dma_start3A_67, %dma_start3A_68] : memref<32x82x128xi32, #tpu.memory_space<hbm>> -> memref<1x82x128xi32, #tpu.memory_space<hbm>>
      %dma_start3A_70 = tpu.memref_squeeze %dma_start3A_69 : memref<1x82x128xi32, #tpu.memory_space<hbm>> -> memref<82x128xi32, #tpu.memory_space<hbm>>
      tpu.enqueue_dma source(%dma_start3A_70 : memref<82x128xi32, #tpu.memory_space<hbm>>) target(%arg8 : memref<82x128xi32, #tpu.memory_space<vmem>>) target_semaphore(%run_scoped3A : memref<!tpu.dma_semaphore, #tpu.memory_space<semaphore_mem>>)
      %dma_wait3A = arith.constant 0 : i32
      %dma_wait3A_71 = arith.constant 0 : i32
      %dma_wait3A_72 = tpu.memref_slice %arg4[%add3A, %dma_wait3A, %dma_wait3A_71] : memref<32x82x128xi32, #tpu.memory_space<hbm>> -> memref<1x82x128xi32, #tpu.memory_space<hbm>>
      %dma_wait3A_73 = tpu.memref_squeeze %dma_wait3A_72 : memref<1x82x128xi32, #tpu.memory_space<hbm>> -> memref<82x128xi32, #tpu.memory_space<hbm>>
      %dma_wait3A_74 = arith.constant 0 : i32
      %dma_wait3A_75 = arith.constant 0 : i32
      %dma_wait3A_76 = tpu.memref_slice %arg4[%add3A, %dma_wait3A_74, %dma_wait3A_75] : memref<32x82x128xi32, #tpu.memory_space<hbm>> -> memref<1x82x128xi32, #tpu.memory_space<hbm>>
      %dma_wait3A_77 = tpu.memref_squeeze %dma_wait3A_76 : memref<1x82x128xi32, #tpu.memory_space<hbm>> -> memref<82x128xi32, #tpu.memory_space<hbm>>
      tpu.wait_dma2 semaphore(%run_scoped3A : memref<!tpu.dma_semaphore, #tpu.memory_space<semaphore_mem>>) src(%dma_wait3A_77 : memref<82x128xi32, #tpu.memory_space<hbm>>) dst(%arg8 : memref<82x128xi32, #tpu.memory_space<vmem>>)
      tpu.yield
    }) : () -> ()
    %barrier3A = arith.constant 0 : index
    tpu.barrier barrier_id(%barrier3A)
    %dma_start3A = arith.constant 0 : i32
    %dma_start3A_10 = arith.constant 0 : i32
    %dma_start3A_11 = arith.constant 0 : i32
    %dma_start3A_12 = arith.constant 0 : i32
    %dma_start3A_13 = tpu.memref_slice %arg9[%dma_start3A_10, %dma_start3A_11, %dma_start3A_12] : memref<2x128x16xf32, #tpu.memory_space<vmem>> -> memref<1x128x16xf32, #tpu.memory_space<vmem>>
    %dma_start3A_14 = tpu.memref_squeeze %dma_start3A_13 : memref<1x128x16xf32, #tpu.memory_space<vmem>> -> memref<128x16xf32, #tpu.memory_space<vmem>>
    %dma_start3A_15 = arith.constant 0 : i32
    %dma_start3A_16 = tpu.memref_slice %arg7[%dma_start3A, %dma_start3A_15] : memref<82x128xi32, #tpu.memory_space<vmem>> -> memref<1x128xi32, #tpu.memory_space<vmem>>
    %dma_start3A_17 = tpu.memref_squeeze %dma_start3A_16 : memref<1x128xi32, #tpu.memory_space<vmem>> -> memref<128xi32, #tpu.memory_space<vmem>>
    %dma_start3A_18 = arith.constant 0 : i32
    %dma_start3A_19 = arith.constant 0 : i32
    %dma_start3A_20 = tpu.memref_slice %arg11[%dma_start3A_18, %dma_start3A_19] : memref<10240x16xf32, #tpu.memory_space<vmem_shared>> -> memref<10240x16xf32, #tpu.memory_space<vmem_shared>>
    tpu.enqueue_indirect_dma source(%dma_start3A_20 : memref<10240x16xf32, #tpu.memory_space<vmem_shared>>) target(%dma_start3A_14 : memref<128x16xf32, #tpu.memory_space<vmem>>) offsets(%dma_start3A_17 : memref<128xi32, #tpu.memory_space<vmem>>) semaphore(%arg12 : memref<!tpu.dma_semaphore, #tpu.memory_space<semaphore_mem>>)
    %dma_start3A_21 = arith.constant 1 : i32
    %dma_start3A_22 = arith.constant 1 : i32
    %dma_start3A_23 = arith.constant 0 : i32
    %dma_start3A_24 = arith.constant 0 : i32
    %dma_start3A_25 = tpu.memref_slice %arg9[%dma_start3A_22, %dma_start3A_23, %dma_start3A_24] : memref<2x128x16xf32, #tpu.memory_space<vmem>> -> memref<1x128x16xf32, #tpu.memory_space<vmem>>
    %dma_start3A_26 = tpu.memref_squeeze %dma_start3A_25 : memref<1x128x16xf32, #tpu.memory_space<vmem>> -> memref<128x16xf32, #tpu.memory_space<vmem>>
    %dma_start3A_27 = arith.constant 0 : i32
    %dma_start3A_28 = tpu.memref_slice %arg7[%dma_start3A_21, %dma_start3A_27] : memref<82x128xi32, #tpu.memory_space<vmem>> -> memref<1x128xi32, #tpu.memory_space<vmem>>
    %dma_start3A_29 = tpu.memref_squeeze %dma_start3A_28 : memref<1x128xi32, #tpu.memory_space<vmem>> -> memref<128xi32, #tpu.memory_space<vmem>>
    %dma_start3A_30 = arith.constant 0 : i32
    %dma_start3A_31 = arith.constant 0 : i32
    %dma_start3A_32 = tpu.memref_slice %arg11[%dma_start3A_30, %dma_start3A_31] : memref<10240x16xf32, #tpu.memory_space<vmem_shared>> -> memref<10240x16xf32, #tpu.memory_space<vmem_shared>>
    tpu.enqueue_indirect_dma source(%dma_start3A_32 : memref<10240x16xf32, #tpu.memory_space<vmem_shared>>) target(%dma_start3A_26 : memref<128x16xf32, #tpu.memory_space<vmem>>) offsets(%dma_start3A_29 : memref<128xi32, #tpu.memory_space<vmem>>) semaphore(%arg13 : memref<!tpu.dma_semaphore, #tpu.memory_space<semaphore_mem>>)
    %jit3A = arith.constant 2 : i32
    %div3A = arith.divsi %select_n3A_3, %jit3A : i32
    %sign3A = arith.constant 0 : i32
    %sign3A_33 = arith.cmpi sgt, %select_n3A_3, %sign3A : i32
    %sign3A_34 = arith.extui %sign3A_33 : i1 to i32
    %sign3A_35 = arith.constant 0 : i32
    %sign3A_36 = arith.cmpi slt, %select_n3A_3, %sign3A_35 : i32
    %sign3A_37 = arith.extui %sign3A_36 : i1 to i32
    %sign3A_38 = arith.subi %sign3A_34, %sign3A_37 : i32
    %sign3A_39 = arith.constant 0 : i32
    %sign3A_40 = arith.cmpi sgt, %jit3A, %sign3A_39 : i32
    %sign3A_41 = arith.extui %sign3A_40 : i1 to i32
    %sign3A_42 = arith.constant 0 : i32
    %sign3A_43 = arith.cmpi slt, %jit3A, %sign3A_42 : i32
    %sign3A_44 = arith.extui %sign3A_43 : i1 to i32
    %sign3A_45 = arith.subi %sign3A_41, %sign3A_44 : i32
    %ne3A = arith.cmpi ne, %sign3A_38, %sign3A_45 : i32
    %rem3A = arith.remsi %select_n3A_3, %jit3A : i32
    %ne3A_46 = arith.constant 0 : i32
    %ne3A_47 = arith.cmpi ne, %rem3A, %ne3A_46 : i32
    %and3A = arith.andi %ne3A, %ne3A_47 : i1
    %sub3A = arith.constant 1 : i32
    %sub3A_48 = arith.subi %div3A, %sub3A : i32
    %select_n3A_49 = arith.select %and3A, %sub3A_48, %div3A : i32
    %while3A = arith.constant 0 : i32
    %while3A_50 = arith.subi %select_n3A_49, %while3A : i32
    %while3A_51 = arith.addi %while3A, %while3A_50 : i32
    %while3A_52 = arith.constant 1 : i32
    %while3A_53 = arith.divsi %while3A_50, %while3A_52 : i32
    %while3A_54 = arith.muli %while3A_53, %while3A_52 : i32
    %while3A_55 = arith.addi %while3A, %while3A_54 : i32
    %while3A_56 = arith.constant 1 : i32
    scf.for %while3A_63 = %while3A to %while3A_55 step %while3A_56  : i32 {
      %mul3A_64 = arith.constant 2 : i32
      %mul3A_65 = arith.muli %while3A_63, %mul3A_64 : i32
      %add3A_66 = arith.constant 0 : i32
      %add3A_67 = arith.addi %mul3A_65, %add3A_66 : i32
      %dma_wait3A = arith.constant 0 : i32
      %dma_wait3A_68 = arith.constant 0 : i32
      %dma_wait3A_69 = arith.constant 0 : i32
      %dma_wait3A_70 = tpu.memref_slice %arg9[%dma_wait3A, %dma_wait3A_68, %dma_wait3A_69] : memref<2x128x16xf32, #tpu.memory_space<vmem>> -> memref<1x128x16xf32, #tpu.memory_space<vmem>>
      %dma_wait3A_71 = tpu.memref_squeeze %dma_wait3A_70 : memref<1x128x16xf32, #tpu.memory_space<vmem>> -> memref<128x16xf32, #tpu.memory_space<vmem>>
      %dma_wait3A_72 = arith.constant 0 : i32
      %dma_wait3A_73 = tpu.memref_slice %arg7[%add3A_67, %dma_wait3A_72] : memref<82x128xi32, #tpu.memory_space<vmem>> -> memref<1x128xi32, #tpu.memory_space<vmem>>
      %dma_wait3A_74 = tpu.memref_squeeze %dma_wait3A_73 : memref<1x128xi32, #tpu.memory_space<vmem>> -> memref<128xi32, #tpu.memory_space<vmem>>
      %dma_wait3A_75 = arith.constant 0 : i32
      %dma_wait3A_76 = arith.constant 0 : i32
      %dma_wait3A_77 = tpu.memref_slice %arg11[%dma_wait3A_75, %dma_wait3A_76] : memref<10240x16xf32, #tpu.memory_space<vmem_shared>> -> memref<10240x16xf32, #tpu.memory_space<vmem_shared>>
      tpu.wait_indirect_dma semaphore(%arg12 : memref<!tpu.dma_semaphore, #tpu.memory_space<semaphore_mem>>) src(%dma_wait3A_77 : memref<10240x16xf32, #tpu.memory_space<vmem_shared>>) dst(%dma_wait3A_71 : memref<128x16xf32, #tpu.memory_space<vmem>>)
      %run_scoped3A = arith.constant 0 : i32
      "tpu.region"() ({
        %run_scoped3A_101 = tpu.sem_alloc : memref<!tpu.dma_semaphore, #tpu.memory_space<semaphore_mem>>
        %dma_start3A_102 = arith.constant 0 : i32
        %dma_start3A_103 = arith.constant 0 : i32
        %dma_start3A_104 = tpu.memref_slice %arg9[%run_scoped3A, %dma_start3A_102, %dma_start3A_103] : memref<2x128x16xf32, #tpu.memory_space<vmem>> -> memref<1x128x16xf32, #tpu.memory_space<vmem>>
        %dma_start3A_105 = tpu.memref_squeeze %dma_start3A_104 : memref<1x128x16xf32, #tpu.memory_space<vmem>> -> memref<128x16xf32, #tpu.memory_space<vmem>>
        %dma_start3A_106 = arith.constant 0 : i32
        %dma_start3A_107 = tpu.memref_slice %arg8[%add3A_67, %dma_start3A_106] : memref<82x128xi32, #tpu.memory_space<vmem>> -> memref<1x128xi32, #tpu.memory_space<vmem>>
        %dma_start3A_108 = tpu.memref_squeeze %dma_start3A_107 : memref<1x128xi32, #tpu.memory_space<vmem>> -> memref<128xi32, #tpu.memory_space<vmem>>
        %dma_start3A_109 = arith.constant 0 : i32
        %dma_start3A_110 = arith.constant 0 : i32
        %dma_start3A_111 = tpu.memref_slice %arg10[%dma_start3A_109, %dma_start3A_110] : memref<10240x16xf32, #tpu.memory_space<vmem_shared>> -> memref<10240x16xf32, #tpu.memory_space<vmem_shared>>
        tpu.enqueue_indirect_dma source(%dma_start3A_105 : memref<128x16xf32, #tpu.memory_space<vmem>>) target(%dma_start3A_111 : memref<10240x16xf32, #tpu.memory_space<vmem_shared>>) offsets(%dma_start3A_108 : memref<128xi32, #tpu.memory_space<vmem>>) semaphore(%run_scoped3A_101 : memref<!tpu.dma_semaphore, #tpu.memory_space<semaphore_mem>>) {add = true}
        %dma_wait3A_112 = arith.constant 0 : i32
        %dma_wait3A_113 = arith.constant 0 : i32
        %dma_wait3A_114 = tpu.memref_slice %arg9[%run_scoped3A, %dma_wait3A_112, %dma_wait3A_113] : memref<2x128x16xf32, #tpu.memory_space<vmem>> -> memref<1x128x16xf32, #tpu.memory_space<vmem>>
        %dma_wait3A_115 = tpu.memref_squeeze %dma_wait3A_114 : memref<1x128x16xf32, #tpu.memory_space<vmem>> -> memref<128x16xf32, #tpu.memory_space<vmem>>
        %dma_wait3A_116 = arith.constant 0 : i32
        %dma_wait3A_117 = tpu.memref_slice %arg8[%add3A_67, %dma_wait3A_116] : memref<82x128xi32, #tpu.memory_space<vmem>> -> memref<1x128xi32, #tpu.memory_space<vmem>>
        %dma_wait3A_118 = tpu.memref_squeeze %dma_wait3A_117 : memref<1x128xi32, #tpu.memory_space<vmem>> -> memref<128xi32, #tpu.memory_space<vmem>>
        %dma_wait3A_119 = arith.constant 0 : i32
        %dma_wait3A_120 = arith.constant 0 : i32
        %dma_wait3A_121 = tpu.memref_slice %arg10[%dma_wait3A_119, %dma_wait3A_120] : memref<10240x16xf32, #tpu.memory_space<vmem_shared>> -> memref<10240x16xf32, #tpu.memory_space<vmem_shared>>
        tpu.wait_indirect_dma semaphore(%run_scoped3A_101 : memref<!tpu.dma_semaphore, #tpu.memory_space<semaphore_mem>>) src(%dma_wait3A_115 : memref<128x16xf32, #tpu.memory_space<vmem>>) dst(%dma_wait3A_121 : memref<10240x16xf32, #tpu.memory_space<vmem_shared>>)
        tpu.yield
      }) : () -> ()
      %add3A_78 = arith.constant 2 : i32
      %add3A_79 = arith.addi %add3A_67, %add3A_78 : i32
      %lt3A = arith.cmpi slt, %add3A_79, %select_n3A_3 : i32
      %convert_element_type3A = arith.extui %lt3A : i1 to i32
      %cond3A = arith.constant 0 : i32
      %cond3A_80 = arith.cmpi ne, %convert_element_type3A, %cond3A : i32
      scf.if %cond3A_80 {
        %dma_start3A_101 = arith.constant 0 : i32
        %dma_start3A_102 = arith.constant 0 : i32
        %dma_start3A_103 = arith.constant 0 : i32
        %dma_start3A_104 = tpu.memref_slice %arg9[%dma_start3A_101, %dma_start3A_102, %dma_start3A_103] : memref<2x128x16xf32, #tpu.memory_space<vmem>> -> memref<1x128x16xf32, #tpu.memory_space<vmem>>
        %dma_start3A_105 = tpu.memref_squeeze %dma_start3A_104 : memref<1x128x16xf32, #tpu.memory_space<vmem>> -> memref<128x16xf32, #tpu.memory_space<vmem>>
        %dma_start3A_106 = arith.constant 0 : i32
        %dma_start3A_107 = tpu.memref_slice %arg7[%add3A_79, %dma_start3A_106] : memref<82x128xi32, #tpu.memory_space<vmem>> -> memref<1x128xi32, #tpu.memory_space<vmem>>
        %dma_start3A_108 = tpu.memref_squeeze %dma_start3A_107 : memref<1x128xi32, #tpu.memory_space<vmem>> -> memref<128xi32, #tpu.memory_space<vmem>>
        %dma_start3A_109 = arith.constant 0 : i32
        %dma_start3A_110 = arith.constant 0 : i32
        %dma_start3A_111 = tpu.memref_slice %arg11[%dma_start3A_109, %dma_start3A_110] : memref<10240x16xf32, #tpu.memory_space<vmem_shared>> -> memref<10240x16xf32, #tpu.memory_space<vmem_shared>>
        tpu.enqueue_indirect_dma source(%dma_start3A_111 : memref<10240x16xf32, #tpu.memory_space<vmem_shared>>) target(%dma_start3A_105 : memref<128x16xf32, #tpu.memory_space<vmem>>) offsets(%dma_start3A_108 : memref<128xi32, #tpu.memory_space<vmem>>) semaphore(%arg12 : memref<!tpu.dma_semaphore, #tpu.memory_space<semaphore_mem>>)
      } else {
      }
      %add3A_81 = arith.constant 1 : i32
      %add3A_82 = arith.addi %mul3A_65, %add3A_81 : i32
      %dma_wait3A_83 = arith.constant 1 : i32
      %dma_wait3A_84 = arith.constant 0 : i32
      %dma_wait3A_85 = arith.constant 0 : i32
      %dma_wait3A_86 = tpu.memref_slice %arg9[%dma_wait3A_83, %dma_wait3A_84, %dma_wait3A_85] : memref<2x128x16xf32, #tpu.memory_space<vmem>> -> memref<1x128x16xf32, #tpu.memory_space<vmem>>
      %dma_wait3A_87 = tpu.memref_squeeze %dma_wait3A_86 : memref<1x128x16xf32, #tpu.memory_space<vmem>> -> memref<128x16xf32, #tpu.memory_space<vmem>>
      %dma_wait3A_88 = arith.constant 0 : i32
      %dma_wait3A_89 = tpu.memref_slice %arg7[%add3A_82, %dma_wait3A_88] : memref<82x128xi32, #tpu.memory_space<vmem>> -> memref<1x128xi32, #tpu.memory_space<vmem>>
      %dma_wait3A_90 = tpu.memref_squeeze %dma_wait3A_89 : memref<1x128xi32, #tpu.memory_space<vmem>> -> memref<128xi32, #tpu.memory_space<vmem>>
      %dma_wait3A_91 = arith.constant 0 : i32
      %dma_wait3A_92 = arith.constant 0 : i32
      %dma_wait3A_93 = tpu.memref_slice %arg11[%dma_wait3A_91, %dma_wait3A_92] : memref<10240x16xf32, #tpu.memory_space<vmem_shared>> -> memref<10240x16xf32, #tpu.memory_space<vmem_shared>>
      tpu.wait_indirect_dma semaphore(%arg13 : memref<!tpu.dma_semaphore, #tpu.memory_space<semaphore_mem>>) src(%dma_wait3A_93 : memref<10240x16xf32, #tpu.memory_space<vmem_shared>>) dst(%dma_wait3A_87 : memref<128x16xf32, #tpu.memory_space<vmem>>)
      %run_scoped3A_94 = arith.constant 1 : i32
      "tpu.region"() ({
        %run_scoped3A_101 = tpu.sem_alloc : memref<!tpu.dma_semaphore, #tpu.memory_space<semaphore_mem>>
        %dma_start3A_102 = arith.constant 0 : i32
        %dma_start3A_103 = arith.constant 0 : i32
        %dma_start3A_104 = tpu.memref_slice %arg9[%run_scoped3A_94, %dma_start3A_102, %dma_start3A_103] : memref<2x128x16xf32, #tpu.memory_space<vmem>> -> memref<1x128x16xf32, #tpu.memory_space<vmem>>
        %dma_start3A_105 = tpu.memref_squeeze %dma_start3A_104 : memref<1x128x16xf32, #tpu.memory_space<vmem>> -> memref<128x16xf32, #tpu.memory_space<vmem>>
        %dma_start3A_106 = arith.constant 0 : i32
        %dma_start3A_107 = tpu.memref_slice %arg8[%add3A_82, %dma_start3A_106] : memref<82x128xi32, #tpu.memory_space<vmem>> -> memref<1x128xi32, #tpu.memory_space<vmem>>
        %dma_start3A_108 = tpu.memref_squeeze %dma_start3A_107 : memref<1x128xi32, #tpu.memory_space<vmem>> -> memref<128xi32, #tpu.memory_space<vmem>>
        %dma_start3A_109 = arith.constant 0 : i32
        %dma_start3A_110 = arith.constant 0 : i32
        %dma_start3A_111 = tpu.memref_slice %arg10[%dma_start3A_109, %dma_start3A_110] : memref<10240x16xf32, #tpu.memory_space<vmem_shared>> -> memref<10240x16xf32, #tpu.memory_space<vmem_shared>>
        tpu.enqueue_indirect_dma source(%dma_start3A_105 : memref<128x16xf32, #tpu.memory_space<vmem>>) target(%dma_start3A_111 : memref<10240x16xf32, #tpu.memory_space<vmem_shared>>) offsets(%dma_start3A_108 : memref<128xi32, #tpu.memory_space<vmem>>) semaphore(%run_scoped3A_101 : memref<!tpu.dma_semaphore, #tpu.memory_space<semaphore_mem>>) {add = true}
        %dma_wait3A_112 = arith.constant 0 : i32
        %dma_wait3A_113 = arith.constant 0 : i32
        %dma_wait3A_114 = tpu.memref_slice %arg9[%run_scoped3A_94, %dma_wait3A_112, %dma_wait3A_113] : memref<2x128x16xf32, #tpu.memory_space<vmem>> -> memref<1x128x16xf32, #tpu.memory_space<vmem>>
        %dma_wait3A_115 = tpu.memref_squeeze %dma_wait3A_114 : memref<1x128x16xf32, #tpu.memory_space<vmem>> -> memref<128x16xf32, #tpu.memory_space<vmem>>
        %dma_wait3A_116 = arith.constant 0 : i32
        %dma_wait3A_117 = tpu.memref_slice %arg8[%add3A_82, %dma_wait3A_116] : memref<82x128xi32, #tpu.memory_space<vmem>> -> memref<1x128xi32, #tpu.memory_space<vmem>>
        %dma_wait3A_118 = tpu.memref_squeeze %dma_wait3A_117 : memref<1x128xi32, #tpu.memory_space<vmem>> -> memref<128xi32, #tpu.memory_space<vmem>>
        %dma_wait3A_119 = arith.constant 0 : i32
        %dma_wait3A_120 = arith.constant 0 : i32
        %dma_wait3A_121 = tpu.memref_slice %arg10[%dma_wait3A_119, %dma_wait3A_120] : memref<10240x16xf32, #tpu.memory_space<vmem_shared>> -> memref<10240x16xf32, #tpu.memory_space<vmem_shared>>
        tpu.wait_indirect_dma semaphore(%run_scoped3A_101 : memref<!tpu.dma_semaphore, #tpu.memory_space<semaphore_mem>>) src(%dma_wait3A_115 : memref<128x16xf32, #tpu.memory_space<vmem>>) dst(%dma_wait3A_121 : memref<10240x16xf32, #tpu.memory_space<vmem_shared>>)
        tpu.yield
      }) : () -> ()
      %add3A_95 = arith.constant 2 : i32
      %add3A_96 = arith.addi %add3A_82, %add3A_95 : i32
      %lt3A_97 = arith.cmpi slt, %add3A_96, %select_n3A_3 : i32
      %convert_element_type3A_98 = arith.extui %lt3A_97 : i1 to i32
      %cond3A_99 = arith.constant 0 : i32
      %cond3A_100 = arith.cmpi ne, %convert_element_type3A_98, %cond3A_99 : i32
      scf.if %cond3A_100 {
        %dma_start3A_101 = arith.constant 1 : i32
        %dma_start3A_102 = arith.constant 0 : i32
        %dma_start3A_103 = arith.constant 0 : i32
        %dma_start3A_104 = tpu.memref_slice %arg9[%dma_start3A_101, %dma_start3A_102, %dma_start3A_103] : memref<2x128x16xf32, #tpu.memory_space<vmem>> -> memref<1x128x16xf32, #tpu.memory_space<vmem>>
        %dma_start3A_105 = tpu.memref_squeeze %dma_start3A_104 : memref<1x128x16xf32, #tpu.memory_space<vmem>> -> memref<128x16xf32, #tpu.memory_space<vmem>>
        %dma_start3A_106 = arith.constant 0 : i32
        %dma_start3A_107 = tpu.memref_slice %arg7[%add3A_96, %dma_start3A_106] : memref<82x128xi32, #tpu.memory_space<vmem>> -> memref<1x128xi32, #tpu.memory_space<vmem>>
        %dma_start3A_108 = tpu.memref_squeeze %dma_start3A_107 : memref<1x128xi32, #tpu.memory_space<vmem>> -> memref<128xi32, #tpu.memory_space<vmem>>
        %dma_start3A_109 = arith.constant 0 : i32
        %dma_start3A_110 = arith.constant 0 : i32
        %dma_start3A_111 = tpu.memref_slice %arg11[%dma_start3A_109, %dma_start3A_110] : memref<10240x16xf32, #tpu.memory_space<vmem_shared>> -> memref<10240x16xf32, #tpu.memory_space<vmem_shared>>
        tpu.enqueue_indirect_dma source(%dma_start3A_111 : memref<10240x16xf32, #tpu.memory_space<vmem_shared>>) target(%dma_start3A_105 : memref<128x16xf32, #tpu.memory_space<vmem>>) offsets(%dma_start3A_108 : memref<128xi32, #tpu.memory_space<vmem>>) semaphore(%arg13 : memref<!tpu.dma_semaphore, #tpu.memory_space<semaphore_mem>>)
      } else {
      }
    }
    %while3A_57 = arith.constant 1 : i32
    scf.for %while3A_63 = %while3A_55 to %while3A_51 step %while3A_57  : i32 {
      %mul3A_64 = arith.constant 2 : i32
      %mul3A_65 = arith.muli %while3A_63, %mul3A_64 : i32
      %add3A_66 = arith.constant 0 : i32
      %add3A_67 = arith.addi %mul3A_65, %add3A_66 : i32
      %dma_wait3A = arith.constant 0 : i32
      %dma_wait3A_68 = arith.constant 0 : i32
      %dma_wait3A_69 = arith.constant 0 : i32
      %dma_wait3A_70 = tpu.memref_slice %arg9[%dma_wait3A, %dma_wait3A_68, %dma_wait3A_69] : memref<2x128x16xf32, #tpu.memory_space<vmem>> -> memref<1x128x16xf32, #tpu.memory_space<vmem>>
      %dma_wait3A_71 = tpu.memref_squeeze %dma_wait3A_70 : memref<1x128x16xf32, #tpu.memory_space<vmem>> -> memref<128x16xf32, #tpu.memory_space<vmem>>
      %dma_wait3A_72 = arith.constant 0 : i32
      %dma_wait3A_73 = tpu.memref_slice %arg7[%add3A_67, %dma_wait3A_72] : memref<82x128xi32, #tpu.memory_space<vmem>> -> memref<1x128xi32, #tpu.memory_space<vmem>>
      %dma_wait3A_74 = tpu.memref_squeeze %dma_wait3A_73 : memref<1x128xi32, #tpu.memory_space<vmem>> -> memref<128xi32, #tpu.memory_space<vmem>>
      %dma_wait3A_75 = arith.constant 0 : i32
      %dma_wait3A_76 = arith.constant 0 : i32
      %dma_wait3A_77 = tpu.memref_slice %arg11[%dma_wait3A_75, %dma_wait3A_76] : memref<10240x16xf32, #tpu.memory_space<vmem_shared>> -> memref<10240x16xf32, #tpu.memory_space<vmem_shared>>
      tpu.wait_indirect_dma semaphore(%arg12 : memref<!tpu.dma_semaphore, #tpu.memory_space<semaphore_mem>>) src(%dma_wait3A_77 : memref<10240x16xf32, #tpu.memory_space<vmem_shared>>) dst(%dma_wait3A_71 : memref<128x16xf32, #tpu.memory_space<vmem>>)
      %run_scoped3A = arith.constant 0 : i32
      "tpu.region"() ({
        %run_scoped3A_101 = tpu.sem_alloc : memref<!tpu.dma_semaphore, #tpu.memory_space<semaphore_mem>>
        %dma_start3A_102 = arith.constant 0 : i32
        %dma_start3A_103 = arith.constant 0 : i32
        %dma_start3A_104 = tpu.memref_slice %arg9[%run_scoped3A, %dma_start3A_102, %dma_start3A_103] : memref<2x128x16xf32, #tpu.memory_space<vmem>> -> memref<1x128x16xf32, #tpu.memory_space<vmem>>
        %dma_start3A_105 = tpu.memref_squeeze %dma_start3A_104 : memref<1x128x16xf32, #tpu.memory_space<vmem>> -> memref<128x16xf32, #tpu.memory_space<vmem>>
        %dma_start3A_106 = arith.constant 0 : i32
        %dma_start3A_107 = tpu.memref_slice %arg8[%add3A_67, %dma_start3A_106] : memref<82x128xi32, #tpu.memory_space<vmem>> -> memref<1x128xi32, #tpu.memory_space<vmem>>
        %dma_start3A_108 = tpu.memref_squeeze %dma_start3A_107 : memref<1x128xi32, #tpu.memory_space<vmem>> -> memref<128xi32, #tpu.memory_space<vmem>>
        %dma_start3A_109 = arith.constant 0 : i32
        %dma_start3A_110 = arith.constant 0 : i32
        %dma_start3A_111 = tpu.memref_slice %arg10[%dma_start3A_109, %dma_start3A_110] : memref<10240x16xf32, #tpu.memory_space<vmem_shared>> -> memref<10240x16xf32, #tpu.memory_space<vmem_shared>>
        tpu.enqueue_indirect_dma source(%dma_start3A_105 : memref<128x16xf32, #tpu.memory_space<vmem>>) target(%dma_start3A_111 : memref<10240x16xf32, #tpu.memory_space<vmem_shared>>) offsets(%dma_start3A_108 : memref<128xi32, #tpu.memory_space<vmem>>) semaphore(%run_scoped3A_101 : memref<!tpu.dma_semaphore, #tpu.memory_space<semaphore_mem>>) {add = true}
        %dma_wait3A_112 = arith.constant 0 : i32
        %dma_wait3A_113 = arith.constant 0 : i32
        %dma_wait3A_114 = tpu.memref_slice %arg9[%run_scoped3A, %dma_wait3A_112, %dma_wait3A_113] : memref<2x128x16xf32, #tpu.memory_space<vmem>> -> memref<1x128x16xf32, #tpu.memory_space<vmem>>
        %dma_wait3A_115 = tpu.memref_squeeze %dma_wait3A_114 : memref<1x128x16xf32, #tpu.memory_space<vmem>> -> memref<128x16xf32, #tpu.memory_space<vmem>>
        %dma_wait3A_116 = arith.constant 0 : i32
        %dma_wait3A_117 = tpu.memref_slice %arg8[%add3A_67, %dma_wait3A_116] : memref<82x128xi32, #tpu.memory_space<vmem>> -> memref<1x128xi32, #tpu.memory_space<vmem>>
        %dma_wait3A_118 = tpu.memref_squeeze %dma_wait3A_117 : memref<1x128xi32, #tpu.memory_space<vmem>> -> memref<128xi32, #tpu.memory_space<vmem>>
        %dma_wait3A_119 = arith.constant 0 : i32
        %dma_wait3A_120 = arith.constant 0 : i32
        %dma_wait3A_121 = tpu.memref_slice %arg10[%dma_wait3A_119, %dma_wait3A_120] : memref<10240x16xf32, #tpu.memory_space<vmem_shared>> -> memref<10240x16xf32, #tpu.memory_space<vmem_shared>>
        tpu.wait_indirect_dma semaphore(%run_scoped3A_101 : memref<!tpu.dma_semaphore, #tpu.memory_space<semaphore_mem>>) src(%dma_wait3A_115 : memref<128x16xf32, #tpu.memory_space<vmem>>) dst(%dma_wait3A_121 : memref<10240x16xf32, #tpu.memory_space<vmem_shared>>)
        tpu.yield
      }) : () -> ()
      %add3A_78 = arith.constant 2 : i32
      %add3A_79 = arith.addi %add3A_67, %add3A_78 : i32
      %lt3A = arith.cmpi slt, %add3A_79, %select_n3A_3 : i32
      %convert_element_type3A = arith.extui %lt3A : i1 to i32
      %cond3A = arith.constant 0 : i32
      %cond3A_80 = arith.cmpi ne, %convert_element_type3A, %cond3A : i32
      scf.if %cond3A_80 {
        %dma_start3A_101 = arith.constant 0 : i32
        %dma_start3A_102 = arith.constant 0 : i32
        %dma_start3A_103 = arith.constant 0 : i32
        %dma_start3A_104 = tpu.memref_slice %arg9[%dma_start3A_101, %dma_start3A_102, %dma_start3A_103] : memref<2x128x16xf32, #tpu.memory_space<vmem>> -> memref<1x128x16xf32, #tpu.memory_space<vmem>>
        %dma_start3A_105 = tpu.memref_squeeze %dma_start3A_104 : memref<1x128x16xf32, #tpu.memory_space<vmem>> -> memref<128x16xf32, #tpu.memory_space<vmem>>
        %dma_start3A_106 = arith.constant 0 : i32
        %dma_start3A_107 = tpu.memref_slice %arg7[%add3A_79, %dma_start3A_106] : memref<82x128xi32, #tpu.memory_space<vmem>> -> memref<1x128xi32, #tpu.memory_space<vmem>>
        %dma_start3A_108 = tpu.memref_squeeze %dma_start3A_107 : memref<1x128xi32, #tpu.memory_space<vmem>> -> memref<128xi32, #tpu.memory_space<vmem>>
        %dma_start3A_109 = arith.constant 0 : i32
        %dma_start3A_110 = arith.constant 0 : i32
        %dma_start3A_111 = tpu.memref_slice %arg11[%dma_start3A_109, %dma_start3A_110] : memref<10240x16xf32, #tpu.memory_space<vmem_shared>> -> memref<10240x16xf32, #tpu.memory_space<vmem_shared>>
        tpu.enqueue_indirect_dma source(%dma_start3A_111 : memref<10240x16xf32, #tpu.memory_space<vmem_shared>>) target(%dma_start3A_105 : memref<128x16xf32, #tpu.memory_space<vmem>>) offsets(%dma_start3A_108 : memref<128xi32, #tpu.memory_space<vmem>>) semaphore(%arg12 : memref<!tpu.dma_semaphore, #tpu.memory_space<semaphore_mem>>)
      } else {
      }
      %add3A_81 = arith.constant 1 : i32
      %add3A_82 = arith.addi %mul3A_65, %add3A_81 : i32
      %dma_wait3A_83 = arith.constant 1 : i32
      %dma_wait3A_84 = arith.constant 0 : i32
      %dma_wait3A_85 = arith.constant 0 : i32
      %dma_wait3A_86 = tpu.memref_slice %arg9[%dma_wait3A_83, %dma_wait3A_84, %dma_wait3A_85] : memref<2x128x16xf32, #tpu.memory_space<vmem>> -> memref<1x128x16xf32, #tpu.memory_space<vmem>>
      %dma_wait3A_87 = tpu.memref_squeeze %dma_wait3A_86 : memref<1x128x16xf32, #tpu.memory_space<vmem>> -> memref<128x16xf32, #tpu.memory_space<vmem>>
      %dma_wait3A_88 = arith.constant 0 : i32
      %dma_wait3A_89 = tpu.memref_slice %arg7[%add3A_82, %dma_wait3A_88] : memref<82x128xi32, #tpu.memory_space<vmem>> -> memref<1x128xi32, #tpu.memory_space<vmem>>
      %dma_wait3A_90 = tpu.memref_squeeze %dma_wait3A_89 : memref<1x128xi32, #tpu.memory_space<vmem>> -> memref<128xi32, #tpu.memory_space<vmem>>
      %dma_wait3A_91 = arith.constant 0 : i32
      %dma_wait3A_92 = arith.constant 0 : i32
      %dma_wait3A_93 = tpu.memref_slice %arg11[%dma_wait3A_91, %dma_wait3A_92] : memref<10240x16xf32, #tpu.memory_space<vmem_shared>> -> memref<10240x16xf32, #tpu.memory_space<vmem_shared>>
      tpu.wait_indirect_dma semaphore(%arg13 : memref<!tpu.dma_semaphore, #tpu.memory_space<semaphore_mem>>) src(%dma_wait3A_93 : memref<10240x16xf32, #tpu.memory_space<vmem_shared>>) dst(%dma_wait3A_87 : memref<128x16xf32, #tpu.memory_space<vmem>>)
      %run_scoped3A_94 = arith.constant 1 : i32
      "tpu.region"() ({
        %run_scoped3A_101 = tpu.sem_alloc : memref<!tpu.dma_semaphore, #tpu.memory_space<semaphore_mem>>
        %dma_start3A_102 = arith.constant 0 : i32
        %dma_start3A_103 = arith.constant 0 : i32
        %dma_start3A_104 = tpu.memref_slice %arg9[%run_scoped3A_94, %dma_start3A_102, %dma_start3A_103] : memref<2x128x16xf32, #tpu.memory_space<vmem>> -> memref<1x128x16xf32, #tpu.memory_space<vmem>>
        %dma_start3A_105 = tpu.memref_squeeze %dma_start3A_104 : memref<1x128x16xf32, #tpu.memory_space<vmem>> -> memref<128x16xf32, #tpu.memory_space<vmem>>
        %dma_start3A_106 = arith.constant 0 : i32
        %dma_start3A_107 = tpu.memref_slice %arg8[%add3A_82, %dma_start3A_106] : memref<82x128xi32, #tpu.memory_space<vmem>> -> memref<1x128xi32, #tpu.memory_space<vmem>>
        %dma_start3A_108 = tpu.memref_squeeze %dma_start3A_107 : memref<1x128xi32, #tpu.memory_space<vmem>> -> memref<128xi32, #tpu.memory_space<vmem>>
        %dma_start3A_109 = arith.constant 0 : i32
        %dma_start3A_110 = arith.constant 0 : i32
        %dma_start3A_111 = tpu.memref_slice %arg10[%dma_start3A_109, %dma_start3A_110] : memref<10240x16xf32, #tpu.memory_space<vmem_shared>> -> memref<10240x16xf32, #tpu.memory_space<vmem_shared>>
        tpu.enqueue_indirect_dma source(%dma_start3A_105 : memref<128x16xf32, #tpu.memory_space<vmem>>) target(%dma_start3A_111 : memref<10240x16xf32, #tpu.memory_space<vmem_shared>>) offsets(%dma_start3A_108 : memref<128xi32, #tpu.memory_space<vmem>>) semaphore(%run_scoped3A_101 : memref<!tpu.dma_semaphore, #tpu.memory_space<semaphore_mem>>) {add = true}
        %dma_wait3A_112 = arith.constant 0 : i32
        %dma_wait3A_113 = arith.constant 0 : i32
        %dma_wait3A_114 = tpu.memref_slice %arg9[%run_scoped3A_94, %dma_wait3A_112, %dma_wait3A_113] : memref<2x128x16xf32, #tpu.memory_space<vmem>> -> memref<1x128x16xf32, #tpu.memory_space<vmem>>
        %dma_wait3A_115 = tpu.memref_squeeze %dma_wait3A_114 : memref<1x128x16xf32, #tpu.memory_space<vmem>> -> memref<128x16xf32, #tpu.memory_space<vmem>>
        %dma_wait3A_116 = arith.constant 0 : i32
        %dma_wait3A_117 = tpu.memref_slice %arg8[%add3A_82, %dma_wait3A_116] : memref<82x128xi32, #tpu.memory_space<vmem>> -> memref<1x128xi32, #tpu.memory_space<vmem>>
        %dma_wait3A_118 = tpu.memref_squeeze %dma_wait3A_117 : memref<1x128xi32, #tpu.memory_space<vmem>> -> memref<128xi32, #tpu.memory_space<vmem>>
        %dma_wait3A_119 = arith.constant 0 : i32
        %dma_wait3A_120 = arith.constant 0 : i32
        %dma_wait3A_121 = tpu.memref_slice %arg10[%dma_wait3A_119, %dma_wait3A_120] : memref<10240x16xf32, #tpu.memory_space<vmem_shared>> -> memref<10240x16xf32, #tpu.memory_space<vmem_shared>>
        tpu.wait_indirect_dma semaphore(%run_scoped3A_101 : memref<!tpu.dma_semaphore, #tpu.memory_space<semaphore_mem>>) src(%dma_wait3A_115 : memref<128x16xf32, #tpu.memory_space<vmem>>) dst(%dma_wait3A_121 : memref<10240x16xf32, #tpu.memory_space<vmem_shared>>)
        tpu.yield
      }) : () -> ()
      %add3A_95 = arith.constant 2 : i32
      %add3A_96 = arith.addi %add3A_82, %add3A_95 : i32
      %lt3A_97 = arith.cmpi slt, %add3A_96, %select_n3A_3 : i32
      %convert_element_type3A_98 = arith.extui %lt3A_97 : i1 to i32
      %cond3A_99 = arith.constant 0 : i32
      %cond3A_100 = arith.cmpi ne, %convert_element_type3A_98, %cond3A_99 : i32
      scf.if %cond3A_100 {
        %dma_start3A_101 = arith.constant 1 : i32
        %dma_start3A_102 = arith.constant 0 : i32
        %dma_start3A_103 = arith.constant 0 : i32
        %dma_start3A_104 = tpu.memref_slice %arg9[%dma_start3A_101, %dma_start3A_102, %dma_start3A_103] : memref<2x128x16xf32, #tpu.memory_space<vmem>> -> memref<1x128x16xf32, #tpu.memory_space<vmem>>
        %dma_start3A_105 = tpu.memref_squeeze %dma_start3A_104 : memref<1x128x16xf32, #tpu.memory_space<vmem>> -> memref<128x16xf32, #tpu.memory_space<vmem>>
        %dma_start3A_106 = arith.constant 0 : i32
        %dma_start3A_107 = tpu.memref_slice %arg7[%add3A_96, %dma_start3A_106] : memref<82x128xi32, #tpu.memory_space<vmem>> -> memref<1x128xi32, #tpu.memory_space<vmem>>
        %dma_start3A_108 = tpu.memref_squeeze %dma_start3A_107 : memref<1x128xi32, #tpu.memory_space<vmem>> -> memref<128xi32, #tpu.memory_space<vmem>>
        %dma_start3A_109 = arith.constant 0 : i32
        %dma_start3A_110 = arith.constant 0 : i32
        %dma_start3A_111 = tpu.memref_slice %arg11[%dma_start3A_109, %dma_start3A_110] : memref<10240x16xf32, #tpu.memory_space<vmem_shared>> -> memref<10240x16xf32, #tpu.memory_space<vmem_shared>>
        tpu.enqueue_indirect_dma source(%dma_start3A_111 : memref<10240x16xf32, #tpu.memory_space<vmem_shared>>) target(%dma_start3A_105 : memref<128x16xf32, #tpu.memory_space<vmem>>) offsets(%dma_start3A_108 : memref<128xi32, #tpu.memory_space<vmem>>) semaphore(%arg13 : memref<!tpu.dma_semaphore, #tpu.memory_space<semaphore_mem>>)
      } else {
      }
    }
    %barrier3A_58 = arith.constant 0 : index
    tpu.barrier barrier_id(%barrier3A_58)
    %mul3A_59 = arith.constant 640 : i32
    %mul3A_60 = arith.muli %arg1, %mul3A_59 : i32
    %mul3A_61 = arith.constant 640 : i32
    %mul3A_62 = arith.muli %arg1, %mul3A_61 : i32
    "tpu.region"() ({
      %run_scoped3A = tpu.sem_alloc : memref<!tpu.dma_semaphore, #tpu.memory_space<semaphore_mem>>
      %dma_start3A_63 = arith.constant 0 : i32
      %dma_start3A_64 = tpu.memref_slice %arg6[%arg0, %mul3A_62, %dma_start3A_63] : memref<2x10240x16xf32, #tpu.memory_space<hbm>> -> memref<1x640x16xf32, #tpu.memory_space<hbm>>
      %dma_start3A_65 = tpu.memref_squeeze %dma_start3A_64 : memref<1x640x16xf32, #tpu.memory_space<hbm>> -> memref<640x16xf32, #tpu.memory_space<hbm>>
      %dma_start3A_66 = arith.constant 0 : i32
      %dma_start3A_67 = tpu.memref_slice %arg10[%mul3A_60, %dma_start3A_66] : memref<10240x16xf32, #tpu.memory_space<vmem_shared>> -> memref<640x16xf32, #tpu.memory_space<vmem_shared>>
      tpu.enqueue_dma source(%dma_start3A_67 : memref<640x16xf32, #tpu.memory_space<vmem_shared>>) target(%dma_start3A_65 : memref<640x16xf32, #tpu.memory_space<hbm>>) target_semaphore(%run_scoped3A : memref<!tpu.dma_semaphore, #tpu.memory_space<semaphore_mem>>)
      %dma_wait3A = arith.constant 0 : i32
      %dma_wait3A_68 = tpu.memref_slice %arg6[%arg0, %mul3A_62, %dma_wait3A] : memref<2x10240x16xf32, #tpu.memory_space<hbm>> -> memref<1x640x16xf32, #tpu.memory_space<hbm>>
      %dma_wait3A_69 = tpu.memref_squeeze %dma_wait3A_68 : memref<1x640x16xf32, #tpu.memory_space<hbm>> -> memref<640x16xf32, #tpu.memory_space<hbm>>
      %dma_wait3A_70 = arith.constant 0 : i32
      %dma_wait3A_71 = tpu.memref_slice %arg10[%mul3A_60, %dma_wait3A_70] : memref<10240x16xf32, #tpu.memory_space<vmem_shared>> -> memref<640x16xf32, #tpu.memory_space<vmem_shared>>
      tpu.wait_dma2 semaphore(%run_scoped3A : memref<!tpu.dma_semaphore, #tpu.memory_space<semaphore_mem>>) src(%dma_wait3A_71 : memref<640x16xf32, #tpu.memory_space<vmem_shared>>) dst(%dma_wait3A_69 : memref<640x16xf32, #tpu.memory_space<hbm>>)
      tpu.yield
    }) : () -> ()
    return
  }
}

#map = affine_map<(d0, d1) -> (0, 0)>
#map1 = affine_map<(d0, d1) -> (0, 0, 0)>
module attributes {stable_mosaic.version = 14 : i64} {
  func.func @_seg_body(%arg0: i32, %arg1: i32, %arg2: memref<10240x64xf32, #tpu.memory_space<hbm>>, %arg3: memref<32x82x128xi32, #tpu.memory_space<hbm>>, %arg4: memref<32x82x128xi32, #tpu.memory_space<hbm>>, %arg5: memref<640x64xf32, #tpu.memory_space<hbm>>, %arg6: memref<2x10240x64xf32, #tpu.memory_space<hbm>>, %arg7: memref<82x128xi32, #tpu.memory_space<vmem>>, %arg8: memref<82x128xi32, #tpu.memory_space<vmem>>, %arg9: memref<2x128x64xf32, #tpu.memory_space<vmem>>, %arg10: memref<10240x64xf32, #tpu.memory_space<vmem_shared>>, %arg11: memref<10240x64xf32, #tpu.memory_space<vmem_shared>>, %arg12: memref<!tpu.dma_semaphore, #tpu.memory_space<semaphore_mem>>, %arg13: memref<!tpu.dma_semaphore, #tpu.memory_space<semaphore_mem>>) attributes {dimension_semantics = [#tpu.dimension_semantics<core_parallel>, #tpu.dimension_semantics<subcore_parallel>], iteration_bounds = array<i64: 2, 16>, scalar_prefetch = 0 : i64, scratch_operands = 7 : i64, tpu.core_type = #tpu.core_type<sc_vector_subcore>, window_params = [{transform_indices = #map}, {transform_indices = #map1}, {transform_indices = #map1}, {transform_indices = #map}, {transform_indices = #map1}]} {
    %mul3A = arith.constant 2 : i32
    %mul3A_0 = arith.muli %arg1, %mul3A : i32
    %add3A = arith.addi %mul3A_0, %arg0 : i32
    %eq3A = arith.constant 0 : i32
    %eq3A_1 = arith.cmpi eq, %arg0, %eq3A : i32
    %select_n3A = arith.constant 82 : i32
    %select_n3A_2 = arith.constant 82 : i32
    %select_n3A_3 = arith.select %eq3A_1, %select_n3A_2, %select_n3A : i32
    %mul3A_4 = arith.constant 640 : i32
    %mul3A_5 = arith.muli %arg1, %mul3A_4 : i32
    "tpu.region"() ({
      %run_scoped3A = tpu.sem_alloc : memref<!tpu.dma_semaphore, #tpu.memory_space<semaphore_mem>>
      %dma_start3A_63 = arith.constant 0 : i32
      %dma_start3A_64 = tpu.memref_slice %arg10[%mul3A_5, %dma_start3A_63] : memref<10240x64xf32, #tpu.memory_space<vmem_shared>> -> memref<640x64xf32, #tpu.memory_space<vmem_shared>>
      tpu.enqueue_dma source(%arg5 : memref<640x64xf32, #tpu.memory_space<hbm>>) target(%dma_start3A_64 : memref<640x64xf32, #tpu.memory_space<vmem_shared>>) target_semaphore(%run_scoped3A : memref<!tpu.dma_semaphore, #tpu.memory_space<semaphore_mem>>)
      %dma_wait3A = arith.constant 0 : i32
      %dma_wait3A_65 = tpu.memref_slice %arg10[%mul3A_5, %dma_wait3A] : memref<10240x64xf32, #tpu.memory_space<vmem_shared>> -> memref<640x64xf32, #tpu.memory_space<vmem_shared>>
      tpu.wait_dma2 semaphore(%run_scoped3A : memref<!tpu.dma_semaphore, #tpu.memory_space<semaphore_mem>>) src(%arg5 : memref<640x64xf32, #tpu.memory_space<hbm>>) dst(%dma_wait3A_65 : memref<640x64xf32, #tpu.memory_space<vmem_shared>>)
      tpu.yield
    }) : () -> ()
    %mul3A_6 = arith.constant 640 : i32
    %mul3A_7 = arith.muli %arg1, %mul3A_6 : i32
    %mul3A_8 = arith.constant 640 : i32
    %mul3A_9 = arith.muli %arg1, %mul3A_8 : i32
    "tpu.region"() ({
      %run_scoped3A = tpu.sem_alloc : memref<!tpu.dma_semaphore, #tpu.memory_space<semaphore_mem>>
      %dma_start3A_63 = arith.constant 0 : i32
      %dma_start3A_64 = tpu.memref_slice %arg11[%mul3A_9, %dma_start3A_63] : memref<10240x64xf32, #tpu.memory_space<vmem_shared>> -> memref<640x64xf32, #tpu.memory_space<vmem_shared>>
      %dma_start3A_65 = arith.constant 0 : i32
      %dma_start3A_66 = tpu.memref_slice %arg2[%mul3A_7, %dma_start3A_65] : memref<10240x64xf32, #tpu.memory_space<hbm>> -> memref<640x64xf32, #tpu.memory_space<hbm>>
      tpu.enqueue_dma source(%dma_start3A_66 : memref<640x64xf32, #tpu.memory_space<hbm>>) target(%dma_start3A_64 : memref<640x64xf32, #tpu.memory_space<vmem_shared>>) target_semaphore(%run_scoped3A : memref<!tpu.dma_semaphore, #tpu.memory_space<semaphore_mem>>)
      %dma_wait3A = arith.constant 0 : i32
      %dma_wait3A_67 = tpu.memref_slice %arg11[%mul3A_9, %dma_wait3A] : memref<10240x64xf32, #tpu.memory_space<vmem_shared>> -> memref<640x64xf32, #tpu.memory_space<vmem_shared>>
      %dma_wait3A_68 = arith.constant 0 : i32
      %dma_wait3A_69 = tpu.memref_slice %arg2[%mul3A_7, %dma_wait3A_68] : memref<10240x64xf32, #tpu.memory_space<hbm>> -> memref<640x64xf32, #tpu.memory_space<hbm>>
      tpu.wait_dma2 semaphore(%run_scoped3A : memref<!tpu.dma_semaphore, #tpu.memory_space<semaphore_mem>>) src(%dma_wait3A_69 : memref<640x64xf32, #tpu.memory_space<hbm>>) dst(%dma_wait3A_67 : memref<640x64xf32, #tpu.memory_space<vmem_shared>>)
      tpu.yield
    }) : () -> ()
    "tpu.region"() ({
      %run_scoped3A = tpu.sem_alloc : memref<!tpu.dma_semaphore, #tpu.memory_space<semaphore_mem>>
      %dma_start3A_63 = arith.constant 0 : i32
      %dma_start3A_64 = arith.constant 0 : i32
      %dma_start3A_65 = tpu.memref_slice %arg3[%add3A, %dma_start3A_63, %dma_start3A_64] : memref<32x82x128xi32, #tpu.memory_space<hbm>> -> memref<1x82x128xi32, #tpu.memory_space<hbm>>
      %dma_start3A_66 = tpu.memref_squeeze %dma_start3A_65 : memref<1x82x128xi32, #tpu.memory_space<hbm>> -> memref<82x128xi32, #tpu.memory_space<hbm>>
      %dma_start3A_67 = arith.constant 0 : i32
      %dma_start3A_68 = arith.constant 0 : i32
      %dma_start3A_69 = tpu.memref_slice %arg3[%add3A, %dma_start3A_67, %dma_start3A_68] : memref<32x82x128xi32, #tpu.memory_space<hbm>> -> memref<1x82x128xi32, #tpu.memory_space<hbm>>
      %dma_start3A_70 = tpu.memref_squeeze %dma_start3A_69 : memref<1x82x128xi32, #tpu.memory_space<hbm>> -> memref<82x128xi32, #tpu.memory_space<hbm>>
      tpu.enqueue_dma source(%dma_start3A_70 : memref<82x128xi32, #tpu.memory_space<hbm>>) target(%arg7 : memref<82x128xi32, #tpu.memory_space<vmem>>) target_semaphore(%run_scoped3A : memref<!tpu.dma_semaphore, #tpu.memory_space<semaphore_mem>>)
      %dma_wait3A = arith.constant 0 : i32
      %dma_wait3A_71 = arith.constant 0 : i32
      %dma_wait3A_72 = tpu.memref_slice %arg3[%add3A, %dma_wait3A, %dma_wait3A_71] : memref<32x82x128xi32, #tpu.memory_space<hbm>> -> memref<1x82x128xi32, #tpu.memory_space<hbm>>
      %dma_wait3A_73 = tpu.memref_squeeze %dma_wait3A_72 : memref<1x82x128xi32, #tpu.memory_space<hbm>> -> memref<82x128xi32, #tpu.memory_space<hbm>>
      %dma_wait3A_74 = arith.constant 0 : i32
      %dma_wait3A_75 = arith.constant 0 : i32
      %dma_wait3A_76 = tpu.memref_slice %arg3[%add3A, %dma_wait3A_74, %dma_wait3A_75] : memref<32x82x128xi32, #tpu.memory_space<hbm>> -> memref<1x82x128xi32, #tpu.memory_space<hbm>>
      %dma_wait3A_77 = tpu.memref_squeeze %dma_wait3A_76 : memref<1x82x128xi32, #tpu.memory_space<hbm>> -> memref<82x128xi32, #tpu.memory_space<hbm>>
      tpu.wait_dma2 semaphore(%run_scoped3A : memref<!tpu.dma_semaphore, #tpu.memory_space<semaphore_mem>>) src(%dma_wait3A_77 : memref<82x128xi32, #tpu.memory_space<hbm>>) dst(%arg7 : memref<82x128xi32, #tpu.memory_space<vmem>>)
      tpu.yield
    }) : () -> ()
    "tpu.region"() ({
      %run_scoped3A = tpu.sem_alloc : memref<!tpu.dma_semaphore, #tpu.memory_space<semaphore_mem>>
      %dma_start3A_63 = arith.constant 0 : i32
      %dma_start3A_64 = arith.constant 0 : i32
      %dma_start3A_65 = tpu.memref_slice %arg4[%add3A, %dma_start3A_63, %dma_start3A_64] : memref<32x82x128xi32, #tpu.memory_space<hbm>> -> memref<1x82x128xi32, #tpu.memory_space<hbm>>
      %dma_start3A_66 = tpu.memref_squeeze %dma_start3A_65 : memref<1x82x128xi32, #tpu.memory_space<hbm>> -> memref<82x128xi32, #tpu.memory_space<hbm>>
      %dma_start3A_67 = arith.constant 0 : i32
      %dma_start3A_68 = arith.constant 0 : i32
      %dma_start3A_69 = tpu.memref_slice %arg4[%add3A, %dma_start3A_67, %dma_start3A_68] : memref<32x82x128xi32, #tpu.memory_space<hbm>> -> memref<1x82x128xi32, #tpu.memory_space<hbm>>
      %dma_start3A_70 = tpu.memref_squeeze %dma_start3A_69 : memref<1x82x128xi32, #tpu.memory_space<hbm>> -> memref<82x128xi32, #tpu.memory_space<hbm>>
      tpu.enqueue_dma source(%dma_start3A_70 : memref<82x128xi32, #tpu.memory_space<hbm>>) target(%arg8 : memref<82x128xi32, #tpu.memory_space<vmem>>) target_semaphore(%run_scoped3A : memref<!tpu.dma_semaphore, #tpu.memory_space<semaphore_mem>>)
      %dma_wait3A = arith.constant 0 : i32
      %dma_wait3A_71 = arith.constant 0 : i32
      %dma_wait3A_72 = tpu.memref_slice %arg4[%add3A, %dma_wait3A, %dma_wait3A_71] : memref<32x82x128xi32, #tpu.memory_space<hbm>> -> memref<1x82x128xi32, #tpu.memory_space<hbm>>
      %dma_wait3A_73 = tpu.memref_squeeze %dma_wait3A_72 : memref<1x82x128xi32, #tpu.memory_space<hbm>> -> memref<82x128xi32, #tpu.memory_space<hbm>>
      %dma_wait3A_74 = arith.constant 0 : i32
      %dma_wait3A_75 = arith.constant 0 : i32
      %dma_wait3A_76 = tpu.memref_slice %arg4[%add3A, %dma_wait3A_74, %dma_wait3A_75] : memref<32x82x128xi32, #tpu.memory_space<hbm>> -> memref<1x82x128xi32, #tpu.memory_space<hbm>>
      %dma_wait3A_77 = tpu.memref_squeeze %dma_wait3A_76 : memref<1x82x128xi32, #tpu.memory_space<hbm>> -> memref<82x128xi32, #tpu.memory_space<hbm>>
      tpu.wait_dma2 semaphore(%run_scoped3A : memref<!tpu.dma_semaphore, #tpu.memory_space<semaphore_mem>>) src(%dma_wait3A_77 : memref<82x128xi32, #tpu.memory_space<hbm>>) dst(%arg8 : memref<82x128xi32, #tpu.memory_space<vmem>>)
      tpu.yield
    }) : () -> ()
    %barrier3A = arith.constant 0 : index
    tpu.barrier barrier_id(%barrier3A)
    %dma_start3A = arith.constant 0 : i32
    %dma_start3A_10 = arith.constant 0 : i32
    %dma_start3A_11 = arith.constant 0 : i32
    %dma_start3A_12 = arith.constant 0 : i32
    %dma_start3A_13 = tpu.memref_slice %arg9[%dma_start3A_10, %dma_start3A_11, %dma_start3A_12] : memref<2x128x64xf32, #tpu.memory_space<vmem>> -> memref<1x128x64xf32, #tpu.memory_space<vmem>>
    %dma_start3A_14 = tpu.memref_squeeze %dma_start3A_13 : memref<1x128x64xf32, #tpu.memory_space<vmem>> -> memref<128x64xf32, #tpu.memory_space<vmem>>
    %dma_start3A_15 = arith.constant 0 : i32
    %dma_start3A_16 = tpu.memref_slice %arg7[%dma_start3A, %dma_start3A_15] : memref<82x128xi32, #tpu.memory_space<vmem>> -> memref<1x128xi32, #tpu.memory_space<vmem>>
    %dma_start3A_17 = tpu.memref_squeeze %dma_start3A_16 : memref<1x128xi32, #tpu.memory_space<vmem>> -> memref<128xi32, #tpu.memory_space<vmem>>
    %dma_start3A_18 = arith.constant 0 : i32
    %dma_start3A_19 = arith.constant 0 : i32
    %dma_start3A_20 = tpu.memref_slice %arg11[%dma_start3A_18, %dma_start3A_19] : memref<10240x64xf32, #tpu.memory_space<vmem_shared>> -> memref<10240x64xf32, #tpu.memory_space<vmem_shared>>
    tpu.enqueue_indirect_dma source(%dma_start3A_20 : memref<10240x64xf32, #tpu.memory_space<vmem_shared>>) target(%dma_start3A_14 : memref<128x64xf32, #tpu.memory_space<vmem>>) offsets(%dma_start3A_17 : memref<128xi32, #tpu.memory_space<vmem>>) semaphore(%arg12 : memref<!tpu.dma_semaphore, #tpu.memory_space<semaphore_mem>>)
    %dma_start3A_21 = arith.constant 1 : i32
    %dma_start3A_22 = arith.constant 1 : i32
    %dma_start3A_23 = arith.constant 0 : i32
    %dma_start3A_24 = arith.constant 0 : i32
    %dma_start3A_25 = tpu.memref_slice %arg9[%dma_start3A_22, %dma_start3A_23, %dma_start3A_24] : memref<2x128x64xf32, #tpu.memory_space<vmem>> -> memref<1x128x64xf32, #tpu.memory_space<vmem>>
    %dma_start3A_26 = tpu.memref_squeeze %dma_start3A_25 : memref<1x128x64xf32, #tpu.memory_space<vmem>> -> memref<128x64xf32, #tpu.memory_space<vmem>>
    %dma_start3A_27 = arith.constant 0 : i32
    %dma_start3A_28 = tpu.memref_slice %arg7[%dma_start3A_21, %dma_start3A_27] : memref<82x128xi32, #tpu.memory_space<vmem>> -> memref<1x128xi32, #tpu.memory_space<vmem>>
    %dma_start3A_29 = tpu.memref_squeeze %dma_start3A_28 : memref<1x128xi32, #tpu.memory_space<vmem>> -> memref<128xi32, #tpu.memory_space<vmem>>
    %dma_start3A_30 = arith.constant 0 : i32
    %dma_start3A_31 = arith.constant 0 : i32
    %dma_start3A_32 = tpu.memref_slice %arg11[%dma_start3A_30, %dma_start3A_31] : memref<10240x64xf32, #tpu.memory_space<vmem_shared>> -> memref<10240x64xf32, #tpu.memory_space<vmem_shared>>
    tpu.enqueue_indirect_dma source(%dma_start3A_32 : memref<10240x64xf32, #tpu.memory_space<vmem_shared>>) target(%dma_start3A_26 : memref<128x64xf32, #tpu.memory_space<vmem>>) offsets(%dma_start3A_29 : memref<128xi32, #tpu.memory_space<vmem>>) semaphore(%arg13 : memref<!tpu.dma_semaphore, #tpu.memory_space<semaphore_mem>>)
    %jit3A = arith.constant 2 : i32
    %div3A = arith.divsi %select_n3A_3, %jit3A : i32
    %sign3A = arith.constant 0 : i32
    %sign3A_33 = arith.cmpi sgt, %select_n3A_3, %sign3A : i32
    %sign3A_34 = arith.extui %sign3A_33 : i1 to i32
    %sign3A_35 = arith.constant 0 : i32
    %sign3A_36 = arith.cmpi slt, %select_n3A_3, %sign3A_35 : i32
    %sign3A_37 = arith.extui %sign3A_36 : i1 to i32
    %sign3A_38 = arith.subi %sign3A_34, %sign3A_37 : i32
    %sign3A_39 = arith.constant 0 : i32
    %sign3A_40 = arith.cmpi sgt, %jit3A, %sign3A_39 : i32
    %sign3A_41 = arith.extui %sign3A_40 : i1 to i32
    %sign3A_42 = arith.constant 0 : i32
    %sign3A_43 = arith.cmpi slt, %jit3A, %sign3A_42 : i32
    %sign3A_44 = arith.extui %sign3A_43 : i1 to i32
    %sign3A_45 = arith.subi %sign3A_41, %sign3A_44 : i32
    %ne3A = arith.cmpi ne, %sign3A_38, %sign3A_45 : i32
    %rem3A = arith.remsi %select_n3A_3, %jit3A : i32
    %ne3A_46 = arith.constant 0 : i32
    %ne3A_47 = arith.cmpi ne, %rem3A, %ne3A_46 : i32
    %and3A = arith.andi %ne3A, %ne3A_47 : i1
    %sub3A = arith.constant 1 : i32
    %sub3A_48 = arith.subi %div3A, %sub3A : i32
    %select_n3A_49 = arith.select %and3A, %sub3A_48, %div3A : i32
    %while3A = arith.constant 0 : i32
    %while3A_50 = arith.subi %select_n3A_49, %while3A : i32
    %while3A_51 = arith.addi %while3A, %while3A_50 : i32
    %while3A_52 = arith.constant 1 : i32
    %while3A_53 = arith.divsi %while3A_50, %while3A_52 : i32
    %while3A_54 = arith.muli %while3A_53, %while3A_52 : i32
    %while3A_55 = arith.addi %while3A, %while3A_54 : i32
    %while3A_56 = arith.constant 1 : i32
    scf.for %while3A_63 = %while3A to %while3A_55 step %while3A_56  : i32 {
      %mul3A_64 = arith.constant 2 : i32
      %mul3A_65 = arith.muli %while3A_63, %mul3A_64 : i32
      %add3A_66 = arith.constant 0 : i32
      %add3A_67 = arith.addi %mul3A_65, %add3A_66 : i32
      %dma_wait3A = arith.constant 0 : i32
      %dma_wait3A_68 = arith.constant 0 : i32
      %dma_wait3A_69 = arith.constant 0 : i32
      %dma_wait3A_70 = tpu.memref_slice %arg9[%dma_wait3A, %dma_wait3A_68, %dma_wait3A_69] : memref<2x128x64xf32, #tpu.memory_space<vmem>> -> memref<1x128x64xf32, #tpu.memory_space<vmem>>
      %dma_wait3A_71 = tpu.memref_squeeze %dma_wait3A_70 : memref<1x128x64xf32, #tpu.memory_space<vmem>> -> memref<128x64xf32, #tpu.memory_space<vmem>>
      %dma_wait3A_72 = arith.constant 0 : i32
      %dma_wait3A_73 = tpu.memref_slice %arg7[%add3A_67, %dma_wait3A_72] : memref<82x128xi32, #tpu.memory_space<vmem>> -> memref<1x128xi32, #tpu.memory_space<vmem>>
      %dma_wait3A_74 = tpu.memref_squeeze %dma_wait3A_73 : memref<1x128xi32, #tpu.memory_space<vmem>> -> memref<128xi32, #tpu.memory_space<vmem>>
      %dma_wait3A_75 = arith.constant 0 : i32
      %dma_wait3A_76 = arith.constant 0 : i32
      %dma_wait3A_77 = tpu.memref_slice %arg11[%dma_wait3A_75, %dma_wait3A_76] : memref<10240x64xf32, #tpu.memory_space<vmem_shared>> -> memref<10240x64xf32, #tpu.memory_space<vmem_shared>>
      tpu.wait_indirect_dma semaphore(%arg12 : memref<!tpu.dma_semaphore, #tpu.memory_space<semaphore_mem>>) src(%dma_wait3A_77 : memref<10240x64xf32, #tpu.memory_space<vmem_shared>>) dst(%dma_wait3A_71 : memref<128x64xf32, #tpu.memory_space<vmem>>)
      %run_scoped3A = arith.constant 0 : i32
      "tpu.region"() ({
        %run_scoped3A_101 = tpu.sem_alloc : memref<!tpu.dma_semaphore, #tpu.memory_space<semaphore_mem>>
        %dma_start3A_102 = arith.constant 0 : i32
        %dma_start3A_103 = arith.constant 0 : i32
        %dma_start3A_104 = tpu.memref_slice %arg9[%run_scoped3A, %dma_start3A_102, %dma_start3A_103] : memref<2x128x64xf32, #tpu.memory_space<vmem>> -> memref<1x128x64xf32, #tpu.memory_space<vmem>>
        %dma_start3A_105 = tpu.memref_squeeze %dma_start3A_104 : memref<1x128x64xf32, #tpu.memory_space<vmem>> -> memref<128x64xf32, #tpu.memory_space<vmem>>
        %dma_start3A_106 = arith.constant 0 : i32
        %dma_start3A_107 = tpu.memref_slice %arg8[%add3A_67, %dma_start3A_106] : memref<82x128xi32, #tpu.memory_space<vmem>> -> memref<1x128xi32, #tpu.memory_space<vmem>>
        %dma_start3A_108 = tpu.memref_squeeze %dma_start3A_107 : memref<1x128xi32, #tpu.memory_space<vmem>> -> memref<128xi32, #tpu.memory_space<vmem>>
        %dma_start3A_109 = arith.constant 0 : i32
        %dma_start3A_110 = arith.constant 0 : i32
        %dma_start3A_111 = tpu.memref_slice %arg10[%dma_start3A_109, %dma_start3A_110] : memref<10240x64xf32, #tpu.memory_space<vmem_shared>> -> memref<10240x64xf32, #tpu.memory_space<vmem_shared>>
        tpu.enqueue_indirect_dma source(%dma_start3A_105 : memref<128x64xf32, #tpu.memory_space<vmem>>) target(%dma_start3A_111 : memref<10240x64xf32, #tpu.memory_space<vmem_shared>>) offsets(%dma_start3A_108 : memref<128xi32, #tpu.memory_space<vmem>>) semaphore(%run_scoped3A_101 : memref<!tpu.dma_semaphore, #tpu.memory_space<semaphore_mem>>) {add = true}
        %dma_wait3A_112 = arith.constant 0 : i32
        %dma_wait3A_113 = arith.constant 0 : i32
        %dma_wait3A_114 = tpu.memref_slice %arg9[%run_scoped3A, %dma_wait3A_112, %dma_wait3A_113] : memref<2x128x64xf32, #tpu.memory_space<vmem>> -> memref<1x128x64xf32, #tpu.memory_space<vmem>>
        %dma_wait3A_115 = tpu.memref_squeeze %dma_wait3A_114 : memref<1x128x64xf32, #tpu.memory_space<vmem>> -> memref<128x64xf32, #tpu.memory_space<vmem>>
        %dma_wait3A_116 = arith.constant 0 : i32
        %dma_wait3A_117 = tpu.memref_slice %arg8[%add3A_67, %dma_wait3A_116] : memref<82x128xi32, #tpu.memory_space<vmem>> -> memref<1x128xi32, #tpu.memory_space<vmem>>
        %dma_wait3A_118 = tpu.memref_squeeze %dma_wait3A_117 : memref<1x128xi32, #tpu.memory_space<vmem>> -> memref<128xi32, #tpu.memory_space<vmem>>
        %dma_wait3A_119 = arith.constant 0 : i32
        %dma_wait3A_120 = arith.constant 0 : i32
        %dma_wait3A_121 = tpu.memref_slice %arg10[%dma_wait3A_119, %dma_wait3A_120] : memref<10240x64xf32, #tpu.memory_space<vmem_shared>> -> memref<10240x64xf32, #tpu.memory_space<vmem_shared>>
        tpu.wait_indirect_dma semaphore(%run_scoped3A_101 : memref<!tpu.dma_semaphore, #tpu.memory_space<semaphore_mem>>) src(%dma_wait3A_115 : memref<128x64xf32, #tpu.memory_space<vmem>>) dst(%dma_wait3A_121 : memref<10240x64xf32, #tpu.memory_space<vmem_shared>>)
        tpu.yield
      }) : () -> ()
      %add3A_78 = arith.constant 2 : i32
      %add3A_79 = arith.addi %add3A_67, %add3A_78 : i32
      %lt3A = arith.cmpi slt, %add3A_79, %select_n3A_3 : i32
      %convert_element_type3A = arith.extui %lt3A : i1 to i32
      %cond3A = arith.constant 0 : i32
      %cond3A_80 = arith.cmpi ne, %convert_element_type3A, %cond3A : i32
      scf.if %cond3A_80 {
        %dma_start3A_101 = arith.constant 0 : i32
        %dma_start3A_102 = arith.constant 0 : i32
        %dma_start3A_103 = arith.constant 0 : i32
        %dma_start3A_104 = tpu.memref_slice %arg9[%dma_start3A_101, %dma_start3A_102, %dma_start3A_103] : memref<2x128x64xf32, #tpu.memory_space<vmem>> -> memref<1x128x64xf32, #tpu.memory_space<vmem>>
        %dma_start3A_105 = tpu.memref_squeeze %dma_start3A_104 : memref<1x128x64xf32, #tpu.memory_space<vmem>> -> memref<128x64xf32, #tpu.memory_space<vmem>>
        %dma_start3A_106 = arith.constant 0 : i32
        %dma_start3A_107 = tpu.memref_slice %arg7[%add3A_79, %dma_start3A_106] : memref<82x128xi32, #tpu.memory_space<vmem>> -> memref<1x128xi32, #tpu.memory_space<vmem>>
        %dma_start3A_108 = tpu.memref_squeeze %dma_start3A_107 : memref<1x128xi32, #tpu.memory_space<vmem>> -> memref<128xi32, #tpu.memory_space<vmem>>
        %dma_start3A_109 = arith.constant 0 : i32
        %dma_start3A_110 = arith.constant 0 : i32
        %dma_start3A_111 = tpu.memref_slice %arg11[%dma_start3A_109, %dma_start3A_110] : memref<10240x64xf32, #tpu.memory_space<vmem_shared>> -> memref<10240x64xf32, #tpu.memory_space<vmem_shared>>
        tpu.enqueue_indirect_dma source(%dma_start3A_111 : memref<10240x64xf32, #tpu.memory_space<vmem_shared>>) target(%dma_start3A_105 : memref<128x64xf32, #tpu.memory_space<vmem>>) offsets(%dma_start3A_108 : memref<128xi32, #tpu.memory_space<vmem>>) semaphore(%arg12 : memref<!tpu.dma_semaphore, #tpu.memory_space<semaphore_mem>>)
      } else {
      }
      %add3A_81 = arith.constant 1 : i32
      %add3A_82 = arith.addi %mul3A_65, %add3A_81 : i32
      %dma_wait3A_83 = arith.constant 1 : i32
      %dma_wait3A_84 = arith.constant 0 : i32
      %dma_wait3A_85 = arith.constant 0 : i32
      %dma_wait3A_86 = tpu.memref_slice %arg9[%dma_wait3A_83, %dma_wait3A_84, %dma_wait3A_85] : memref<2x128x64xf32, #tpu.memory_space<vmem>> -> memref<1x128x64xf32, #tpu.memory_space<vmem>>
      %dma_wait3A_87 = tpu.memref_squeeze %dma_wait3A_86 : memref<1x128x64xf32, #tpu.memory_space<vmem>> -> memref<128x64xf32, #tpu.memory_space<vmem>>
      %dma_wait3A_88 = arith.constant 0 : i32
      %dma_wait3A_89 = tpu.memref_slice %arg7[%add3A_82, %dma_wait3A_88] : memref<82x128xi32, #tpu.memory_space<vmem>> -> memref<1x128xi32, #tpu.memory_space<vmem>>
      %dma_wait3A_90 = tpu.memref_squeeze %dma_wait3A_89 : memref<1x128xi32, #tpu.memory_space<vmem>> -> memref<128xi32, #tpu.memory_space<vmem>>
      %dma_wait3A_91 = arith.constant 0 : i32
      %dma_wait3A_92 = arith.constant 0 : i32
      %dma_wait3A_93 = tpu.memref_slice %arg11[%dma_wait3A_91, %dma_wait3A_92] : memref<10240x64xf32, #tpu.memory_space<vmem_shared>> -> memref<10240x64xf32, #tpu.memory_space<vmem_shared>>
      tpu.wait_indirect_dma semaphore(%arg13 : memref<!tpu.dma_semaphore, #tpu.memory_space<semaphore_mem>>) src(%dma_wait3A_93 : memref<10240x64xf32, #tpu.memory_space<vmem_shared>>) dst(%dma_wait3A_87 : memref<128x64xf32, #tpu.memory_space<vmem>>)
      %run_scoped3A_94 = arith.constant 1 : i32
      "tpu.region"() ({
        %run_scoped3A_101 = tpu.sem_alloc : memref<!tpu.dma_semaphore, #tpu.memory_space<semaphore_mem>>
        %dma_start3A_102 = arith.constant 0 : i32
        %dma_start3A_103 = arith.constant 0 : i32
        %dma_start3A_104 = tpu.memref_slice %arg9[%run_scoped3A_94, %dma_start3A_102, %dma_start3A_103] : memref<2x128x64xf32, #tpu.memory_space<vmem>> -> memref<1x128x64xf32, #tpu.memory_space<vmem>>
        %dma_start3A_105 = tpu.memref_squeeze %dma_start3A_104 : memref<1x128x64xf32, #tpu.memory_space<vmem>> -> memref<128x64xf32, #tpu.memory_space<vmem>>
        %dma_start3A_106 = arith.constant 0 : i32
        %dma_start3A_107 = tpu.memref_slice %arg8[%add3A_82, %dma_start3A_106] : memref<82x128xi32, #tpu.memory_space<vmem>> -> memref<1x128xi32, #tpu.memory_space<vmem>>
        %dma_start3A_108 = tpu.memref_squeeze %dma_start3A_107 : memref<1x128xi32, #tpu.memory_space<vmem>> -> memref<128xi32, #tpu.memory_space<vmem>>
        %dma_start3A_109 = arith.constant 0 : i32
        %dma_start3A_110 = arith.constant 0 : i32
        %dma_start3A_111 = tpu.memref_slice %arg10[%dma_start3A_109, %dma_start3A_110] : memref<10240x64xf32, #tpu.memory_space<vmem_shared>> -> memref<10240x64xf32, #tpu.memory_space<vmem_shared>>
        tpu.enqueue_indirect_dma source(%dma_start3A_105 : memref<128x64xf32, #tpu.memory_space<vmem>>) target(%dma_start3A_111 : memref<10240x64xf32, #tpu.memory_space<vmem_shared>>) offsets(%dma_start3A_108 : memref<128xi32, #tpu.memory_space<vmem>>) semaphore(%run_scoped3A_101 : memref<!tpu.dma_semaphore, #tpu.memory_space<semaphore_mem>>) {add = true}
        %dma_wait3A_112 = arith.constant 0 : i32
        %dma_wait3A_113 = arith.constant 0 : i32
        %dma_wait3A_114 = tpu.memref_slice %arg9[%run_scoped3A_94, %dma_wait3A_112, %dma_wait3A_113] : memref<2x128x64xf32, #tpu.memory_space<vmem>> -> memref<1x128x64xf32, #tpu.memory_space<vmem>>
        %dma_wait3A_115 = tpu.memref_squeeze %dma_wait3A_114 : memref<1x128x64xf32, #tpu.memory_space<vmem>> -> memref<128x64xf32, #tpu.memory_space<vmem>>
        %dma_wait3A_116 = arith.constant 0 : i32
        %dma_wait3A_117 = tpu.memref_slice %arg8[%add3A_82, %dma_wait3A_116] : memref<82x128xi32, #tpu.memory_space<vmem>> -> memref<1x128xi32, #tpu.memory_space<vmem>>
        %dma_wait3A_118 = tpu.memref_squeeze %dma_wait3A_117 : memref<1x128xi32, #tpu.memory_space<vmem>> -> memref<128xi32, #tpu.memory_space<vmem>>
        %dma_wait3A_119 = arith.constant 0 : i32
        %dma_wait3A_120 = arith.constant 0 : i32
        %dma_wait3A_121 = tpu.memref_slice %arg10[%dma_wait3A_119, %dma_wait3A_120] : memref<10240x64xf32, #tpu.memory_space<vmem_shared>> -> memref<10240x64xf32, #tpu.memory_space<vmem_shared>>
        tpu.wait_indirect_dma semaphore(%run_scoped3A_101 : memref<!tpu.dma_semaphore, #tpu.memory_space<semaphore_mem>>) src(%dma_wait3A_115 : memref<128x64xf32, #tpu.memory_space<vmem>>) dst(%dma_wait3A_121 : memref<10240x64xf32, #tpu.memory_space<vmem_shared>>)
        tpu.yield
      }) : () -> ()
      %add3A_95 = arith.constant 2 : i32
      %add3A_96 = arith.addi %add3A_82, %add3A_95 : i32
      %lt3A_97 = arith.cmpi slt, %add3A_96, %select_n3A_3 : i32
      %convert_element_type3A_98 = arith.extui %lt3A_97 : i1 to i32
      %cond3A_99 = arith.constant 0 : i32
      %cond3A_100 = arith.cmpi ne, %convert_element_type3A_98, %cond3A_99 : i32
      scf.if %cond3A_100 {
        %dma_start3A_101 = arith.constant 1 : i32
        %dma_start3A_102 = arith.constant 0 : i32
        %dma_start3A_103 = arith.constant 0 : i32
        %dma_start3A_104 = tpu.memref_slice %arg9[%dma_start3A_101, %dma_start3A_102, %dma_start3A_103] : memref<2x128x64xf32, #tpu.memory_space<vmem>> -> memref<1x128x64xf32, #tpu.memory_space<vmem>>
        %dma_start3A_105 = tpu.memref_squeeze %dma_start3A_104 : memref<1x128x64xf32, #tpu.memory_space<vmem>> -> memref<128x64xf32, #tpu.memory_space<vmem>>
        %dma_start3A_106 = arith.constant 0 : i32
        %dma_start3A_107 = tpu.memref_slice %arg7[%add3A_96, %dma_start3A_106] : memref<82x128xi32, #tpu.memory_space<vmem>> -> memref<1x128xi32, #tpu.memory_space<vmem>>
        %dma_start3A_108 = tpu.memref_squeeze %dma_start3A_107 : memref<1x128xi32, #tpu.memory_space<vmem>> -> memref<128xi32, #tpu.memory_space<vmem>>
        %dma_start3A_109 = arith.constant 0 : i32
        %dma_start3A_110 = arith.constant 0 : i32
        %dma_start3A_111 = tpu.memref_slice %arg11[%dma_start3A_109, %dma_start3A_110] : memref<10240x64xf32, #tpu.memory_space<vmem_shared>> -> memref<10240x64xf32, #tpu.memory_space<vmem_shared>>
        tpu.enqueue_indirect_dma source(%dma_start3A_111 : memref<10240x64xf32, #tpu.memory_space<vmem_shared>>) target(%dma_start3A_105 : memref<128x64xf32, #tpu.memory_space<vmem>>) offsets(%dma_start3A_108 : memref<128xi32, #tpu.memory_space<vmem>>) semaphore(%arg13 : memref<!tpu.dma_semaphore, #tpu.memory_space<semaphore_mem>>)
      } else {
      }
    }
    %while3A_57 = arith.constant 1 : i32
    scf.for %while3A_63 = %while3A_55 to %while3A_51 step %while3A_57  : i32 {
      %mul3A_64 = arith.constant 2 : i32
      %mul3A_65 = arith.muli %while3A_63, %mul3A_64 : i32
      %add3A_66 = arith.constant 0 : i32
      %add3A_67 = arith.addi %mul3A_65, %add3A_66 : i32
      %dma_wait3A = arith.constant 0 : i32
      %dma_wait3A_68 = arith.constant 0 : i32
      %dma_wait3A_69 = arith.constant 0 : i32
      %dma_wait3A_70 = tpu.memref_slice %arg9[%dma_wait3A, %dma_wait3A_68, %dma_wait3A_69] : memref<2x128x64xf32, #tpu.memory_space<vmem>> -> memref<1x128x64xf32, #tpu.memory_space<vmem>>
      %dma_wait3A_71 = tpu.memref_squeeze %dma_wait3A_70 : memref<1x128x64xf32, #tpu.memory_space<vmem>> -> memref<128x64xf32, #tpu.memory_space<vmem>>
      %dma_wait3A_72 = arith.constant 0 : i32
      %dma_wait3A_73 = tpu.memref_slice %arg7[%add3A_67, %dma_wait3A_72] : memref<82x128xi32, #tpu.memory_space<vmem>> -> memref<1x128xi32, #tpu.memory_space<vmem>>
      %dma_wait3A_74 = tpu.memref_squeeze %dma_wait3A_73 : memref<1x128xi32, #tpu.memory_space<vmem>> -> memref<128xi32, #tpu.memory_space<vmem>>
      %dma_wait3A_75 = arith.constant 0 : i32
      %dma_wait3A_76 = arith.constant 0 : i32
      %dma_wait3A_77 = tpu.memref_slice %arg11[%dma_wait3A_75, %dma_wait3A_76] : memref<10240x64xf32, #tpu.memory_space<vmem_shared>> -> memref<10240x64xf32, #tpu.memory_space<vmem_shared>>
      tpu.wait_indirect_dma semaphore(%arg12 : memref<!tpu.dma_semaphore, #tpu.memory_space<semaphore_mem>>) src(%dma_wait3A_77 : memref<10240x64xf32, #tpu.memory_space<vmem_shared>>) dst(%dma_wait3A_71 : memref<128x64xf32, #tpu.memory_space<vmem>>)
      %run_scoped3A = arith.constant 0 : i32
      "tpu.region"() ({
        %run_scoped3A_101 = tpu.sem_alloc : memref<!tpu.dma_semaphore, #tpu.memory_space<semaphore_mem>>
        %dma_start3A_102 = arith.constant 0 : i32
        %dma_start3A_103 = arith.constant 0 : i32
        %dma_start3A_104 = tpu.memref_slice %arg9[%run_scoped3A, %dma_start3A_102, %dma_start3A_103] : memref<2x128x64xf32, #tpu.memory_space<vmem>> -> memref<1x128x64xf32, #tpu.memory_space<vmem>>
        %dma_start3A_105 = tpu.memref_squeeze %dma_start3A_104 : memref<1x128x64xf32, #tpu.memory_space<vmem>> -> memref<128x64xf32, #tpu.memory_space<vmem>>
        %dma_start3A_106 = arith.constant 0 : i32
        %dma_start3A_107 = tpu.memref_slice %arg8[%add3A_67, %dma_start3A_106] : memref<82x128xi32, #tpu.memory_space<vmem>> -> memref<1x128xi32, #tpu.memory_space<vmem>>
        %dma_start3A_108 = tpu.memref_squeeze %dma_start3A_107 : memref<1x128xi32, #tpu.memory_space<vmem>> -> memref<128xi32, #tpu.memory_space<vmem>>
        %dma_start3A_109 = arith.constant 0 : i32
        %dma_start3A_110 = arith.constant 0 : i32
        %dma_start3A_111 = tpu.memref_slice %arg10[%dma_start3A_109, %dma_start3A_110] : memref<10240x64xf32, #tpu.memory_space<vmem_shared>> -> memref<10240x64xf32, #tpu.memory_space<vmem_shared>>
        tpu.enqueue_indirect_dma source(%dma_start3A_105 : memref<128x64xf32, #tpu.memory_space<vmem>>) target(%dma_start3A_111 : memref<10240x64xf32, #tpu.memory_space<vmem_shared>>) offsets(%dma_start3A_108 : memref<128xi32, #tpu.memory_space<vmem>>) semaphore(%run_scoped3A_101 : memref<!tpu.dma_semaphore, #tpu.memory_space<semaphore_mem>>) {add = true}
        %dma_wait3A_112 = arith.constant 0 : i32
        %dma_wait3A_113 = arith.constant 0 : i32
        %dma_wait3A_114 = tpu.memref_slice %arg9[%run_scoped3A, %dma_wait3A_112, %dma_wait3A_113] : memref<2x128x64xf32, #tpu.memory_space<vmem>> -> memref<1x128x64xf32, #tpu.memory_space<vmem>>
        %dma_wait3A_115 = tpu.memref_squeeze %dma_wait3A_114 : memref<1x128x64xf32, #tpu.memory_space<vmem>> -> memref<128x64xf32, #tpu.memory_space<vmem>>
        %dma_wait3A_116 = arith.constant 0 : i32
        %dma_wait3A_117 = tpu.memref_slice %arg8[%add3A_67, %dma_wait3A_116] : memref<82x128xi32, #tpu.memory_space<vmem>> -> memref<1x128xi32, #tpu.memory_space<vmem>>
        %dma_wait3A_118 = tpu.memref_squeeze %dma_wait3A_117 : memref<1x128xi32, #tpu.memory_space<vmem>> -> memref<128xi32, #tpu.memory_space<vmem>>
        %dma_wait3A_119 = arith.constant 0 : i32
        %dma_wait3A_120 = arith.constant 0 : i32
        %dma_wait3A_121 = tpu.memref_slice %arg10[%dma_wait3A_119, %dma_wait3A_120] : memref<10240x64xf32, #tpu.memory_space<vmem_shared>> -> memref<10240x64xf32, #tpu.memory_space<vmem_shared>>
        tpu.wait_indirect_dma semaphore(%run_scoped3A_101 : memref<!tpu.dma_semaphore, #tpu.memory_space<semaphore_mem>>) src(%dma_wait3A_115 : memref<128x64xf32, #tpu.memory_space<vmem>>) dst(%dma_wait3A_121 : memref<10240x64xf32, #tpu.memory_space<vmem_shared>>)
        tpu.yield
      }) : () -> ()
      %add3A_78 = arith.constant 2 : i32
      %add3A_79 = arith.addi %add3A_67, %add3A_78 : i32
      %lt3A = arith.cmpi slt, %add3A_79, %select_n3A_3 : i32
      %convert_element_type3A = arith.extui %lt3A : i1 to i32
      %cond3A = arith.constant 0 : i32
      %cond3A_80 = arith.cmpi ne, %convert_element_type3A, %cond3A : i32
      scf.if %cond3A_80 {
        %dma_start3A_101 = arith.constant 0 : i32
        %dma_start3A_102 = arith.constant 0 : i32
        %dma_start3A_103 = arith.constant 0 : i32
        %dma_start3A_104 = tpu.memref_slice %arg9[%dma_start3A_101, %dma_start3A_102, %dma_start3A_103] : memref<2x128x64xf32, #tpu.memory_space<vmem>> -> memref<1x128x64xf32, #tpu.memory_space<vmem>>
        %dma_start3A_105 = tpu.memref_squeeze %dma_start3A_104 : memref<1x128x64xf32, #tpu.memory_space<vmem>> -> memref<128x64xf32, #tpu.memory_space<vmem>>
        %dma_start3A_106 = arith.constant 0 : i32
        %dma_start3A_107 = tpu.memref_slice %arg7[%add3A_79, %dma_start3A_106] : memref<82x128xi32, #tpu.memory_space<vmem>> -> memref<1x128xi32, #tpu.memory_space<vmem>>
        %dma_start3A_108 = tpu.memref_squeeze %dma_start3A_107 : memref<1x128xi32, #tpu.memory_space<vmem>> -> memref<128xi32, #tpu.memory_space<vmem>>
        %dma_start3A_109 = arith.constant 0 : i32
        %dma_start3A_110 = arith.constant 0 : i32
        %dma_start3A_111 = tpu.memref_slice %arg11[%dma_start3A_109, %dma_start3A_110] : memref<10240x64xf32, #tpu.memory_space<vmem_shared>> -> memref<10240x64xf32, #tpu.memory_space<vmem_shared>>
        tpu.enqueue_indirect_dma source(%dma_start3A_111 : memref<10240x64xf32, #tpu.memory_space<vmem_shared>>) target(%dma_start3A_105 : memref<128x64xf32, #tpu.memory_space<vmem>>) offsets(%dma_start3A_108 : memref<128xi32, #tpu.memory_space<vmem>>) semaphore(%arg12 : memref<!tpu.dma_semaphore, #tpu.memory_space<semaphore_mem>>)
      } else {
      }
      %add3A_81 = arith.constant 1 : i32
      %add3A_82 = arith.addi %mul3A_65, %add3A_81 : i32
      %dma_wait3A_83 = arith.constant 1 : i32
      %dma_wait3A_84 = arith.constant 0 : i32
      %dma_wait3A_85 = arith.constant 0 : i32
      %dma_wait3A_86 = tpu.memref_slice %arg9[%dma_wait3A_83, %dma_wait3A_84, %dma_wait3A_85] : memref<2x128x64xf32, #tpu.memory_space<vmem>> -> memref<1x128x64xf32, #tpu.memory_space<vmem>>
      %dma_wait3A_87 = tpu.memref_squeeze %dma_wait3A_86 : memref<1x128x64xf32, #tpu.memory_space<vmem>> -> memref<128x64xf32, #tpu.memory_space<vmem>>
      %dma_wait3A_88 = arith.constant 0 : i32
      %dma_wait3A_89 = tpu.memref_slice %arg7[%add3A_82, %dma_wait3A_88] : memref<82x128xi32, #tpu.memory_space<vmem>> -> memref<1x128xi32, #tpu.memory_space<vmem>>
      %dma_wait3A_90 = tpu.memref_squeeze %dma_wait3A_89 : memref<1x128xi32, #tpu.memory_space<vmem>> -> memref<128xi32, #tpu.memory_space<vmem>>
      %dma_wait3A_91 = arith.constant 0 : i32
      %dma_wait3A_92 = arith.constant 0 : i32
      %dma_wait3A_93 = tpu.memref_slice %arg11[%dma_wait3A_91, %dma_wait3A_92] : memref<10240x64xf32, #tpu.memory_space<vmem_shared>> -> memref<10240x64xf32, #tpu.memory_space<vmem_shared>>
      tpu.wait_indirect_dma semaphore(%arg13 : memref<!tpu.dma_semaphore, #tpu.memory_space<semaphore_mem>>) src(%dma_wait3A_93 : memref<10240x64xf32, #tpu.memory_space<vmem_shared>>) dst(%dma_wait3A_87 : memref<128x64xf32, #tpu.memory_space<vmem>>)
      %run_scoped3A_94 = arith.constant 1 : i32
      "tpu.region"() ({
        %run_scoped3A_101 = tpu.sem_alloc : memref<!tpu.dma_semaphore, #tpu.memory_space<semaphore_mem>>
        %dma_start3A_102 = arith.constant 0 : i32
        %dma_start3A_103 = arith.constant 0 : i32
        %dma_start3A_104 = tpu.memref_slice %arg9[%run_scoped3A_94, %dma_start3A_102, %dma_start3A_103] : memref<2x128x64xf32, #tpu.memory_space<vmem>> -> memref<1x128x64xf32, #tpu.memory_space<vmem>>
        %dma_start3A_105 = tpu.memref_squeeze %dma_start3A_104 : memref<1x128x64xf32, #tpu.memory_space<vmem>> -> memref<128x64xf32, #tpu.memory_space<vmem>>
        %dma_start3A_106 = arith.constant 0 : i32
        %dma_start3A_107 = tpu.memref_slice %arg8[%add3A_82, %dma_start3A_106] : memref<82x128xi32, #tpu.memory_space<vmem>> -> memref<1x128xi32, #tpu.memory_space<vmem>>
        %dma_start3A_108 = tpu.memref_squeeze %dma_start3A_107 : memref<1x128xi32, #tpu.memory_space<vmem>> -> memref<128xi32, #tpu.memory_space<vmem>>
        %dma_start3A_109 = arith.constant 0 : i32
        %dma_start3A_110 = arith.constant 0 : i32
        %dma_start3A_111 = tpu.memref_slice %arg10[%dma_start3A_109, %dma_start3A_110] : memref<10240x64xf32, #tpu.memory_space<vmem_shared>> -> memref<10240x64xf32, #tpu.memory_space<vmem_shared>>
        tpu.enqueue_indirect_dma source(%dma_start3A_105 : memref<128x64xf32, #tpu.memory_space<vmem>>) target(%dma_start3A_111 : memref<10240x64xf32, #tpu.memory_space<vmem_shared>>) offsets(%dma_start3A_108 : memref<128xi32, #tpu.memory_space<vmem>>) semaphore(%run_scoped3A_101 : memref<!tpu.dma_semaphore, #tpu.memory_space<semaphore_mem>>) {add = true}
        %dma_wait3A_112 = arith.constant 0 : i32
        %dma_wait3A_113 = arith.constant 0 : i32
        %dma_wait3A_114 = tpu.memref_slice %arg9[%run_scoped3A_94, %dma_wait3A_112, %dma_wait3A_113] : memref<2x128x64xf32, #tpu.memory_space<vmem>> -> memref<1x128x64xf32, #tpu.memory_space<vmem>>
        %dma_wait3A_115 = tpu.memref_squeeze %dma_wait3A_114 : memref<1x128x64xf32, #tpu.memory_space<vmem>> -> memref<128x64xf32, #tpu.memory_space<vmem>>
        %dma_wait3A_116 = arith.constant 0 : i32
        %dma_wait3A_117 = tpu.memref_slice %arg8[%add3A_82, %dma_wait3A_116] : memref<82x128xi32, #tpu.memory_space<vmem>> -> memref<1x128xi32, #tpu.memory_space<vmem>>
        %dma_wait3A_118 = tpu.memref_squeeze %dma_wait3A_117 : memref<1x128xi32, #tpu.memory_space<vmem>> -> memref<128xi32, #tpu.memory_space<vmem>>
        %dma_wait3A_119 = arith.constant 0 : i32
        %dma_wait3A_120 = arith.constant 0 : i32
        %dma_wait3A_121 = tpu.memref_slice %arg10[%dma_wait3A_119, %dma_wait3A_120] : memref<10240x64xf32, #tpu.memory_space<vmem_shared>> -> memref<10240x64xf32, #tpu.memory_space<vmem_shared>>
        tpu.wait_indirect_dma semaphore(%run_scoped3A_101 : memref<!tpu.dma_semaphore, #tpu.memory_space<semaphore_mem>>) src(%dma_wait3A_115 : memref<128x64xf32, #tpu.memory_space<vmem>>) dst(%dma_wait3A_121 : memref<10240x64xf32, #tpu.memory_space<vmem_shared>>)
        tpu.yield
      }) : () -> ()
      %add3A_95 = arith.constant 2 : i32
      %add3A_96 = arith.addi %add3A_82, %add3A_95 : i32
      %lt3A_97 = arith.cmpi slt, %add3A_96, %select_n3A_3 : i32
      %convert_element_type3A_98 = arith.extui %lt3A_97 : i1 to i32
      %cond3A_99 = arith.constant 0 : i32
      %cond3A_100 = arith.cmpi ne, %convert_element_type3A_98, %cond3A_99 : i32
      scf.if %cond3A_100 {
        %dma_start3A_101 = arith.constant 1 : i32
        %dma_start3A_102 = arith.constant 0 : i32
        %dma_start3A_103 = arith.constant 0 : i32
        %dma_start3A_104 = tpu.memref_slice %arg9[%dma_start3A_101, %dma_start3A_102, %dma_start3A_103] : memref<2x128x64xf32, #tpu.memory_space<vmem>> -> memref<1x128x64xf32, #tpu.memory_space<vmem>>
        %dma_start3A_105 = tpu.memref_squeeze %dma_start3A_104 : memref<1x128x64xf32, #tpu.memory_space<vmem>> -> memref<128x64xf32, #tpu.memory_space<vmem>>
        %dma_start3A_106 = arith.constant 0 : i32
        %dma_start3A_107 = tpu.memref_slice %arg7[%add3A_96, %dma_start3A_106] : memref<82x128xi32, #tpu.memory_space<vmem>> -> memref<1x128xi32, #tpu.memory_space<vmem>>
        %dma_start3A_108 = tpu.memref_squeeze %dma_start3A_107 : memref<1x128xi32, #tpu.memory_space<vmem>> -> memref<128xi32, #tpu.memory_space<vmem>>
        %dma_start3A_109 = arith.constant 0 : i32
        %dma_start3A_110 = arith.constant 0 : i32
        %dma_start3A_111 = tpu.memref_slice %arg11[%dma_start3A_109, %dma_start3A_110] : memref<10240x64xf32, #tpu.memory_space<vmem_shared>> -> memref<10240x64xf32, #tpu.memory_space<vmem_shared>>
        tpu.enqueue_indirect_dma source(%dma_start3A_111 : memref<10240x64xf32, #tpu.memory_space<vmem_shared>>) target(%dma_start3A_105 : memref<128x64xf32, #tpu.memory_space<vmem>>) offsets(%dma_start3A_108 : memref<128xi32, #tpu.memory_space<vmem>>) semaphore(%arg13 : memref<!tpu.dma_semaphore, #tpu.memory_space<semaphore_mem>>)
      } else {
      }
    }
    %barrier3A_58 = arith.constant 0 : index
    tpu.barrier barrier_id(%barrier3A_58)
    %mul3A_59 = arith.constant 640 : i32
    %mul3A_60 = arith.muli %arg1, %mul3A_59 : i32
    %mul3A_61 = arith.constant 640 : i32
    %mul3A_62 = arith.muli %arg1, %mul3A_61 : i32
    "tpu.region"() ({
      %run_scoped3A = tpu.sem_alloc : memref<!tpu.dma_semaphore, #tpu.memory_space<semaphore_mem>>
      %dma_start3A_63 = arith.constant 0 : i32
      %dma_start3A_64 = tpu.memref_slice %arg6[%arg0, %mul3A_62, %dma_start3A_63] : memref<2x10240x64xf32, #tpu.memory_space<hbm>> -> memref<1x640x64xf32, #tpu.memory_space<hbm>>
      %dma_start3A_65 = tpu.memref_squeeze %dma_start3A_64 : memref<1x640x64xf32, #tpu.memory_space<hbm>> -> memref<640x64xf32, #tpu.memory_space<hbm>>
      %dma_start3A_66 = arith.constant 0 : i32
      %dma_start3A_67 = tpu.memref_slice %arg10[%mul3A_60, %dma_start3A_66] : memref<10240x64xf32, #tpu.memory_space<vmem_shared>> -> memref<640x64xf32, #tpu.memory_space<vmem_shared>>
      tpu.enqueue_dma source(%dma_start3A_67 : memref<640x64xf32, #tpu.memory_space<vmem_shared>>) target(%dma_start3A_65 : memref<640x64xf32, #tpu.memory_space<hbm>>) target_semaphore(%run_scoped3A : memref<!tpu.dma_semaphore, #tpu.memory_space<semaphore_mem>>)
      %dma_wait3A = arith.constant 0 : i32
      %dma_wait3A_68 = tpu.memref_slice %arg6[%arg0, %mul3A_62, %dma_wait3A] : memref<2x10240x64xf32, #tpu.memory_space<hbm>> -> memref<1x640x64xf32, #tpu.memory_space<hbm>>
      %dma_wait3A_69 = tpu.memref_squeeze %dma_wait3A_68 : memref<1x640x64xf32, #tpu.memory_space<hbm>> -> memref<640x64xf32, #tpu.memory_space<hbm>>
      %dma_wait3A_70 = arith.constant 0 : i32
      %dma_wait3A_71 = tpu.memref_slice %arg10[%mul3A_60, %dma_wait3A_70] : memref<10240x64xf32, #tpu.memory_space<vmem_shared>> -> memref<640x64xf32, #tpu.memory_space<vmem_shared>>
      tpu.wait_dma2 semaphore(%run_scoped3A : memref<!tpu.dma_semaphore, #tpu.memory_space<semaphore_mem>>) src(%dma_wait3A_71 : memref<640x64xf32, #tpu.memory_space<vmem_shared>>) dst(%dma_wait3A_69 : memref<640x64xf32, #tpu.memory_space<hbm>>)
      tpu.yield
    }) : () -> ()
    return
  }
}

#map = affine_map<(d0, d1) -> (0, 0)>
#map1 = affine_map<(d0, d1) -> (0, 0, 0)>
module attributes {stable_mosaic.version = 14 : i64} {
  func.func @_seg_body(%arg0: i32, %arg1: i32, %arg2: memref<10240x64xf32, #tpu.memory_space<hbm>>, %arg3: memref<32x82x128xi32, #tpu.memory_space<hbm>>, %arg4: memref<32x82x128xi32, #tpu.memory_space<hbm>>, %arg5: memref<640x64xf32, #tpu.memory_space<hbm>>, %arg6: memref<2x10240x64xf32, #tpu.memory_space<hbm>>, %arg7: memref<82x128xi32, #tpu.memory_space<vmem>>, %arg8: memref<82x128xi32, #tpu.memory_space<vmem>>, %arg9: memref<2x128x64xf32, #tpu.memory_space<vmem>>, %arg10: memref<10240x64xf32, #tpu.memory_space<vmem_shared>>, %arg11: memref<10240x64xf32, #tpu.memory_space<vmem_shared>>, %arg12: memref<!tpu.dma_semaphore, #tpu.memory_space<semaphore_mem>>, %arg13: memref<!tpu.dma_semaphore, #tpu.memory_space<semaphore_mem>>) attributes {dimension_semantics = [#tpu.dimension_semantics<core_parallel>, #tpu.dimension_semantics<subcore_parallel>], iteration_bounds = array<i64: 2, 16>, scalar_prefetch = 0 : i64, scratch_operands = 7 : i64, tpu.core_type = #tpu.core_type<sc_vector_subcore>, window_params = [{transform_indices = #map}, {transform_indices = #map1}, {transform_indices = #map1}, {transform_indices = #map}, {transform_indices = #map1}]} {
    %mul3A = arith.constant 2 : i32
    %mul3A_0 = arith.muli %arg1, %mul3A : i32
    %add3A = arith.addi %mul3A_0, %arg0 : i32
    %eq3A = arith.constant 0 : i32
    %eq3A_1 = arith.cmpi eq, %arg0, %eq3A : i32
    %select_n3A = arith.constant 82 : i32
    %select_n3A_2 = arith.constant 82 : i32
    %select_n3A_3 = arith.select %eq3A_1, %select_n3A_2, %select_n3A : i32
    %mul3A_4 = arith.constant 640 : i32
    %mul3A_5 = arith.muli %arg1, %mul3A_4 : i32
    "tpu.region"() ({
      %run_scoped3A = tpu.sem_alloc : memref<!tpu.dma_semaphore, #tpu.memory_space<semaphore_mem>>
      %dma_start3A_63 = arith.constant 0 : i32
      %dma_start3A_64 = tpu.memref_slice %arg10[%mul3A_5, %dma_start3A_63] : memref<10240x64xf32, #tpu.memory_space<vmem_shared>> -> memref<640x64xf32, #tpu.memory_space<vmem_shared>>
      tpu.enqueue_dma source(%arg5 : memref<640x64xf32, #tpu.memory_space<hbm>>) target(%dma_start3A_64 : memref<640x64xf32, #tpu.memory_space<vmem_shared>>) target_semaphore(%run_scoped3A : memref<!tpu.dma_semaphore, #tpu.memory_space<semaphore_mem>>)
      %dma_wait3A = arith.constant 0 : i32
      %dma_wait3A_65 = tpu.memref_slice %arg10[%mul3A_5, %dma_wait3A] : memref<10240x64xf32, #tpu.memory_space<vmem_shared>> -> memref<640x64xf32, #tpu.memory_space<vmem_shared>>
      tpu.wait_dma2 semaphore(%run_scoped3A : memref<!tpu.dma_semaphore, #tpu.memory_space<semaphore_mem>>) src(%arg5 : memref<640x64xf32, #tpu.memory_space<hbm>>) dst(%dma_wait3A_65 : memref<640x64xf32, #tpu.memory_space<vmem_shared>>)
      tpu.yield
    }) : () -> ()
    %mul3A_6 = arith.constant 640 : i32
    %mul3A_7 = arith.muli %arg1, %mul3A_6 : i32
    %mul3A_8 = arith.constant 640 : i32
    %mul3A_9 = arith.muli %arg1, %mul3A_8 : i32
    "tpu.region"() ({
      %run_scoped3A = tpu.sem_alloc : memref<!tpu.dma_semaphore, #tpu.memory_space<semaphore_mem>>
      %dma_start3A_63 = arith.constant 0 : i32
      %dma_start3A_64 = tpu.memref_slice %arg11[%mul3A_9, %dma_start3A_63] : memref<10240x64xf32, #tpu.memory_space<vmem_shared>> -> memref<640x64xf32, #tpu.memory_space<vmem_shared>>
      %dma_start3A_65 = arith.constant 0 : i32
      %dma_start3A_66 = tpu.memref_slice %arg2[%mul3A_7, %dma_start3A_65] : memref<10240x64xf32, #tpu.memory_space<hbm>> -> memref<640x64xf32, #tpu.memory_space<hbm>>
      tpu.enqueue_dma source(%dma_start3A_66 : memref<640x64xf32, #tpu.memory_space<hbm>>) target(%dma_start3A_64 : memref<640x64xf32, #tpu.memory_space<vmem_shared>>) target_semaphore(%run_scoped3A : memref<!tpu.dma_semaphore, #tpu.memory_space<semaphore_mem>>)
      %dma_wait3A = arith.constant 0 : i32
      %dma_wait3A_67 = tpu.memref_slice %arg11[%mul3A_9, %dma_wait3A] : memref<10240x64xf32, #tpu.memory_space<vmem_shared>> -> memref<640x64xf32, #tpu.memory_space<vmem_shared>>
      %dma_wait3A_68 = arith.constant 0 : i32
      %dma_wait3A_69 = tpu.memref_slice %arg2[%mul3A_7, %dma_wait3A_68] : memref<10240x64xf32, #tpu.memory_space<hbm>> -> memref<640x64xf32, #tpu.memory_space<hbm>>
      tpu.wait_dma2 semaphore(%run_scoped3A : memref<!tpu.dma_semaphore, #tpu.memory_space<semaphore_mem>>) src(%dma_wait3A_69 : memref<640x64xf32, #tpu.memory_space<hbm>>) dst(%dma_wait3A_67 : memref<640x64xf32, #tpu.memory_space<vmem_shared>>)
      tpu.yield
    }) : () -> ()
    "tpu.region"() ({
      %run_scoped3A = tpu.sem_alloc : memref<!tpu.dma_semaphore, #tpu.memory_space<semaphore_mem>>
      %dma_start3A_63 = arith.constant 0 : i32
      %dma_start3A_64 = arith.constant 0 : i32
      %dma_start3A_65 = tpu.memref_slice %arg3[%add3A, %dma_start3A_63, %dma_start3A_64] : memref<32x82x128xi32, #tpu.memory_space<hbm>> -> memref<1x82x128xi32, #tpu.memory_space<hbm>>
      %dma_start3A_66 = tpu.memref_squeeze %dma_start3A_65 : memref<1x82x128xi32, #tpu.memory_space<hbm>> -> memref<82x128xi32, #tpu.memory_space<hbm>>
      %dma_start3A_67 = arith.constant 0 : i32
      %dma_start3A_68 = arith.constant 0 : i32
      %dma_start3A_69 = tpu.memref_slice %arg3[%add3A, %dma_start3A_67, %dma_start3A_68] : memref<32x82x128xi32, #tpu.memory_space<hbm>> -> memref<1x82x128xi32, #tpu.memory_space<hbm>>
      %dma_start3A_70 = tpu.memref_squeeze %dma_start3A_69 : memref<1x82x128xi32, #tpu.memory_space<hbm>> -> memref<82x128xi32, #tpu.memory_space<hbm>>
      tpu.enqueue_dma source(%dma_start3A_70 : memref<82x128xi32, #tpu.memory_space<hbm>>) target(%arg7 : memref<82x128xi32, #tpu.memory_space<vmem>>) target_semaphore(%run_scoped3A : memref<!tpu.dma_semaphore, #tpu.memory_space<semaphore_mem>>)
      %dma_wait3A = arith.constant 0 : i32
      %dma_wait3A_71 = arith.constant 0 : i32
      %dma_wait3A_72 = tpu.memref_slice %arg3[%add3A, %dma_wait3A, %dma_wait3A_71] : memref<32x82x128xi32, #tpu.memory_space<hbm>> -> memref<1x82x128xi32, #tpu.memory_space<hbm>>
      %dma_wait3A_73 = tpu.memref_squeeze %dma_wait3A_72 : memref<1x82x128xi32, #tpu.memory_space<hbm>> -> memref<82x128xi32, #tpu.memory_space<hbm>>
      %dma_wait3A_74 = arith.constant 0 : i32
      %dma_wait3A_75 = arith.constant 0 : i32
      %dma_wait3A_76 = tpu.memref_slice %arg3[%add3A, %dma_wait3A_74, %dma_wait3A_75] : memref<32x82x128xi32, #tpu.memory_space<hbm>> -> memref<1x82x128xi32, #tpu.memory_space<hbm>>
      %dma_wait3A_77 = tpu.memref_squeeze %dma_wait3A_76 : memref<1x82x128xi32, #tpu.memory_space<hbm>> -> memref<82x128xi32, #tpu.memory_space<hbm>>
      tpu.wait_dma2 semaphore(%run_scoped3A : memref<!tpu.dma_semaphore, #tpu.memory_space<semaphore_mem>>) src(%dma_wait3A_77 : memref<82x128xi32, #tpu.memory_space<hbm>>) dst(%arg7 : memref<82x128xi32, #tpu.memory_space<vmem>>)
      tpu.yield
    }) : () -> ()
    "tpu.region"() ({
      %run_scoped3A = tpu.sem_alloc : memref<!tpu.dma_semaphore, #tpu.memory_space<semaphore_mem>>
      %dma_start3A_63 = arith.constant 0 : i32
      %dma_start3A_64 = arith.constant 0 : i32
      %dma_start3A_65 = tpu.memref_slice %arg4[%add3A, %dma_start3A_63, %dma_start3A_64] : memref<32x82x128xi32, #tpu.memory_space<hbm>> -> memref<1x82x128xi32, #tpu.memory_space<hbm>>
      %dma_start3A_66 = tpu.memref_squeeze %dma_start3A_65 : memref<1x82x128xi32, #tpu.memory_space<hbm>> -> memref<82x128xi32, #tpu.memory_space<hbm>>
      %dma_start3A_67 = arith.constant 0 : i32
      %dma_start3A_68 = arith.constant 0 : i32
      %dma_start3A_69 = tpu.memref_slice %arg4[%add3A, %dma_start3A_67, %dma_start3A_68] : memref<32x82x128xi32, #tpu.memory_space<hbm>> -> memref<1x82x128xi32, #tpu.memory_space<hbm>>
      %dma_start3A_70 = tpu.memref_squeeze %dma_start3A_69 : memref<1x82x128xi32, #tpu.memory_space<hbm>> -> memref<82x128xi32, #tpu.memory_space<hbm>>
      tpu.enqueue_dma source(%dma_start3A_70 : memref<82x128xi32, #tpu.memory_space<hbm>>) target(%arg8 : memref<82x128xi32, #tpu.memory_space<vmem>>) target_semaphore(%run_scoped3A : memref<!tpu.dma_semaphore, #tpu.memory_space<semaphore_mem>>)
      %dma_wait3A = arith.constant 0 : i32
      %dma_wait3A_71 = arith.constant 0 : i32
      %dma_wait3A_72 = tpu.memref_slice %arg4[%add3A, %dma_wait3A, %dma_wait3A_71] : memref<32x82x128xi32, #tpu.memory_space<hbm>> -> memref<1x82x128xi32, #tpu.memory_space<hbm>>
      %dma_wait3A_73 = tpu.memref_squeeze %dma_wait3A_72 : memref<1x82x128xi32, #tpu.memory_space<hbm>> -> memref<82x128xi32, #tpu.memory_space<hbm>>
      %dma_wait3A_74 = arith.constant 0 : i32
      %dma_wait3A_75 = arith.constant 0 : i32
      %dma_wait3A_76 = tpu.memref_slice %arg4[%add3A, %dma_wait3A_74, %dma_wait3A_75] : memref<32x82x128xi32, #tpu.memory_space<hbm>> -> memref<1x82x128xi32, #tpu.memory_space<hbm>>
      %dma_wait3A_77 = tpu.memref_squeeze %dma_wait3A_76 : memref<1x82x128xi32, #tpu.memory_space<hbm>> -> memref<82x128xi32, #tpu.memory_space<hbm>>
      tpu.wait_dma2 semaphore(%run_scoped3A : memref<!tpu.dma_semaphore, #tpu.memory_space<semaphore_mem>>) src(%dma_wait3A_77 : memref<82x128xi32, #tpu.memory_space<hbm>>) dst(%arg8 : memref<82x128xi32, #tpu.memory_space<vmem>>)
      tpu.yield
    }) : () -> ()
    %barrier3A = arith.constant 0 : index
    tpu.barrier barrier_id(%barrier3A)
    %dma_start3A = arith.constant 0 : i32
    %dma_start3A_10 = arith.constant 0 : i32
    %dma_start3A_11 = arith.constant 0 : i32
    %dma_start3A_12 = arith.constant 0 : i32
    %dma_start3A_13 = tpu.memref_slice %arg9[%dma_start3A_10, %dma_start3A_11, %dma_start3A_12] : memref<2x128x64xf32, #tpu.memory_space<vmem>> -> memref<1x128x64xf32, #tpu.memory_space<vmem>>
    %dma_start3A_14 = tpu.memref_squeeze %dma_start3A_13 : memref<1x128x64xf32, #tpu.memory_space<vmem>> -> memref<128x64xf32, #tpu.memory_space<vmem>>
    %dma_start3A_15 = arith.constant 0 : i32
    %dma_start3A_16 = tpu.memref_slice %arg7[%dma_start3A, %dma_start3A_15] : memref<82x128xi32, #tpu.memory_space<vmem>> -> memref<1x128xi32, #tpu.memory_space<vmem>>
    %dma_start3A_17 = tpu.memref_squeeze %dma_start3A_16 : memref<1x128xi32, #tpu.memory_space<vmem>> -> memref<128xi32, #tpu.memory_space<vmem>>
    %dma_start3A_18 = arith.constant 0 : i32
    %dma_start3A_19 = arith.constant 0 : i32
    %dma_start3A_20 = tpu.memref_slice %arg11[%dma_start3A_18, %dma_start3A_19] : memref<10240x64xf32, #tpu.memory_space<vmem_shared>> -> memref<10240x64xf32, #tpu.memory_space<vmem_shared>>
    tpu.enqueue_indirect_dma source(%dma_start3A_20 : memref<10240x64xf32, #tpu.memory_space<vmem_shared>>) target(%dma_start3A_14 : memref<128x64xf32, #tpu.memory_space<vmem>>) offsets(%dma_start3A_17 : memref<128xi32, #tpu.memory_space<vmem>>) semaphore(%arg12 : memref<!tpu.dma_semaphore, #tpu.memory_space<semaphore_mem>>)
    %dma_start3A_21 = arith.constant 1 : i32
    %dma_start3A_22 = arith.constant 1 : i32
    %dma_start3A_23 = arith.constant 0 : i32
    %dma_start3A_24 = arith.constant 0 : i32
    %dma_start3A_25 = tpu.memref_slice %arg9[%dma_start3A_22, %dma_start3A_23, %dma_start3A_24] : memref<2x128x64xf32, #tpu.memory_space<vmem>> -> memref<1x128x64xf32, #tpu.memory_space<vmem>>
    %dma_start3A_26 = tpu.memref_squeeze %dma_start3A_25 : memref<1x128x64xf32, #tpu.memory_space<vmem>> -> memref<128x64xf32, #tpu.memory_space<vmem>>
    %dma_start3A_27 = arith.constant 0 : i32
    %dma_start3A_28 = tpu.memref_slice %arg7[%dma_start3A_21, %dma_start3A_27] : memref<82x128xi32, #tpu.memory_space<vmem>> -> memref<1x128xi32, #tpu.memory_space<vmem>>
    %dma_start3A_29 = tpu.memref_squeeze %dma_start3A_28 : memref<1x128xi32, #tpu.memory_space<vmem>> -> memref<128xi32, #tpu.memory_space<vmem>>
    %dma_start3A_30 = arith.constant 0 : i32
    %dma_start3A_31 = arith.constant 0 : i32
    %dma_start3A_32 = tpu.memref_slice %arg11[%dma_start3A_30, %dma_start3A_31] : memref<10240x64xf32, #tpu.memory_space<vmem_shared>> -> memref<10240x64xf32, #tpu.memory_space<vmem_shared>>
    tpu.enqueue_indirect_dma source(%dma_start3A_32 : memref<10240x64xf32, #tpu.memory_space<vmem_shared>>) target(%dma_start3A_26 : memref<128x64xf32, #tpu.memory_space<vmem>>) offsets(%dma_start3A_29 : memref<128xi32, #tpu.memory_space<vmem>>) semaphore(%arg13 : memref<!tpu.dma_semaphore, #tpu.memory_space<semaphore_mem>>)
    %jit3A = arith.constant 2 : i32
    %div3A = arith.divsi %select_n3A_3, %jit3A : i32
    %sign3A = arith.constant 0 : i32
    %sign3A_33 = arith.cmpi sgt, %select_n3A_3, %sign3A : i32
    %sign3A_34 = arith.extui %sign3A_33 : i1 to i32
    %sign3A_35 = arith.constant 0 : i32
    %sign3A_36 = arith.cmpi slt, %select_n3A_3, %sign3A_35 : i32
    %sign3A_37 = arith.extui %sign3A_36 : i1 to i32
    %sign3A_38 = arith.subi %sign3A_34, %sign3A_37 : i32
    %sign3A_39 = arith.constant 0 : i32
    %sign3A_40 = arith.cmpi sgt, %jit3A, %sign3A_39 : i32
    %sign3A_41 = arith.extui %sign3A_40 : i1 to i32
    %sign3A_42 = arith.constant 0 : i32
    %sign3A_43 = arith.cmpi slt, %jit3A, %sign3A_42 : i32
    %sign3A_44 = arith.extui %sign3A_43 : i1 to i32
    %sign3A_45 = arith.subi %sign3A_41, %sign3A_44 : i32
    %ne3A = arith.cmpi ne, %sign3A_38, %sign3A_45 : i32
    %rem3A = arith.remsi %select_n3A_3, %jit3A : i32
    %ne3A_46 = arith.constant 0 : i32
    %ne3A_47 = arith.cmpi ne, %rem3A, %ne3A_46 : i32
    %and3A = arith.andi %ne3A, %ne3A_47 : i1
    %sub3A = arith.constant 1 : i32
    %sub3A_48 = arith.subi %div3A, %sub3A : i32
    %select_n3A_49 = arith.select %and3A, %sub3A_48, %div3A : i32
    %while3A = arith.constant 0 : i32
    %while3A_50 = arith.subi %select_n3A_49, %while3A : i32
    %while3A_51 = arith.addi %while3A, %while3A_50 : i32
    %while3A_52 = arith.constant 1 : i32
    %while3A_53 = arith.divsi %while3A_50, %while3A_52 : i32
    %while3A_54 = arith.muli %while3A_53, %while3A_52 : i32
    %while3A_55 = arith.addi %while3A, %while3A_54 : i32
    %while3A_56 = arith.constant 1 : i32
    scf.for %while3A_63 = %while3A to %while3A_55 step %while3A_56  : i32 {
      %mul3A_64 = arith.constant 2 : i32
      %mul3A_65 = arith.muli %while3A_63, %mul3A_64 : i32
      %add3A_66 = arith.constant 0 : i32
      %add3A_67 = arith.addi %mul3A_65, %add3A_66 : i32
      %dma_wait3A = arith.constant 0 : i32
      %dma_wait3A_68 = arith.constant 0 : i32
      %dma_wait3A_69 = arith.constant 0 : i32
      %dma_wait3A_70 = tpu.memref_slice %arg9[%dma_wait3A, %dma_wait3A_68, %dma_wait3A_69] : memref<2x128x64xf32, #tpu.memory_space<vmem>> -> memref<1x128x64xf32, #tpu.memory_space<vmem>>
      %dma_wait3A_71 = tpu.memref_squeeze %dma_wait3A_70 : memref<1x128x64xf32, #tpu.memory_space<vmem>> -> memref<128x64xf32, #tpu.memory_space<vmem>>
      %dma_wait3A_72 = arith.constant 0 : i32
      %dma_wait3A_73 = tpu.memref_slice %arg7[%add3A_67, %dma_wait3A_72] : memref<82x128xi32, #tpu.memory_space<vmem>> -> memref<1x128xi32, #tpu.memory_space<vmem>>
      %dma_wait3A_74 = tpu.memref_squeeze %dma_wait3A_73 : memref<1x128xi32, #tpu.memory_space<vmem>> -> memref<128xi32, #tpu.memory_space<vmem>>
      %dma_wait3A_75 = arith.constant 0 : i32
      %dma_wait3A_76 = arith.constant 0 : i32
      %dma_wait3A_77 = tpu.memref_slice %arg11[%dma_wait3A_75, %dma_wait3A_76] : memref<10240x64xf32, #tpu.memory_space<vmem_shared>> -> memref<10240x64xf32, #tpu.memory_space<vmem_shared>>
      tpu.wait_indirect_dma semaphore(%arg12 : memref<!tpu.dma_semaphore, #tpu.memory_space<semaphore_mem>>) src(%dma_wait3A_77 : memref<10240x64xf32, #tpu.memory_space<vmem_shared>>) dst(%dma_wait3A_71 : memref<128x64xf32, #tpu.memory_space<vmem>>)
      %run_scoped3A = arith.constant 0 : i32
      "tpu.region"() ({
        %run_scoped3A_101 = tpu.sem_alloc : memref<!tpu.dma_semaphore, #tpu.memory_space<semaphore_mem>>
        %dma_start3A_102 = arith.constant 0 : i32
        %dma_start3A_103 = arith.constant 0 : i32
        %dma_start3A_104 = tpu.memref_slice %arg9[%run_scoped3A, %dma_start3A_102, %dma_start3A_103] : memref<2x128x64xf32, #tpu.memory_space<vmem>> -> memref<1x128x64xf32, #tpu.memory_space<vmem>>
        %dma_start3A_105 = tpu.memref_squeeze %dma_start3A_104 : memref<1x128x64xf32, #tpu.memory_space<vmem>> -> memref<128x64xf32, #tpu.memory_space<vmem>>
        %dma_start3A_106 = arith.constant 0 : i32
        %dma_start3A_107 = tpu.memref_slice %arg8[%add3A_67, %dma_start3A_106] : memref<82x128xi32, #tpu.memory_space<vmem>> -> memref<1x128xi32, #tpu.memory_space<vmem>>
        %dma_start3A_108 = tpu.memref_squeeze %dma_start3A_107 : memref<1x128xi32, #tpu.memory_space<vmem>> -> memref<128xi32, #tpu.memory_space<vmem>>
        %dma_start3A_109 = arith.constant 0 : i32
        %dma_start3A_110 = arith.constant 0 : i32
        %dma_start3A_111 = tpu.memref_slice %arg10[%dma_start3A_109, %dma_start3A_110] : memref<10240x64xf32, #tpu.memory_space<vmem_shared>> -> memref<10240x64xf32, #tpu.memory_space<vmem_shared>>
        tpu.enqueue_indirect_dma source(%dma_start3A_105 : memref<128x64xf32, #tpu.memory_space<vmem>>) target(%dma_start3A_111 : memref<10240x64xf32, #tpu.memory_space<vmem_shared>>) offsets(%dma_start3A_108 : memref<128xi32, #tpu.memory_space<vmem>>) semaphore(%run_scoped3A_101 : memref<!tpu.dma_semaphore, #tpu.memory_space<semaphore_mem>>) {add = true}
        %dma_wait3A_112 = arith.constant 0 : i32
        %dma_wait3A_113 = arith.constant 0 : i32
        %dma_wait3A_114 = tpu.memref_slice %arg9[%run_scoped3A, %dma_wait3A_112, %dma_wait3A_113] : memref<2x128x64xf32, #tpu.memory_space<vmem>> -> memref<1x128x64xf32, #tpu.memory_space<vmem>>
        %dma_wait3A_115 = tpu.memref_squeeze %dma_wait3A_114 : memref<1x128x64xf32, #tpu.memory_space<vmem>> -> memref<128x64xf32, #tpu.memory_space<vmem>>
        %dma_wait3A_116 = arith.constant 0 : i32
        %dma_wait3A_117 = tpu.memref_slice %arg8[%add3A_67, %dma_wait3A_116] : memref<82x128xi32, #tpu.memory_space<vmem>> -> memref<1x128xi32, #tpu.memory_space<vmem>>
        %dma_wait3A_118 = tpu.memref_squeeze %dma_wait3A_117 : memref<1x128xi32, #tpu.memory_space<vmem>> -> memref<128xi32, #tpu.memory_space<vmem>>
        %dma_wait3A_119 = arith.constant 0 : i32
        %dma_wait3A_120 = arith.constant 0 : i32
        %dma_wait3A_121 = tpu.memref_slice %arg10[%dma_wait3A_119, %dma_wait3A_120] : memref<10240x64xf32, #tpu.memory_space<vmem_shared>> -> memref<10240x64xf32, #tpu.memory_space<vmem_shared>>
        tpu.wait_indirect_dma semaphore(%run_scoped3A_101 : memref<!tpu.dma_semaphore, #tpu.memory_space<semaphore_mem>>) src(%dma_wait3A_115 : memref<128x64xf32, #tpu.memory_space<vmem>>) dst(%dma_wait3A_121 : memref<10240x64xf32, #tpu.memory_space<vmem_shared>>)
        tpu.yield
      }) : () -> ()
      %add3A_78 = arith.constant 2 : i32
      %add3A_79 = arith.addi %add3A_67, %add3A_78 : i32
      %lt3A = arith.cmpi slt, %add3A_79, %select_n3A_3 : i32
      %convert_element_type3A = arith.extui %lt3A : i1 to i32
      %cond3A = arith.constant 0 : i32
      %cond3A_80 = arith.cmpi ne, %convert_element_type3A, %cond3A : i32
      scf.if %cond3A_80 {
        %dma_start3A_101 = arith.constant 0 : i32
        %dma_start3A_102 = arith.constant 0 : i32
        %dma_start3A_103 = arith.constant 0 : i32
        %dma_start3A_104 = tpu.memref_slice %arg9[%dma_start3A_101, %dma_start3A_102, %dma_start3A_103] : memref<2x128x64xf32, #tpu.memory_space<vmem>> -> memref<1x128x64xf32, #tpu.memory_space<vmem>>
        %dma_start3A_105 = tpu.memref_squeeze %dma_start3A_104 : memref<1x128x64xf32, #tpu.memory_space<vmem>> -> memref<128x64xf32, #tpu.memory_space<vmem>>
        %dma_start3A_106 = arith.constant 0 : i32
        %dma_start3A_107 = tpu.memref_slice %arg7[%add3A_79, %dma_start3A_106] : memref<82x128xi32, #tpu.memory_space<vmem>> -> memref<1x128xi32, #tpu.memory_space<vmem>>
        %dma_start3A_108 = tpu.memref_squeeze %dma_start3A_107 : memref<1x128xi32, #tpu.memory_space<vmem>> -> memref<128xi32, #tpu.memory_space<vmem>>
        %dma_start3A_109 = arith.constant 0 : i32
        %dma_start3A_110 = arith.constant 0 : i32
        %dma_start3A_111 = tpu.memref_slice %arg11[%dma_start3A_109, %dma_start3A_110] : memref<10240x64xf32, #tpu.memory_space<vmem_shared>> -> memref<10240x64xf32, #tpu.memory_space<vmem_shared>>
        tpu.enqueue_indirect_dma source(%dma_start3A_111 : memref<10240x64xf32, #tpu.memory_space<vmem_shared>>) target(%dma_start3A_105 : memref<128x64xf32, #tpu.memory_space<vmem>>) offsets(%dma_start3A_108 : memref<128xi32, #tpu.memory_space<vmem>>) semaphore(%arg12 : memref<!tpu.dma_semaphore, #tpu.memory_space<semaphore_mem>>)
      } else {
      }
      %add3A_81 = arith.constant 1 : i32
      %add3A_82 = arith.addi %mul3A_65, %add3A_81 : i32
      %dma_wait3A_83 = arith.constant 1 : i32
      %dma_wait3A_84 = arith.constant 0 : i32
      %dma_wait3A_85 = arith.constant 0 : i32
      %dma_wait3A_86 = tpu.memref_slice %arg9[%dma_wait3A_83, %dma_wait3A_84, %dma_wait3A_85] : memref<2x128x64xf32, #tpu.memory_space<vmem>> -> memref<1x128x64xf32, #tpu.memory_space<vmem>>
      %dma_wait3A_87 = tpu.memref_squeeze %dma_wait3A_86 : memref<1x128x64xf32, #tpu.memory_space<vmem>> -> memref<128x64xf32, #tpu.memory_space<vmem>>
      %dma_wait3A_88 = arith.constant 0 : i32
      %dma_wait3A_89 = tpu.memref_slice %arg7[%add3A_82, %dma_wait3A_88] : memref<82x128xi32, #tpu.memory_space<vmem>> -> memref<1x128xi32, #tpu.memory_space<vmem>>
      %dma_wait3A_90 = tpu.memref_squeeze %dma_wait3A_89 : memref<1x128xi32, #tpu.memory_space<vmem>> -> memref<128xi32, #tpu.memory_space<vmem>>
      %dma_wait3A_91 = arith.constant 0 : i32
      %dma_wait3A_92 = arith.constant 0 : i32
      %dma_wait3A_93 = tpu.memref_slice %arg11[%dma_wait3A_91, %dma_wait3A_92] : memref<10240x64xf32, #tpu.memory_space<vmem_shared>> -> memref<10240x64xf32, #tpu.memory_space<vmem_shared>>
      tpu.wait_indirect_dma semaphore(%arg13 : memref<!tpu.dma_semaphore, #tpu.memory_space<semaphore_mem>>) src(%dma_wait3A_93 : memref<10240x64xf32, #tpu.memory_space<vmem_shared>>) dst(%dma_wait3A_87 : memref<128x64xf32, #tpu.memory_space<vmem>>)
      %run_scoped3A_94 = arith.constant 1 : i32
      "tpu.region"() ({
        %run_scoped3A_101 = tpu.sem_alloc : memref<!tpu.dma_semaphore, #tpu.memory_space<semaphore_mem>>
        %dma_start3A_102 = arith.constant 0 : i32
        %dma_start3A_103 = arith.constant 0 : i32
        %dma_start3A_104 = tpu.memref_slice %arg9[%run_scoped3A_94, %dma_start3A_102, %dma_start3A_103] : memref<2x128x64xf32, #tpu.memory_space<vmem>> -> memref<1x128x64xf32, #tpu.memory_space<vmem>>
        %dma_start3A_105 = tpu.memref_squeeze %dma_start3A_104 : memref<1x128x64xf32, #tpu.memory_space<vmem>> -> memref<128x64xf32, #tpu.memory_space<vmem>>
        %dma_start3A_106 = arith.constant 0 : i32
        %dma_start3A_107 = tpu.memref_slice %arg8[%add3A_82, %dma_start3A_106] : memref<82x128xi32, #tpu.memory_space<vmem>> -> memref<1x128xi32, #tpu.memory_space<vmem>>
        %dma_start3A_108 = tpu.memref_squeeze %dma_start3A_107 : memref<1x128xi32, #tpu.memory_space<vmem>> -> memref<128xi32, #tpu.memory_space<vmem>>
        %dma_start3A_109 = arith.constant 0 : i32
        %dma_start3A_110 = arith.constant 0 : i32
        %dma_start3A_111 = tpu.memref_slice %arg10[%dma_start3A_109, %dma_start3A_110] : memref<10240x64xf32, #tpu.memory_space<vmem_shared>> -> memref<10240x64xf32, #tpu.memory_space<vmem_shared>>
        tpu.enqueue_indirect_dma source(%dma_start3A_105 : memref<128x64xf32, #tpu.memory_space<vmem>>) target(%dma_start3A_111 : memref<10240x64xf32, #tpu.memory_space<vmem_shared>>) offsets(%dma_start3A_108 : memref<128xi32, #tpu.memory_space<vmem>>) semaphore(%run_scoped3A_101 : memref<!tpu.dma_semaphore, #tpu.memory_space<semaphore_mem>>) {add = true}
        %dma_wait3A_112 = arith.constant 0 : i32
        %dma_wait3A_113 = arith.constant 0 : i32
        %dma_wait3A_114 = tpu.memref_slice %arg9[%run_scoped3A_94, %dma_wait3A_112, %dma_wait3A_113] : memref<2x128x64xf32, #tpu.memory_space<vmem>> -> memref<1x128x64xf32, #tpu.memory_space<vmem>>
        %dma_wait3A_115 = tpu.memref_squeeze %dma_wait3A_114 : memref<1x128x64xf32, #tpu.memory_space<vmem>> -> memref<128x64xf32, #tpu.memory_space<vmem>>
        %dma_wait3A_116 = arith.constant 0 : i32
        %dma_wait3A_117 = tpu.memref_slice %arg8[%add3A_82, %dma_wait3A_116] : memref<82x128xi32, #tpu.memory_space<vmem>> -> memref<1x128xi32, #tpu.memory_space<vmem>>
        %dma_wait3A_118 = tpu.memref_squeeze %dma_wait3A_117 : memref<1x128xi32, #tpu.memory_space<vmem>> -> memref<128xi32, #tpu.memory_space<vmem>>
        %dma_wait3A_119 = arith.constant 0 : i32
        %dma_wait3A_120 = arith.constant 0 : i32
        %dma_wait3A_121 = tpu.memref_slice %arg10[%dma_wait3A_119, %dma_wait3A_120] : memref<10240x64xf32, #tpu.memory_space<vmem_shared>> -> memref<10240x64xf32, #tpu.memory_space<vmem_shared>>
        tpu.wait_indirect_dma semaphore(%run_scoped3A_101 : memref<!tpu.dma_semaphore, #tpu.memory_space<semaphore_mem>>) src(%dma_wait3A_115 : memref<128x64xf32, #tpu.memory_space<vmem>>) dst(%dma_wait3A_121 : memref<10240x64xf32, #tpu.memory_space<vmem_shared>>)
        tpu.yield
      }) : () -> ()
      %add3A_95 = arith.constant 2 : i32
      %add3A_96 = arith.addi %add3A_82, %add3A_95 : i32
      %lt3A_97 = arith.cmpi slt, %add3A_96, %select_n3A_3 : i32
      %convert_element_type3A_98 = arith.extui %lt3A_97 : i1 to i32
      %cond3A_99 = arith.constant 0 : i32
      %cond3A_100 = arith.cmpi ne, %convert_element_type3A_98, %cond3A_99 : i32
      scf.if %cond3A_100 {
        %dma_start3A_101 = arith.constant 1 : i32
        %dma_start3A_102 = arith.constant 0 : i32
        %dma_start3A_103 = arith.constant 0 : i32
        %dma_start3A_104 = tpu.memref_slice %arg9[%dma_start3A_101, %dma_start3A_102, %dma_start3A_103] : memref<2x128x64xf32, #tpu.memory_space<vmem>> -> memref<1x128x64xf32, #tpu.memory_space<vmem>>
        %dma_start3A_105 = tpu.memref_squeeze %dma_start3A_104 : memref<1x128x64xf32, #tpu.memory_space<vmem>> -> memref<128x64xf32, #tpu.memory_space<vmem>>
        %dma_start3A_106 = arith.constant 0 : i32
        %dma_start3A_107 = tpu.memref_slice %arg7[%add3A_96, %dma_start3A_106] : memref<82x128xi32, #tpu.memory_space<vmem>> -> memref<1x128xi32, #tpu.memory_space<vmem>>
        %dma_start3A_108 = tpu.memref_squeeze %dma_start3A_107 : memref<1x128xi32, #tpu.memory_space<vmem>> -> memref<128xi32, #tpu.memory_space<vmem>>
        %dma_start3A_109 = arith.constant 0 : i32
        %dma_start3A_110 = arith.constant 0 : i32
        %dma_start3A_111 = tpu.memref_slice %arg11[%dma_start3A_109, %dma_start3A_110] : memref<10240x64xf32, #tpu.memory_space<vmem_shared>> -> memref<10240x64xf32, #tpu.memory_space<vmem_shared>>
        tpu.enqueue_indirect_dma source(%dma_start3A_111 : memref<10240x64xf32, #tpu.memory_space<vmem_shared>>) target(%dma_start3A_105 : memref<128x64xf32, #tpu.memory_space<vmem>>) offsets(%dma_start3A_108 : memref<128xi32, #tpu.memory_space<vmem>>) semaphore(%arg13 : memref<!tpu.dma_semaphore, #tpu.memory_space<semaphore_mem>>)
      } else {
      }
    }
    %while3A_57 = arith.constant 1 : i32
    scf.for %while3A_63 = %while3A_55 to %while3A_51 step %while3A_57  : i32 {
      %mul3A_64 = arith.constant 2 : i32
      %mul3A_65 = arith.muli %while3A_63, %mul3A_64 : i32
      %add3A_66 = arith.constant 0 : i32
      %add3A_67 = arith.addi %mul3A_65, %add3A_66 : i32
      %dma_wait3A = arith.constant 0 : i32
      %dma_wait3A_68 = arith.constant 0 : i32
      %dma_wait3A_69 = arith.constant 0 : i32
      %dma_wait3A_70 = tpu.memref_slice %arg9[%dma_wait3A, %dma_wait3A_68, %dma_wait3A_69] : memref<2x128x64xf32, #tpu.memory_space<vmem>> -> memref<1x128x64xf32, #tpu.memory_space<vmem>>
      %dma_wait3A_71 = tpu.memref_squeeze %dma_wait3A_70 : memref<1x128x64xf32, #tpu.memory_space<vmem>> -> memref<128x64xf32, #tpu.memory_space<vmem>>
      %dma_wait3A_72 = arith.constant 0 : i32
      %dma_wait3A_73 = tpu.memref_slice %arg7[%add3A_67, %dma_wait3A_72] : memref<82x128xi32, #tpu.memory_space<vmem>> -> memref<1x128xi32, #tpu.memory_space<vmem>>
      %dma_wait3A_74 = tpu.memref_squeeze %dma_wait3A_73 : memref<1x128xi32, #tpu.memory_space<vmem>> -> memref<128xi32, #tpu.memory_space<vmem>>
      %dma_wait3A_75 = arith.constant 0 : i32
      %dma_wait3A_76 = arith.constant 0 : i32
      %dma_wait3A_77 = tpu.memref_slice %arg11[%dma_wait3A_75, %dma_wait3A_76] : memref<10240x64xf32, #tpu.memory_space<vmem_shared>> -> memref<10240x64xf32, #tpu.memory_space<vmem_shared>>
      tpu.wait_indirect_dma semaphore(%arg12 : memref<!tpu.dma_semaphore, #tpu.memory_space<semaphore_mem>>) src(%dma_wait3A_77 : memref<10240x64xf32, #tpu.memory_space<vmem_shared>>) dst(%dma_wait3A_71 : memref<128x64xf32, #tpu.memory_space<vmem>>)
      %run_scoped3A = arith.constant 0 : i32
      "tpu.region"() ({
        %run_scoped3A_101 = tpu.sem_alloc : memref<!tpu.dma_semaphore, #tpu.memory_space<semaphore_mem>>
        %dma_start3A_102 = arith.constant 0 : i32
        %dma_start3A_103 = arith.constant 0 : i32
        %dma_start3A_104 = tpu.memref_slice %arg9[%run_scoped3A, %dma_start3A_102, %dma_start3A_103] : memref<2x128x64xf32, #tpu.memory_space<vmem>> -> memref<1x128x64xf32, #tpu.memory_space<vmem>>
        %dma_start3A_105 = tpu.memref_squeeze %dma_start3A_104 : memref<1x128x64xf32, #tpu.memory_space<vmem>> -> memref<128x64xf32, #tpu.memory_space<vmem>>
        %dma_start3A_106 = arith.constant 0 : i32
        %dma_start3A_107 = tpu.memref_slice %arg8[%add3A_67, %dma_start3A_106] : memref<82x128xi32, #tpu.memory_space<vmem>> -> memref<1x128xi32, #tpu.memory_space<vmem>>
        %dma_start3A_108 = tpu.memref_squeeze %dma_start3A_107 : memref<1x128xi32, #tpu.memory_space<vmem>> -> memref<128xi32, #tpu.memory_space<vmem>>
        %dma_start3A_109 = arith.constant 0 : i32
        %dma_start3A_110 = arith.constant 0 : i32
        %dma_start3A_111 = tpu.memref_slice %arg10[%dma_start3A_109, %dma_start3A_110] : memref<10240x64xf32, #tpu.memory_space<vmem_shared>> -> memref<10240x64xf32, #tpu.memory_space<vmem_shared>>
        tpu.enqueue_indirect_dma source(%dma_start3A_105 : memref<128x64xf32, #tpu.memory_space<vmem>>) target(%dma_start3A_111 : memref<10240x64xf32, #tpu.memory_space<vmem_shared>>) offsets(%dma_start3A_108 : memref<128xi32, #tpu.memory_space<vmem>>) semaphore(%run_scoped3A_101 : memref<!tpu.dma_semaphore, #tpu.memory_space<semaphore_mem>>) {add = true}
        %dma_wait3A_112 = arith.constant 0 : i32
        %dma_wait3A_113 = arith.constant 0 : i32
        %dma_wait3A_114 = tpu.memref_slice %arg9[%run_scoped3A, %dma_wait3A_112, %dma_wait3A_113] : memref<2x128x64xf32, #tpu.memory_space<vmem>> -> memref<1x128x64xf32, #tpu.memory_space<vmem>>
        %dma_wait3A_115 = tpu.memref_squeeze %dma_wait3A_114 : memref<1x128x64xf32, #tpu.memory_space<vmem>> -> memref<128x64xf32, #tpu.memory_space<vmem>>
        %dma_wait3A_116 = arith.constant 0 : i32
        %dma_wait3A_117 = tpu.memref_slice %arg8[%add3A_67, %dma_wait3A_116] : memref<82x128xi32, #tpu.memory_space<vmem>> -> memref<1x128xi32, #tpu.memory_space<vmem>>
        %dma_wait3A_118 = tpu.memref_squeeze %dma_wait3A_117 : memref<1x128xi32, #tpu.memory_space<vmem>> -> memref<128xi32, #tpu.memory_space<vmem>>
        %dma_wait3A_119 = arith.constant 0 : i32
        %dma_wait3A_120 = arith.constant 0 : i32
        %dma_wait3A_121 = tpu.memref_slice %arg10[%dma_wait3A_119, %dma_wait3A_120] : memref<10240x64xf32, #tpu.memory_space<vmem_shared>> -> memref<10240x64xf32, #tpu.memory_space<vmem_shared>>
        tpu.wait_indirect_dma semaphore(%run_scoped3A_101 : memref<!tpu.dma_semaphore, #tpu.memory_space<semaphore_mem>>) src(%dma_wait3A_115 : memref<128x64xf32, #tpu.memory_space<vmem>>) dst(%dma_wait3A_121 : memref<10240x64xf32, #tpu.memory_space<vmem_shared>>)
        tpu.yield
      }) : () -> ()
      %add3A_78 = arith.constant 2 : i32
      %add3A_79 = arith.addi %add3A_67, %add3A_78 : i32
      %lt3A = arith.cmpi slt, %add3A_79, %select_n3A_3 : i32
      %convert_element_type3A = arith.extui %lt3A : i1 to i32
      %cond3A = arith.constant 0 : i32
      %cond3A_80 = arith.cmpi ne, %convert_element_type3A, %cond3A : i32
      scf.if %cond3A_80 {
        %dma_start3A_101 = arith.constant 0 : i32
        %dma_start3A_102 = arith.constant 0 : i32
        %dma_start3A_103 = arith.constant 0 : i32
        %dma_start3A_104 = tpu.memref_slice %arg9[%dma_start3A_101, %dma_start3A_102, %dma_start3A_103] : memref<2x128x64xf32, #tpu.memory_space<vmem>> -> memref<1x128x64xf32, #tpu.memory_space<vmem>>
        %dma_start3A_105 = tpu.memref_squeeze %dma_start3A_104 : memref<1x128x64xf32, #tpu.memory_space<vmem>> -> memref<128x64xf32, #tpu.memory_space<vmem>>
        %dma_start3A_106 = arith.constant 0 : i32
        %dma_start3A_107 = tpu.memref_slice %arg7[%add3A_79, %dma_start3A_106] : memref<82x128xi32, #tpu.memory_space<vmem>> -> memref<1x128xi32, #tpu.memory_space<vmem>>
        %dma_start3A_108 = tpu.memref_squeeze %dma_start3A_107 : memref<1x128xi32, #tpu.memory_space<vmem>> -> memref<128xi32, #tpu.memory_space<vmem>>
        %dma_start3A_109 = arith.constant 0 : i32
        %dma_start3A_110 = arith.constant 0 : i32
        %dma_start3A_111 = tpu.memref_slice %arg11[%dma_start3A_109, %dma_start3A_110] : memref<10240x64xf32, #tpu.memory_space<vmem_shared>> -> memref<10240x64xf32, #tpu.memory_space<vmem_shared>>
        tpu.enqueue_indirect_dma source(%dma_start3A_111 : memref<10240x64xf32, #tpu.memory_space<vmem_shared>>) target(%dma_start3A_105 : memref<128x64xf32, #tpu.memory_space<vmem>>) offsets(%dma_start3A_108 : memref<128xi32, #tpu.memory_space<vmem>>) semaphore(%arg12 : memref<!tpu.dma_semaphore, #tpu.memory_space<semaphore_mem>>)
      } else {
      }
      %add3A_81 = arith.constant 1 : i32
      %add3A_82 = arith.addi %mul3A_65, %add3A_81 : i32
      %dma_wait3A_83 = arith.constant 1 : i32
      %dma_wait3A_84 = arith.constant 0 : i32
      %dma_wait3A_85 = arith.constant 0 : i32
      %dma_wait3A_86 = tpu.memref_slice %arg9[%dma_wait3A_83, %dma_wait3A_84, %dma_wait3A_85] : memref<2x128x64xf32, #tpu.memory_space<vmem>> -> memref<1x128x64xf32, #tpu.memory_space<vmem>>
      %dma_wait3A_87 = tpu.memref_squeeze %dma_wait3A_86 : memref<1x128x64xf32, #tpu.memory_space<vmem>> -> memref<128x64xf32, #tpu.memory_space<vmem>>
      %dma_wait3A_88 = arith.constant 0 : i32
      %dma_wait3A_89 = tpu.memref_slice %arg7[%add3A_82, %dma_wait3A_88] : memref<82x128xi32, #tpu.memory_space<vmem>> -> memref<1x128xi32, #tpu.memory_space<vmem>>
      %dma_wait3A_90 = tpu.memref_squeeze %dma_wait3A_89 : memref<1x128xi32, #tpu.memory_space<vmem>> -> memref<128xi32, #tpu.memory_space<vmem>>
      %dma_wait3A_91 = arith.constant 0 : i32
      %dma_wait3A_92 = arith.constant 0 : i32
      %dma_wait3A_93 = tpu.memref_slice %arg11[%dma_wait3A_91, %dma_wait3A_92] : memref<10240x64xf32, #tpu.memory_space<vmem_shared>> -> memref<10240x64xf32, #tpu.memory_space<vmem_shared>>
      tpu.wait_indirect_dma semaphore(%arg13 : memref<!tpu.dma_semaphore, #tpu.memory_space<semaphore_mem>>) src(%dma_wait3A_93 : memref<10240x64xf32, #tpu.memory_space<vmem_shared>>) dst(%dma_wait3A_87 : memref<128x64xf32, #tpu.memory_space<vmem>>)
      %run_scoped3A_94 = arith.constant 1 : i32
      "tpu.region"() ({
        %run_scoped3A_101 = tpu.sem_alloc : memref<!tpu.dma_semaphore, #tpu.memory_space<semaphore_mem>>
        %dma_start3A_102 = arith.constant 0 : i32
        %dma_start3A_103 = arith.constant 0 : i32
        %dma_start3A_104 = tpu.memref_slice %arg9[%run_scoped3A_94, %dma_start3A_102, %dma_start3A_103] : memref<2x128x64xf32, #tpu.memory_space<vmem>> -> memref<1x128x64xf32, #tpu.memory_space<vmem>>
        %dma_start3A_105 = tpu.memref_squeeze %dma_start3A_104 : memref<1x128x64xf32, #tpu.memory_space<vmem>> -> memref<128x64xf32, #tpu.memory_space<vmem>>
        %dma_start3A_106 = arith.constant 0 : i32
        %dma_start3A_107 = tpu.memref_slice %arg8[%add3A_82, %dma_start3A_106] : memref<82x128xi32, #tpu.memory_space<vmem>> -> memref<1x128xi32, #tpu.memory_space<vmem>>
        %dma_start3A_108 = tpu.memref_squeeze %dma_start3A_107 : memref<1x128xi32, #tpu.memory_space<vmem>> -> memref<128xi32, #tpu.memory_space<vmem>>
        %dma_start3A_109 = arith.constant 0 : i32
        %dma_start3A_110 = arith.constant 0 : i32
        %dma_start3A_111 = tpu.memref_slice %arg10[%dma_start3A_109, %dma_start3A_110] : memref<10240x64xf32, #tpu.memory_space<vmem_shared>> -> memref<10240x64xf32, #tpu.memory_space<vmem_shared>>
        tpu.enqueue_indirect_dma source(%dma_start3A_105 : memref<128x64xf32, #tpu.memory_space<vmem>>) target(%dma_start3A_111 : memref<10240x64xf32, #tpu.memory_space<vmem_shared>>) offsets(%dma_start3A_108 : memref<128xi32, #tpu.memory_space<vmem>>) semaphore(%run_scoped3A_101 : memref<!tpu.dma_semaphore, #tpu.memory_space<semaphore_mem>>) {add = true}
        %dma_wait3A_112 = arith.constant 0 : i32
        %dma_wait3A_113 = arith.constant 0 : i32
        %dma_wait3A_114 = tpu.memref_slice %arg9[%run_scoped3A_94, %dma_wait3A_112, %dma_wait3A_113] : memref<2x128x64xf32, #tpu.memory_space<vmem>> -> memref<1x128x64xf32, #tpu.memory_space<vmem>>
        %dma_wait3A_115 = tpu.memref_squeeze %dma_wait3A_114 : memref<1x128x64xf32, #tpu.memory_space<vmem>> -> memref<128x64xf32, #tpu.memory_space<vmem>>
        %dma_wait3A_116 = arith.constant 0 : i32
        %dma_wait3A_117 = tpu.memref_slice %arg8[%add3A_82, %dma_wait3A_116] : memref<82x128xi32, #tpu.memory_space<vmem>> -> memref<1x128xi32, #tpu.memory_space<vmem>>
        %dma_wait3A_118 = tpu.memref_squeeze %dma_wait3A_117 : memref<1x128xi32, #tpu.memory_space<vmem>> -> memref<128xi32, #tpu.memory_space<vmem>>
        %dma_wait3A_119 = arith.constant 0 : i32
        %dma_wait3A_120 = arith.constant 0 : i32
        %dma_wait3A_121 = tpu.memref_slice %arg10[%dma_wait3A_119, %dma_wait3A_120] : memref<10240x64xf32, #tpu.memory_space<vmem_shared>> -> memref<10240x64xf32, #tpu.memory_space<vmem_shared>>
        tpu.wait_indirect_dma semaphore(%run_scoped3A_101 : memref<!tpu.dma_semaphore, #tpu.memory_space<semaphore_mem>>) src(%dma_wait3A_115 : memref<128x64xf32, #tpu.memory_space<vmem>>) dst(%dma_wait3A_121 : memref<10240x64xf32, #tpu.memory_space<vmem_shared>>)
        tpu.yield
      }) : () -> ()
      %add3A_95 = arith.constant 2 : i32
      %add3A_96 = arith.addi %add3A_82, %add3A_95 : i32
      %lt3A_97 = arith.cmpi slt, %add3A_96, %select_n3A_3 : i32
      %convert_element_type3A_98 = arith.extui %lt3A_97 : i1 to i32
      %cond3A_99 = arith.constant 0 : i32
      %cond3A_100 = arith.cmpi ne, %convert_element_type3A_98, %cond3A_99 : i32
      scf.if %cond3A_100 {
        %dma_start3A_101 = arith.constant 1 : i32
        %dma_start3A_102 = arith.constant 0 : i32
        %dma_start3A_103 = arith.constant 0 : i32
        %dma_start3A_104 = tpu.memref_slice %arg9[%dma_start3A_101, %dma_start3A_102, %dma_start3A_103] : memref<2x128x64xf32, #tpu.memory_space<vmem>> -> memref<1x128x64xf32, #tpu.memory_space<vmem>>
        %dma_start3A_105 = tpu.memref_squeeze %dma_start3A_104 : memref<1x128x64xf32, #tpu.memory_space<vmem>> -> memref<128x64xf32, #tpu.memory_space<vmem>>
        %dma_start3A_106 = arith.constant 0 : i32
        %dma_start3A_107 = tpu.memref_slice %arg7[%add3A_96, %dma_start3A_106] : memref<82x128xi32, #tpu.memory_space<vmem>> -> memref<1x128xi32, #tpu.memory_space<vmem>>
        %dma_start3A_108 = tpu.memref_squeeze %dma_start3A_107 : memref<1x128xi32, #tpu.memory_space<vmem>> -> memref<128xi32, #tpu.memory_space<vmem>>
        %dma_start3A_109 = arith.constant 0 : i32
        %dma_start3A_110 = arith.constant 0 : i32
        %dma_start3A_111 = tpu.memref_slice %arg11[%dma_start3A_109, %dma_start3A_110] : memref<10240x64xf32, #tpu.memory_space<vmem_shared>> -> memref<10240x64xf32, #tpu.memory_space<vmem_shared>>
        tpu.enqueue_indirect_dma source(%dma_start3A_111 : memref<10240x64xf32, #tpu.memory_space<vmem_shared>>) target(%dma_start3A_105 : memref<128x64xf32, #tpu.memory_space<vmem>>) offsets(%dma_start3A_108 : memref<128xi32, #tpu.memory_space<vmem>>) semaphore(%arg13 : memref<!tpu.dma_semaphore, #tpu.memory_space<semaphore_mem>>)
      } else {
      }
    }
    %barrier3A_58 = arith.constant 0 : index
    tpu.barrier barrier_id(%barrier3A_58)
    %mul3A_59 = arith.constant 640 : i32
    %mul3A_60 = arith.muli %arg1, %mul3A_59 : i32
    %mul3A_61 = arith.constant 640 : i32
    %mul3A_62 = arith.muli %arg1, %mul3A_61 : i32
    "tpu.region"() ({
      %run_scoped3A = tpu.sem_alloc : memref<!tpu.dma_semaphore, #tpu.memory_space<semaphore_mem>>
      %dma_start3A_63 = arith.constant 0 : i32
      %dma_start3A_64 = tpu.memref_slice %arg6[%arg0, %mul3A_62, %dma_start3A_63] : memref<2x10240x64xf32, #tpu.memory_space<hbm>> -> memref<1x640x64xf32, #tpu.memory_space<hbm>>
      %dma_start3A_65 = tpu.memref_squeeze %dma_start3A_64 : memref<1x640x64xf32, #tpu.memory_space<hbm>> -> memref<640x64xf32, #tpu.memory_space<hbm>>
      %dma_start3A_66 = arith.constant 0 : i32
      %dma_start3A_67 = tpu.memref_slice %arg10[%mul3A_60, %dma_start3A_66] : memref<10240x64xf32, #tpu.memory_space<vmem_shared>> -> memref<640x64xf32, #tpu.memory_space<vmem_shared>>
      tpu.enqueue_dma source(%dma_start3A_67 : memref<640x64xf32, #tpu.memory_space<vmem_shared>>) target(%dma_start3A_65 : memref<640x64xf32, #tpu.memory_space<hbm>>) target_semaphore(%run_scoped3A : memref<!tpu.dma_semaphore, #tpu.memory_space<semaphore_mem>>)
      %dma_wait3A = arith.constant 0 : i32
      %dma_wait3A_68 = tpu.memref_slice %arg6[%arg0, %mul3A_62, %dma_wait3A] : memref<2x10240x64xf32, #tpu.memory_space<hbm>> -> memref<1x640x64xf32, #tpu.memory_space<hbm>>
      %dma_wait3A_69 = tpu.memref_squeeze %dma_wait3A_68 : memref<1x640x64xf32, #tpu.memory_space<hbm>> -> memref<640x64xf32, #tpu.memory_space<hbm>>
      %dma_wait3A_70 = arith.constant 0 : i32
      %dma_wait3A_71 = tpu.memref_slice %arg10[%mul3A_60, %dma_wait3A_70] : memref<10240x64xf32, #tpu.memory_space<vmem_shared>> -> memref<640x64xf32, #tpu.memory_space<vmem_shared>>
      tpu.wait_dma2 semaphore(%run_scoped3A : memref<!tpu.dma_semaphore, #tpu.memory_space<semaphore_mem>>) src(%dma_wait3A_71 : memref<640x64xf32, #tpu.memory_space<vmem_shared>>) dst(%dma_wait3A_69 : memref<640x64xf32, #tpu.memory_space<hbm>>)
      tpu.yield
    }) : () -> ()
    return
  }
}

module attributes {stable_mosaic.version = 14 : i64} {
  func.func @_tc_first_body(%arg0: memref<10240x128xf32, #tpu.memory_space<vmem>>, %arg1: memref<128x64xf32, #tpu.memory_space<vmem>>, %arg2: memref<2x10240x16xf32, #tpu.memory_space<vmem>>, %arg3: memref<10240x64xf32, #tpu.memory_space<vmem>>) attributes {dimension_semantics = [], scalar_prefetch = 0 : i64, scratch_operands = 0 : i64, tpu.core_type = #tpu.core_type<tc>} {
    %get3A = arith.constant 0 : index
    %get3A_0 = arith.constant 0 : index
    %get3A_1 = arith.constant 0 : index
    %get3A_2 = vector.load %arg2[%get3A, %get3A_0, %get3A_1] : memref<2x10240x16xf32, #tpu.memory_space<vmem>>, vector<1x10240x1xf32>
    %get3A_3 = vector.shape_cast %get3A_2 : vector<1x10240x1xf32> to vector<10240x1xf32>
    %get3A_4 = arith.constant 1 : index
    %get3A_5 = arith.constant 0 : index
    %get3A_6 = arith.constant 0 : index
    %get3A_7 = vector.load %arg2[%get3A_4, %get3A_5, %get3A_6] : memref<2x10240x16xf32, #tpu.memory_space<vmem>>, vector<1x10240x1xf32>
    %get3A_8 = vector.shape_cast %get3A_7 : vector<1x10240x1xf32> to vector<10240x1xf32>
    %add3A = arith.addf %get3A_3, %get3A_8 : vector<10240x1xf32>
    %gt3A = arith.constant 0.000000e+00 : f32
    %gt3A_9 = vector.broadcast %gt3A : f32 to vector<10240x1xf32>
    %gt3A_10 = arith.cmpf ogt, %add3A, %gt3A_9 : vector<10240x1xf32>
    %rsqrt3A = math.rsqrt %add3A : vector<10240x1xf32>
    %jit3A = arith.constant 0.000000e+00 : f32
    %broadcast_in_dim3A = vector.broadcast %jit3A : f32 to vector<10240x1xf32>
    %select_n3A = arith.select %gt3A_10, %rsqrt3A, %broadcast_in_dim3A : vector<10240x1xi1>, vector<10240x1xf32>
    %get3A_11 = arith.constant 0 : index
    %get3A_12 = arith.constant 0 : index
    %get3A_13 = vector.load %arg0[%get3A_11, %get3A_12] : memref<10240x128xf32, #tpu.memory_space<vmem>>, vector<10240x128xf32>
    %get3A_14 = arith.constant 0 : index
    %get3A_15 = arith.constant 0 : index
    %get3A_16 = vector.load %arg1[%get3A_14, %get3A_15] : memref<128x64xf32, #tpu.memory_space<vmem>>, vector<128x64xf32>
    %dot_general3A = arith.constant dense<0.000000e+00> : vector<10240x64xf32>
    %dot_general3A_17 = tpu.matmul %get3A_13, %get3A_16, %dot_general3A {dimension_numbers = #tpu.dot_dimension_numbers<[1], [0], [0], [1], [0, 0, 1, 1], [], []>, transpose_lhs_hint = false} : vector<10240x128xf32>, vector<128x64xf32>, vector<10240x64xf32> -> vector<10240x64xf32>
    %mul3A = vector.broadcast %select_n3A : vector<10240x1xf32> to vector<10240x64xf32>
    %mul3A_18 = arith.mulf %dot_general3A_17, %mul3A : vector<10240x64xf32>
    %swap3A = arith.constant 0 : index
    %swap3A_19 = arith.constant 0 : index
    %swap3A_20 = vector.load %arg3[%swap3A, %swap3A_19] : memref<10240x64xf32, #tpu.memory_space<vmem>>, vector<10240x64xf32>
    tpu.vector_store %arg3[%swap3A, %swap3A_19], %mul3A_18 {strides = array<i32>} : memref<10240x64xf32, #tpu.memory_space<vmem>>, vector<10240x64xf32>,
    return
  }
}

module attributes {stable_mosaic.version = 14 : i64} {
  func.func @_tc_mid_body(%arg0: memref<2x10240x64xf32, #tpu.memory_space<vmem>>, %arg1: memref<2x10240x16xf32, #tpu.memory_space<vmem>>, %arg2: memref<64x64xf32, #tpu.memory_space<vmem>>, %arg3: memref<1x64xf32, #tpu.memory_space<vmem>>, %arg4: memref<10240x64xf32, #tpu.memory_space<vmem>>) attributes {dimension_semantics = [], scalar_prefetch = 0 : i64, scratch_operands = 0 : i64, tpu.core_type = #tpu.core_type<tc>} {
    %get3A = arith.constant 0 : index
    %get3A_0 = arith.constant 0 : index
    %get3A_1 = arith.constant 0 : index
    %get3A_2 = vector.load %arg1[%get3A, %get3A_0, %get3A_1] : memref<2x10240x16xf32, #tpu.memory_space<vmem>>, vector<1x10240x1xf32>
    %get3A_3 = vector.shape_cast %get3A_2 : vector<1x10240x1xf32> to vector<10240x1xf32>
    %get3A_4 = arith.constant 1 : index
    %get3A_5 = arith.constant 0 : index
    %get3A_6 = arith.constant 0 : index
    %get3A_7 = vector.load %arg1[%get3A_4, %get3A_5, %get3A_6] : memref<2x10240x16xf32, #tpu.memory_space<vmem>>, vector<1x10240x1xf32>
    %get3A_8 = vector.shape_cast %get3A_7 : vector<1x10240x1xf32> to vector<10240x1xf32>
    %add3A = arith.addf %get3A_3, %get3A_8 : vector<10240x1xf32>
    %gt3A = arith.constant 0.000000e+00 : f32
    %gt3A_9 = vector.broadcast %gt3A : f32 to vector<10240x1xf32>
    %gt3A_10 = arith.cmpf ogt, %add3A, %gt3A_9 : vector<10240x1xf32>
    %rsqrt3A = math.rsqrt %add3A : vector<10240x1xf32>
    %jit3A = arith.constant 0.000000e+00 : f32
    %broadcast_in_dim3A = vector.broadcast %jit3A : f32 to vector<10240x1xf32>
    %select_n3A = arith.select %gt3A_10, %rsqrt3A, %broadcast_in_dim3A : vector<10240x1xi1>, vector<10240x1xf32>
    %get3A_11 = arith.constant 0 : index
    %get3A_12 = arith.constant 0 : index
    %get3A_13 = arith.constant 0 : index
    %get3A_14 = vector.load %arg0[%get3A_11, %get3A_12, %get3A_13] : memref<2x10240x64xf32, #tpu.memory_space<vmem>>, vector<1x10240x64xf32>
    %get3A_15 = vector.shape_cast %get3A_14 : vector<1x10240x64xf32> to vector<10240x64xf32>
    %get3A_16 = arith.constant 1 : index
    %get3A_17 = arith.constant 0 : index
    %get3A_18 = arith.constant 0 : index
    %get3A_19 = vector.load %arg0[%get3A_16, %get3A_17, %get3A_18] : memref<2x10240x64xf32, #tpu.memory_space<vmem>>, vector<1x10240x64xf32>
    %get3A_20 = vector.shape_cast %get3A_19 : vector<1x10240x64xf32> to vector<10240x64xf32>
    %add3A_21 = arith.addf %get3A_15, %get3A_20 : vector<10240x64xf32>
    %mul3A = vector.broadcast %select_n3A : vector<10240x1xf32> to vector<10240x64xf32>
    %mul3A_22 = arith.mulf %add3A_21, %mul3A : vector<10240x64xf32>
    %get3A_23 = arith.constant 0 : index
    %get3A_24 = arith.constant 0 : index
    %get3A_25 = vector.load %arg3[%get3A_23, %get3A_24] : memref<1x64xf32, #tpu.memory_space<vmem>>, vector<1x64xf32>
    %add3A_26 = vector.broadcast %get3A_25 : vector<1x64xf32> to vector<10240x64xf32>
    %add3A_27 = arith.addf %mul3A_22, %add3A_26 : vector<10240x64xf32>
    %ge3A = arith.constant 0.000000e+00 : f32
    %ge3A_28 = vector.broadcast %ge3A : f32 to vector<10240x64xf32>
    %ge3A_29 = arith.cmpf oge, %add3A_27, %ge3A_28 : vector<10240x64xf32>
    %mul3A_30 = arith.constant 0.00999999977 : f32
    %mul3A_31 = vector.broadcast %mul3A_30 : f32 to vector<10240x64xf32>
    %mul3A_32 = arith.mulf %mul3A_31, %add3A_27 : vector<10240x64xf32>
    %select_n3A_33 = arith.select %ge3A_29, %add3A_27, %mul3A_32 : vector<10240x64xi1>, vector<10240x64xf32>
    %get3A_34 = arith.constant 0 : index
    %get3A_35 = arith.constant 0 : index
    %get3A_36 = vector.load %arg2[%get3A_34, %get3A_35] : memref<64x64xf32, #tpu.memory_space<vmem>>, vector<64x64xf32>
    %dot_general3A = arith.constant dense<0.000000e+00> : vector<10240x64xf32>
    %dot_general3A_37 = tpu.matmul %select_n3A_33, %get3A_36, %dot_general3A {dimension_numbers = #tpu.dot_dimension_numbers<[1], [0], [0], [1], [0, 0, 1, 1], [], []>, transpose_lhs_hint = false} : vector<10240x64xf32>, vector<64x64xf32>, vector<10240x64xf32> -> vector<10240x64xf32>
    %mul3A_38 = vector.broadcast %select_n3A : vector<10240x1xf32> to vector<10240x64xf32>
    %mul3A_39 = arith.mulf %dot_general3A_37, %mul3A_38 : vector<10240x64xf32>
    %swap3A = arith.constant 0 : index
    %swap3A_40 = arith.constant 0 : index
    %swap3A_41 = vector.load %arg4[%swap3A, %swap3A_40] : memref<10240x64xf32, #tpu.memory_space<vmem>>, vector<10240x64xf32>
    tpu.vector_store %arg4[%swap3A, %swap3A_40], %mul3A_39 {strides = array<i32>} : memref<10240x64xf32, #tpu.memory_space<vmem>>, vector<10240x64xf32>,
    return
  }
}

module attributes {stable_mosaic.version = 14 : i64} {
  func.func @_tc_mid_body(%arg0: memref<2x10240x64xf32, #tpu.memory_space<vmem>>, %arg1: memref<2x10240x16xf32, #tpu.memory_space<vmem>>, %arg2: memref<64x16xf32, #tpu.memory_space<vmem>>, %arg3: memref<1x64xf32, #tpu.memory_space<vmem>>, %arg4: memref<10240x16xf32, #tpu.memory_space<vmem>>) attributes {dimension_semantics = [], scalar_prefetch = 0 : i64, scratch_operands = 0 : i64, tpu.core_type = #tpu.core_type<tc>} {
    %get3A = arith.constant 0 : index
    %get3A_0 = arith.constant 0 : index
    %get3A_1 = arith.constant 0 : index
    %get3A_2 = vector.load %arg1[%get3A, %get3A_0, %get3A_1] : memref<2x10240x16xf32, #tpu.memory_space<vmem>>, vector<1x10240x1xf32>
    %get3A_3 = vector.shape_cast %get3A_2 : vector<1x10240x1xf32> to vector<10240x1xf32>
    %get3A_4 = arith.constant 1 : index
    %get3A_5 = arith.constant 0 : index
    %get3A_6 = arith.constant 0 : index
    %get3A_7 = vector.load %arg1[%get3A_4, %get3A_5, %get3A_6] : memref<2x10240x16xf32, #tpu.memory_space<vmem>>, vector<1x10240x1xf32>
    %get3A_8 = vector.shape_cast %get3A_7 : vector<1x10240x1xf32> to vector<10240x1xf32>
    %add3A = arith.addf %get3A_3, %get3A_8 : vector<10240x1xf32>
    %gt3A = arith.constant 0.000000e+00 : f32
    %gt3A_9 = vector.broadcast %gt3A : f32 to vector<10240x1xf32>
    %gt3A_10 = arith.cmpf ogt, %add3A, %gt3A_9 : vector<10240x1xf32>
    %rsqrt3A = math.rsqrt %add3A : vector<10240x1xf32>
    %jit3A = arith.constant 0.000000e+00 : f32
    %broadcast_in_dim3A = vector.broadcast %jit3A : f32 to vector<10240x1xf32>
    %select_n3A = arith.select %gt3A_10, %rsqrt3A, %broadcast_in_dim3A : vector<10240x1xi1>, vector<10240x1xf32>
    %get3A_11 = arith.constant 0 : index
    %get3A_12 = arith.constant 0 : index
    %get3A_13 = arith.constant 0 : index
    %get3A_14 = vector.load %arg0[%get3A_11, %get3A_12, %get3A_13] : memref<2x10240x64xf32, #tpu.memory_space<vmem>>, vector<1x10240x64xf32>
    %get3A_15 = vector.shape_cast %get3A_14 : vector<1x10240x64xf32> to vector<10240x64xf32>
    %get3A_16 = arith.constant 1 : index
    %get3A_17 = arith.constant 0 : index
    %get3A_18 = arith.constant 0 : index
    %get3A_19 = vector.load %arg0[%get3A_16, %get3A_17, %get3A_18] : memref<2x10240x64xf32, #tpu.memory_space<vmem>>, vector<1x10240x64xf32>
    %get3A_20 = vector.shape_cast %get3A_19 : vector<1x10240x64xf32> to vector<10240x64xf32>
    %add3A_21 = arith.addf %get3A_15, %get3A_20 : vector<10240x64xf32>
    %mul3A = vector.broadcast %select_n3A : vector<10240x1xf32> to vector<10240x64xf32>
    %mul3A_22 = arith.mulf %add3A_21, %mul3A : vector<10240x64xf32>
    %get3A_23 = arith.constant 0 : index
    %get3A_24 = arith.constant 0 : index
    %get3A_25 = vector.load %arg3[%get3A_23, %get3A_24] : memref<1x64xf32, #tpu.memory_space<vmem>>, vector<1x64xf32>
    %add3A_26 = vector.broadcast %get3A_25 : vector<1x64xf32> to vector<10240x64xf32>
    %add3A_27 = arith.addf %mul3A_22, %add3A_26 : vector<10240x64xf32>
    %ge3A = arith.constant 0.000000e+00 : f32
    %ge3A_28 = vector.broadcast %ge3A : f32 to vector<10240x64xf32>
    %ge3A_29 = arith.cmpf oge, %add3A_27, %ge3A_28 : vector<10240x64xf32>
    %mul3A_30 = arith.constant 0.00999999977 : f32
    %mul3A_31 = vector.broadcast %mul3A_30 : f32 to vector<10240x64xf32>
    %mul3A_32 = arith.mulf %mul3A_31, %add3A_27 : vector<10240x64xf32>
    %select_n3A_33 = arith.select %ge3A_29, %add3A_27, %mul3A_32 : vector<10240x64xi1>, vector<10240x64xf32>
    %get3A_34 = arith.constant 0 : index
    %get3A_35 = arith.constant 0 : index
    %get3A_36 = vector.load %arg2[%get3A_34, %get3A_35] : memref<64x16xf32, #tpu.memory_space<vmem>>, vector<64x16xf32>
    %dot_general3A = arith.constant dense<0.000000e+00> : vector<10240x16xf32>
    %dot_general3A_37 = tpu.matmul %select_n3A_33, %get3A_36, %dot_general3A {dimension_numbers = #tpu.dot_dimension_numbers<[1], [0], [0], [1], [0, 0, 1, 1], [], []>, transpose_lhs_hint = false} : vector<10240x64xf32>, vector<64x16xf32>, vector<10240x16xf32> -> vector<10240x16xf32>
    %mul3A_38 = vector.broadcast %select_n3A : vector<10240x1xf32> to vector<10240x16xf32>
    %mul3A_39 = arith.mulf %dot_general3A_37, %mul3A_38 : vector<10240x16xf32>
    %swap3A = arith.constant 0 : index
    %swap3A_40 = arith.constant 0 : index
    %swap3A_41 = vector.load %arg4[%swap3A, %swap3A_40] : memref<10240x16xf32, #tpu.memory_space<vmem>>, vector<10240x16xf32>
    tpu.vector_store %arg4[%swap3A, %swap3A_40], %mul3A_39 {strides = array<i32>} : memref<10240x16xf32, #tpu.memory_space<vmem>>, vector<10240x16xf32>,
    return
  }
}

module attributes {stable_mosaic.version = 14 : i64} {
  func.func @_tc_fin_body(%arg0: memref<2x10240x16xf32, #tpu.memory_space<vmem>>, %arg1: memref<2x10240x16xf32, #tpu.memory_space<vmem>>, %arg2: memref<1x1xf32, #tpu.memory_space<vmem>>, %arg3: memref<10240x1xf32, #tpu.memory_space<vmem>>) attributes {dimension_semantics = [], scalar_prefetch = 0 : i64, scratch_operands = 0 : i64, tpu.core_type = #tpu.core_type<tc>} {
    %get3A = arith.constant 0 : index
    %get3A_0 = arith.constant 0 : index
    %get3A_1 = arith.constant 0 : index
    %get3A_2 = vector.load %arg1[%get3A, %get3A_0, %get3A_1] : memref<2x10240x16xf32, #tpu.memory_space<vmem>>, vector<1x10240x1xf32>
    %get3A_3 = vector.shape_cast %get3A_2 : vector<1x10240x1xf32> to vector<10240x1xf32>
    %get3A_4 = arith.constant 1 : index
    %get3A_5 = arith.constant 0 : index
    %get3A_6 = arith.constant 0 : index
    %get3A_7 = vector.load %arg1[%get3A_4, %get3A_5, %get3A_6] : memref<2x10240x16xf32, #tpu.memory_space<vmem>>, vector<1x10240x1xf32>
    %get3A_8 = vector.shape_cast %get3A_7 : vector<1x10240x1xf32> to vector<10240x1xf32>
    %add3A = arith.addf %get3A_3, %get3A_8 : vector<10240x1xf32>
    %gt3A = arith.constant 0.000000e+00 : f32
    %gt3A_9 = vector.broadcast %gt3A : f32 to vector<10240x1xf32>
    %gt3A_10 = arith.cmpf ogt, %add3A, %gt3A_9 : vector<10240x1xf32>
    %rsqrt3A = math.rsqrt %add3A : vector<10240x1xf32>
    %jit3A = arith.constant 0.000000e+00 : f32
    %broadcast_in_dim3A = vector.broadcast %jit3A : f32 to vector<10240x1xf32>
    %select_n3A = arith.select %gt3A_10, %rsqrt3A, %broadcast_in_dim3A : vector<10240x1xi1>, vector<10240x1xf32>
    %get3A_11 = arith.constant 0 : index
    %get3A_12 = arith.constant 0 : index
    %get3A_13 = arith.constant 0 : index
    %get3A_14 = vector.load %arg0[%get3A_11, %get3A_12, %get3A_13] : memref<2x10240x16xf32, #tpu.memory_space<vmem>>, vector<1x10240x1xf32>
    %get3A_15 = vector.shape_cast %get3A_14 : vector<1x10240x1xf32> to vector<10240x1xf32>
    %get3A_16 = arith.constant 1 : index
    %get3A_17 = arith.constant 0 : index
    %get3A_18 = arith.constant 0 : index
    %get3A_19 = vector.load %arg0[%get3A_16, %get3A_17, %get3A_18] : memref<2x10240x16xf32, #tpu.memory_space<vmem>>, vector<1x10240x1xf32>
    %get3A_20 = vector.shape_cast %get3A_19 : vector<1x10240x1xf32> to vector<10240x1xf32>
    %add3A_21 = arith.addf %get3A_15, %get3A_20 : vector<10240x1xf32>
    %mul3A = arith.mulf %add3A_21, %select_n3A : vector<10240x1xf32>
    %get3A_22 = arith.constant 0 : index
    %get3A_23 = arith.constant 0 : index
    %get3A_24 = vector.load %arg2[%get3A_22, %get3A_23] : memref<1x1xf32, #tpu.memory_space<vmem>>, vector<1x1xf32>
    %add3A_25 = vector.broadcast %get3A_24 : vector<1x1xf32> to vector<10240x1xf32>
    %add3A_26 = arith.addf %mul3A, %add3A_25 : vector<10240x1xf32>
    %swap3A = arith.constant 0 : index
    %swap3A_27 = arith.constant 0 : index
    %swap3A_28 = vector.load %arg3[%swap3A, %swap3A_27] : memref<10240x1xf32, #tpu.memory_space<vmem>>, vector<10240x1xf32>
    tpu.vector_store %arg3[%swap3A, %swap3A_27], %add3A_26 {strides = array<i32>} : memref<10240x1xf32, #tpu.memory_space<vmem>>, vector<10240x1xf32>,
    return
  }
}

</mosaic_0001>

<sc_bundles>
// kernel: kernel.10.cloned.1.call-start
scs
__scs_entry_jumppad:
0x0: {  	(pc) =	sbr.rel $0x88, $3  }
0x1: {  	(tag) =	ssettag $0x0;
	lr =	simm.s32 $0x1  }
0x2: {  	[smem:$0x3F99] =	sst lr;
	_ =	strace $0xD0000000  }
0x3: {  	_ = 	snop  }
0x4: {  	_ = 	snop  }
0x5: {  	_ = 	snop  }
0x6: {  	_ = 	snop  }
0x7: {  	_ = 	snop  }
__scs_overlays_trampoline_lowered:
0x8: {  	[smem:$0x3FA8] =	sst s0  }
0x9: {  	[smem:$0x3FA9] =	sst s1  }
0xa: {  	[smem:$0x3FAA] =	sst s2  }
0xb: {  	[smem:$0x3FAB] =	sst s3  }
0xc: {  	[smem:$0x3FAC] =	sst s4  }
0xd: {  	[smem:$0x3FAD] =	sst s5  }
0xe: {  	[smem:$0x3FAE] =	sst s6  }
0xf: {  	[smem:$0x3FAF] =	sst s7  }
0x10: {  	[smem:$0x3FB0] =	sst s8  }
0x11: {  	[smem:$0x3FB1] =	sst s9;
	s0 =	simm.s32 @!p0 $0x0  }
0x12: {  	s1 =	sld [smem:$0x3F97];
	s0 =	simm.s32 @p0 $0x1  }
0x13: {  	[smem:$0x3FB2] =	sst s0;
	s0 =	simm.s32 @!p1 $0x0  }
0x14: {  	s2 =	sld [smem:$0x3F96];
	s0 =	simm.s32 @p1 $0x1  }
0x15: {  	[smem:$0x3FB3] =	sst s0;
	s0 =	simm.s32 @!p2 $0x0  }
0x16: {  	s3 =	sld [smem:$0x3FDB];
	s0 =	simm.s32 @p2 $0x1  }
0x17: {  	s4 =	simm.s32 $0x1BF5;
	[smem:$0x3FB5] =	sst s0  }
0x18: {  	s0 =	sld [smem:$0x3F98];
	_ =	swait.ge [sflag:s4], $0x0  }
0x19: {  	s7 =	sld [smem:$0x3F99]  }
0x1a: {  	s8 =	sadd.s32 $0xFFFFE003, lr  }
0x1b: {  	s9 =	sadd.s32 $0xFFFFFEF7, lr;
	s5 =	simm.s32 $0xFFFFFFFF;
	p2 =	slt.u32 s8, $0xFFFFF086  }
0x1c: {  	p1 =	slt.u32 s9, $0xF7A;
	s5 =	simm.s32 @!p2 $0x0  }
0x1d: {  	s5 =	simm.s32 @p1 $0x1;
	p0 =	seq.s32 s7, s2  }
0x1e: {  	s7 =	smul.u32 @!p0 $0xF7A, s2;
	p2 =	seq.s32 @!p0 s5, $0x0  }
0x1f: {  	s9 =	smul.u32 $0xF7A, s1;
	s8 =	simm.s32 @!p0 $0x1BF5;
	p2 =	por !p2, p0  }
0x20: {  	[sflag:s8] =	ssyncset.s32 @!p0 $0xFFFFF086;
	s6 =	sadd.s32 @!p0 s3, s7;
	s7 =	simm.s32 @!p0 $0x108  }
0x21: {  	s3 =	sadd.s32 s3, s9;
	s6 =	sadd.s32 @!p0 $0x88, s6;
	s7 =	simm.s32 @p2 $0x1082  }
0x22: {  	[simem:s7], [sflag:s8] =	dma.local @!p0 [hbm:s6], $0xF7A  }
0x23: {  	s9 =	sor.u32 $0xD0000000, s2;
	s6 =	simm.s32 $0x108;
	_ =	swait.ge @!p0 [sflag:s8], $0x0  }
0x24: {  	s3 =	sadd.s32 $0x88, s3;
	s6 =	simm.s32 @!p1 $0x1082;
	[sflag:s4] =	ssyncset.s32 $0xFFFFF086  }
0x25: {  	[simem:s6], [sflag:s4] =	dma.local [hbm:s3], $0xF7A  }
0x26: {  	[smem:$0x3F99] =	sst s1;
	(tag) =	ssettag s2;
	_ =	strace s9  }
0x27: {  	s1 =	sld [smem:$0x3FA9]  }
0x28: {  	s2 =	sld [smem:$0x3FAA]  }
0x29: {  	s4 =	sld [smem:$0x3FAC]  }
0x2a: {  	p0 =	seq.s32 s5, $0x0;
	s5 =	sld [smem:$0x3FAD]  }
0x2b: {  	s6 =	sld [smem:$0x3FAE]  }
0x2c: {  	s7 =	sld [smem:$0x3FAF]  }
0x2d: {  	s3 =	simm.s32 $0x108;
	s8 =	sld [smem:$0x3FB0]  }
0x2e: {  	s3 =	simm.s32 @!p0 $0x1082;
	s9 =	sld [smem:$0x3FB1]  }
0x2f: {  	lr =	sadd.s32 s0, s3;
	s0 =	sld [smem:$0x3FA8]  }
0x30: {  	s3 =	sld [smem:$0x3FAB]  }
0x31: {  	[smem:$0x3FB4] =	sst s10  }
0x32: {  	s10 =	sld [smem:$0x3FB2];
	_ =	sdelay $0x3  }
0x33: {  	p0 =	seq.s32 s10, $0x1;
	s10 =	sld [smem:$0x3FB4];
	_ =	sdelay $0x3  }
0x34: {  	[smem:$0x3FB4] =	sst s10  }
0x35: {  	s10 =	sld [smem:$0x3FB3];
	_ =	sdelay $0x3  }
0x36: {  	p1 =	seq.s32 s10, $0x1;
	s10 =	sld [smem:$0x3FB4];
	_ =	sdelay $0x3  }
0x37: {  	[smem:$0x3FB4] =	sst s10  }
0x38: {  	s10 =	sld [smem:$0x3FB5]  }
0x39: {  	_ = 	snop;
	(pc) =	sbr.ind lr, $3  }
0x3a: {  	_ = 	snop  }
0x3b: {  	_ = 	snop  }
0x3c: {  	p2 =	seq.s32 s10, $0x1;
	s10 =	sld [smem:$0x3FB4]  }
0x3d: {  	_ =	shalt  }
0x3e: {  	_ =	shalt  }
0x3f: {  	_ =	shalt  }
0x40: {  	_ =	shalt  }
0x41: {  	_ =	shalt  }
0x42: {  	_ =	shalt  }
0x43: {  	_ =	shalt  }
0x44: {  	_ =	shalt  }
0x45: {  	_ =	shalt  }
0x46: {  	_ =	shalt  }
0x47: {  	_ =	shalt  }
0x48: {  	_ =	shalt  }
0x49: {  	_ =	shalt  }
0x4a: {  	_ =	shalt  }
0x4b: {  	_ =	shalt  }
0x4c: {  	_ =	shalt  }
0x4d: {  	_ =	shalt  }
0x4e: {  	_ =	shalt  }
0x4f: {  	_ =	shalt  }
0x50: {  	_ =	shalt  }
0x51: {  	_ =	shalt  }
0x52: {  	_ =	shalt  }
0x53: {  	_ =	shalt  }
0x54: {  	_ =	shalt  }
0x55: {  	_ =	shalt  }
0x56: {  	_ =	shalt  }
0x57: {  	_ =	shalt  }
0x58: {  	_ =	shalt  }
0x59: {  	_ =	shalt  }
0x5a: {  	_ =	shalt  }
0x5b: {  	_ =	shalt  }
0x5c: {  	_ =	shalt  }
0x5d: {  	_ =	shalt  }
0x5e: {  	_ =	shalt  }
0x5f: {  	_ =	shalt  }
0x60: {  	_ =	shalt  }
0x61: {  	_ =	shalt  }
0x62: {  	_ =	shalt  }
0x63: {  	_ =	shalt  }
0x64: {  	_ =	shalt  }
0x65: {  	_ =	shalt  }
0x66: {  	_ =	shalt  }
0x67: {  	_ =	shalt  }
0x68: {  	_ =	shalt  }
0x69: {  	_ =	shalt  }
0x6a: {  	_ =	shalt  }
0x6b: {  	_ =	shalt  }
0x6c: {  	_ =	shalt  }
0x6d: {  	_ =	shalt  }
0x6e: {  	_ =	shalt  }
0x6f: {  	_ =	shalt  }
0x70: {  	_ =	shalt  }
0x71: {  	_ =	shalt  }
0x72: {  	_ =	shalt  }
0x73: {  	_ =	shalt  }
0x74: {  	_ =	shalt  }
0x75: {  	_ =	shalt  }
0x76: {  	_ =	shalt  }
0x77: {  	_ =	shalt  }
0x78: {  	_ =	shalt  }
0x79: {  	_ =	shalt  }
0x7a: {  	_ =	shalt  }
0x7b: {  	_ =	shalt  }
0x7c: {  	_ =	shalt  }
0x7d: {  	_ =	shalt  }
0x7e: {  	_ =	shalt  }
0x7f: {  	_ =	shalt  }
0x80: {  	_ =	shalt  }
0x81: {  	_ =	shalt  }
0x82: {  	_ =	shalt  }
0x83: {  	_ =	shalt  }
0x84: {  	_ =	shalt  }
0x85: {  	_ =	shalt  }
0x86: {  	_ =	shalt  }
0x87: {  	_ =	shalt  }
.Lfunc_end0:
.L_simem_size_0:
called_computation_lowered:
.L_overlay_start_0:
0x88: {  	s2 =	sld [smem:$0x3FD9]  }
0x89: {  	s3 =	sld [smem:$0x3FFE];
	_ =	sdelay $0x1  }
0x8a: {  	s1 =	srdreg.scid  }
0x8b: {  	s0 =	sand.u32 $0x1, s1  }
0x8c: {  	s17 =	sshll.u32 s0, $0xA;
	s2 =	sadd.s32 s3, s2  }
0x8d: {  	s2 =	sadd.s32 s2, s17  }
0x8e: {  	[smem:$0x3FC0] =	sst s2  }
0x8f: {  	_ = 	snop  }
0x90: {  	s2 =	sld [smem:$0x3FD0];
	(tm) =	ssettm $0x1  }
0x91: {  	s18 =	sld [smem:$0x3FFB];
	_ =	sdelay $0x3  }
0x92: {  	_ =	strace s18  }
0x93: {  	s3 =	sld [smem:$0x3FFC];
	_ =	sdelay $0x3  }
0x94: {  	_ =	strace s3  }
0x95: {  	s3 =	sld [smem:$0x3FFD];
	_ =	sdelay $0x3  }
0x96: {  	_ =	strace s3  }
0x97: {  	_ =	strace $0x8FFFFFFF  }
0x98: {  	s19 =	sld [smem:$0x3FDB];
	_ =	sdelay $0x1  }
0x99: {  	s4 =	simm.s32 $_scs_section_size  }
0x9a: {  	s5 =	simm.s32 $_size__tile_overlayer_lowered;
	s6 =	simm.s32 $_tile_overlayer_lowered  }
0x9b: {  	s22 =	simm.s32 $0x1BFF;
	s21 =	sshll.u32 s6, $0x1;
	s3 =	sadd.s32 s4, s19  }
0x9c: {  	s7 =	simm.s32 $0x0;
	s20 =	sshll.u32 s5, $0x1;
	s5 =	sadd.s32 s21, s3  }
0x9d: {  	[timem:s7], [sflag:s22] =	dma.local [hbm:s5], s20  }
0x9e: {  	_ =	swait.ge [sflag:s22], s20  }
0x9f: {  	s4 =	ssub.s32 $0x0, s20;
	[sflag:s22] =	ssyncset.done $0x0  }
0xa0: {  	[sflag:s22] =	ssyncadd.s32 s4;
	_ =	sdelay $0x1  }
0xa1: {  	s23 =	simm.s32 $0x1B8B  }
0xa2: {  	_ =	swait.ge [sflag:s23], $0x1  }
0xa3: {  	[sflag:s23] =	ssyncset.done $0x0  }
0xa4: {  	s25 =	simm.s32 $0x1B8E;
	s24 =	sld [smem:$0x3FFE];
	[sflag:s23] =	ssyncadd.s32 $0xFFFFFFFF  }
0xa5: {  	s26 =	simm.s32 $execute0_lowered;
	[smem:$0x3FD2] =	sst s25  }
0xa6: {  	s5 =	sshll.u32 s26, $0x1;
	_ =	strace $0x80000046;
	[dreg:$0x1] =	wrdreg $0xFFFFFFFF  }
0xa7: {  	s28 =	simm.s32 $_size_execute0_lowered;
	s3 =	sadd.s32 s3, s5;
	[dreg:$0x0] =	wrdreg $0x0  }
0xa8: {  	s5 =	sshll.u32 s28, $0x1;
	[dreg:$0x2] =	wrdreg s3  }
0xa9: {  	[dreg:$0x3] =	wrdreg s5  }
0xaa: {  	[dreg:$0x4] =	wrdreg $0xC0  }
0xab: {  	_ =	task [dreg:s7], $0x5FFFF  }
0xac: {  	[dreg:$0x1] =	wrdreg $0xFFFFFFFF  }
0xad: {  	[dreg:$0x0] =	wrdreg $0x60  }
0xae: {  	[dreg:$0x2] =	wrdreg s2  }
0xaf: {  	[dreg:$0x3] =	wrdreg s24  }
0xb0: {  	[dreg:$0x4] =	wrdreg $0x31000  }
0xb1: {  	[dreg:$0x5] =	wrdreg $0x9  }
0xb2: {  	_ =	task.clear_ibuf [dreg:s7], $0x6FFFF;
	_ =	strace $0x90000046  }
0xb3: {  	s29 =	simm.s32 $0x9;
	_ =	strace $0x80000048  }
0xb4: {  	_ =	swait.ge [sflag:s29], $0x1  }
0xb5: {  	[sflag:s29] =	ssyncadd.s32 $0xFFFFFFFF  }
0xb6: {  	_ =	strace $0x90000048  }
0xb7: {  	_ =	sfence  }
0xb8: {  	s30 =	sld [smem:$0x0];
	_ =	sdelay $0x2  }
0xb9: {  	s31 =	sshll.u32 s1, $0xD;
	s1 =	sshrl.u32 s1, $0x2  }
0xba: {  	s3 =	sand.u32 $0x4000, s31;
	s1 =	sadd.s32 s1, s30  }
0xbb: {  	s0 =	sor.u32 s3, s0;
	s1 =	sshll.u32 s1, $0x11  }
0xbc: {  	s0 =	sor.u32 s1, s0  }
0xbd: {  	s0 =	sadd.s32 $0x8F2B, s0  }
0xbe: {  	[sflag:s0] =	ssyncadd.remote.s32 $0x1  }
0xbf: {  	_ =	sfence.sel $0xFFFF  }
0xc0: {  	[dreg:$0x0] =	wrdreg $0xFFFFFFFF;
	(pc) =	sbr.abs _section_cstart, $3  }
0xc1: {  	[dreg:$0x1] =	wrdreg $0xFFFFFFFF  }
0xc2: {  	_ =	task.clear_ibuf [dreg:s7], $0x2FFFF;
	_ =	strace $0x9FFFFFFF  }
0xc3: {  	(tm) =	ssettm $0x7FFFFFFF  }
tec
execute0_lowered:
.L_overlay_start_1:
0x0: {  	(tag) =	ssettag $0x1  }
0x1: {  	s1 =	rddreg [dreg:$0x0]  }
0x2: {  	s6 =	rddreg [dreg:$0x1]  }
0x3: {  	s3 =	rddreg [dreg:$0x2]  }
0x4: {  	s0 =	rddreg [dreg:$0x3]  }
0x5: {  	s4 =	srdreg.scid;
	s2 =	stileid.u32;
	s12 =	simm.s32 $0x80  }
0x6: {  	s13 =	simm.s32 $0x880;
	s14 =	simm.s32 $0x900;
	s15 =	simm.s32 $0x980  }
0x7: {  	s16 =	simm.s32 $0x1;
	s17 =	simm.s32 $0x0;
	s5 =	sand.u32 $0x1, s4  }
0x8: {  	s7 =	sshll.u32 s2, $0x1;
	s8 =	smul.u32 $0x2800, s2;
	s4 =	simm.s32 $0x0  }
0x9: {  	s31 =	sshll.u32 s2, $0x6;
	s7 =	sor.u32 s5, s7;
	s9 =	smul.u32 $0x28000, s5  }
0xa: {  	[smem:$0x7FF] =	sst s4;
	s10 =	ssub.s32 $0x2, s5;
	s5 =	sadd.s32 $0xB400, s6  }
0xb: {  	s7 =	smul.u32 $0x520, s7;
	_ =	strace $0x80000047;
	s9 =	sadd.s32 s8, s9  }
0xc: {  	s30 =	sshrl.u32 s10, $0x1;
	s11 =	sadd.s32 s8, s3;
	s9 =	sshrl.u32 s9, $0x3  }
0xd: {  	s10 =	ssub.s32 s10, s30;
	s7 =	sadd.s32 s7, s6;
	s9 =	sadd.s32 s9, s6  }
0xe: {  	s6 =	sor.u32 $0x1C02, s31;
	s7 =	sadd.s32 $0x1000, s7;
	s8 =	sadd.s32 $0xBA00, s9  }
0xf: {  	s9 =	smax.u32 s10, $0x1;
	s10 =	sshrl.u32 s11, $0x3;
	s11 =	simm.s32 $0x2  }
.LBB2_1:
0x10: {  	[spmem:s10], [sflag:s6] =	dma.local [hbm:s5], $0x500  }
0x11: {  	_ =	swait.ge [sflag:s11], $0x500  }
0x12: {  	[sflag:s11] =	ssyncset.done $0x0  }
0x13: {  	[sflag:s11] =	ssyncadd.s32 $0xFFFFFB00  }
0x14: {  	[tilespmem:s4], [sflag:$0x2] =	stream.linear.gather [hbm4b:s1+s4], $0x800, $0x38;
	[tilespmem:$0x5900] =	vst v63  }
0x15: {  	_ =	swait.ge [sflag:s11], $0x800  }
0x16: {  	[sflag:s11] =	ssyncset.done $0x0  }
0x17: {  	s18 =	simm.s32 $0x800;
	[sflag:s11] =	ssyncadd.s32 $0xFFFFF800  }
0x18: {  	[tilespmem:s18], [sflag:$0x2] =	stream.linear.gather [hbm4b:s7+s4], $0x2900, $0x38;
	[tilespmem:$0x5900] =	vst v63  }
0x19: {  	_ =	swait.ge [sflag:s11], $0x2900  }
0x1a: {  	[sflag:s11] =	ssyncset.done $0x0  }
0x1b: {  	[sflag:s11] =	ssyncadd.s32 $0xFFFFD700  }
0x1c: {  	[bflag:$0x0] =	sbarrier.arrive $0xFFFF  }
0x1d: {  	[spmem:s3] =	stream.indirect.scatter.add.f32 [tilespmem:s4], [sflag:$0x1], $0x10, s18, s12, $0xb8;
	[tilespmem:$0x5900] =	vst v63  }
0x1e: {  	_ = 	snop  }
0x1f: {  	[spmem:s3] =	stream.indirect.scatter.add.f32 [tilespmem:s4], [sflag:$0x1], $0x10, s13, s12, $0xb8;
	[tilespmem:$0x5900] =	vst v63  }
0x20: {  	_ = 	snop  }
0x21: {  	[spmem:s3] =	stream.indirect.scatter.add.f32 [tilespmem:s4], [sflag:$0x1], $0x10, s14, s12, $0xb8;
	[tilespmem:$0x5900] =	vst v63  }
0x22: {  	_ = 	snop  }
0x23: {  	[spmem:s3] =	stream.indirect.scatter.add.f32 [tilespmem:s4], [sflag:$0x1], $0x10, s15, s12, $0xb8;
	[tilespmem:$0x5900] =	vst v63  }
0x24: {  	_ =	swait.ge [sflag:s16], $0x800  }
0x25: {  	[sflag:s16] =	ssyncset.done $0x0  }
0x26: {  	s19 =	simm.s32 $0xA00;
	s18 =	simm.s32 $0xA00;
	[sflag:s16] =	ssyncadd.s32 $0xFFFFF800  }
.LBB2_2:
0x27: {  	[spmem:s3] =	stream.indirect.scatter.add.f32 [tilespmem:s4], [sflag:$0x1], $0x10, s19, s12, $0xb8;
	[tilespmem:$0x5900] =	vst v63  }
0x28: {  	s19 =	smov.u32 s18;
	p0 =	sne.s32 s18, $0xA200  }
.Ltmp0:
0x29: {  	s18 =	sadd.s32 $0x200, s18;
	(pc) =	sbr.rel @p0 .LBB2_2-.Ltmp0, $4  }
0x2a: {  	_ = 	snop  }
0x2b: {  	_ =	swait.ge [sflag:s16], $0x800  }
0x2c: {  	s19 =	sshra.s32 s19, $0x2;
	[sflag:s16] =	ssyncset.done $0x0  }
0x2d: {  	s19 =	sadd.s32 $0x800, s19;
	[sflag:s16] =	ssyncadd.s32 $0xFFFFF800  }
0x2e: {  	[spmem:s3] =	stream.indirect.scatter.add.f32 [tilespmem:s4], [sflag:$0x1], $0x10, s19, s12, $0xb8;
	[tilespmem:$0x5900] =	vst v63  }
0x2f: {  	_ =	swait.ge [sflag:s16], $0x800  }
0x30: {  	[sflag:s16] =	ssyncset.done $0x0  }
0x31: {  	[sflag:s16] =	ssyncadd.s32 $0xFFFFF800  }
0x32: {  	_ =	swait.ge [sflag:s16], $0x800  }
0x33: {  	[sflag:s16] =	ssyncset.done $0x0  }
0x34: {  	[sflag:s16] =	ssyncadd.s32 $0xFFFFF800  }
0x35: {  	_ =	swait.ge [sflag:s16], $0x800  }
0x36: {  	[sflag:s16] =	ssyncset.done $0x0  }
0x37: {  	[sflag:s16] =	ssyncadd.s32 $0xFFFFF800  }
0x38: {  	_ =	swait.ge [sflag:s16], $0x800  }
0x39: {  	s17 =	sadd.s32 $0x1, s17;
	[sflag:s16] =	ssyncset.done $0x0  }
0x3a: {  	p0 =	sne.s32 s17, s9;
	[sflag:s16] =	ssyncadd.s32 $0xFFFFF800  }
.Ltmp1:
0x3b: {  	[bflag:$0x0] =	sbarrier.arrive $0xFFFF;
	(pc) =	sbr.rel @p0 .LBB2_1-.Ltmp1, $4  }
0x3c: {  	[hbm:s8], [sflag:s6] =	dma.local [spmem:s10], $0x500  }
0x3d: {  	_ =	swait.ge [sflag:s11], $0x500  }
0x3e: {  	[sflag:s11] =	ssyncset.done $0x0  }
0x3f: {  	[sflag:s11] =	ssyncadd.s32 $0xFFFFFB00  }
0x40: {  	_ =	sfence.sel $0x180000  }
0x41: {  	[bflag:$0x0] =	sbarrier.arrive $0xFFFF  }
0x42: {  	p0 =	sne.s32 s2, $0x0;
	_ =	strace $0x90000047  }
0x43: {  	s0 =	sadd.s32 @!p0 $0x100000, s0;
	[bflag:$0x2] =	sbarrier.arrive $0xFFFF  }
0x44: {  	[sflag:s0] =	ssyncadd.tile.s32 @!p0 $0x1;
	_ =	shalt  }
.Lfunc_end2:
_tile_overlayer_lowered:
.L_overlay_start_2:
0x45: {  	(tag) =	ssettag $0x2  }
0x46: {  	s0 =	rddreg [dreg:$0x0];
	s2 =	stileid.u32  }
0x47: {  	s1 =	rddreg [dreg:$0x1];
	p0 =	sne.s32 s2, $0x0  }
0x48: {  	s3 =	rddreg [dreg:$0x2];
	[bflag:$0x3] =	sbarrier.arrive $0xFFFF;
	s2 =	simm.s32 @!p0 $0x1C02  }
0x49: {  	[timem:s3], [sflag:s2] =	dma.local @!p0 [hbm:s0], s1  }
0x4a: {  	s0 =	simm.s32 @!p0 $0x2  }
0x4b: {  	_ =	swait.ge @!p0 [sflag:s0], s1  }
0x4c: {  	s1 =	ssub.s32 @!p0 $0x0, s1;
	[sflag:s0] =	ssyncset.done @!p0 $0x0  }
0x4d: {  	[sflag:s0] =	ssyncadd.s32 @!p0 s1  }
0x4e: {  	[bflag:$0x3] =	sbarrier.arrive $0xFFFF  }
0x4f: {  	_ =	shalt  }

// kernel: kernel.13.cloned.1.call-start
scs
__scs_entry_jumppad:
0x0: {  	(pc) =	sbr.rel $0x88, $3  }
0x1: {  	(tag) =	ssettag $0x0;
	lr =	simm.s32 $0x1  }
0x2: {  	[smem:$0x3F99] =	sst lr;
	_ =	strace $0xD0000000  }
0x3: {  	_ = 	snop  }
0x4: {  	_ = 	snop  }
0x5: {  	_ = 	snop  }
0x6: {  	_ = 	snop  }
0x7: {  	_ = 	snop  }
__scs_overlays_trampoline_lowered:
0x8: {  	[smem:$0x3FA8] =	sst s0  }
0x9: {  	[smem:$0x3FA9] =	sst s1  }
0xa: {  	[smem:$0x3FAA] =	sst s2  }
0xb: {  	[smem:$0x3FAB] =	sst s3  }
0xc: {  	[smem:$0x3FAC] =	sst s4  }
0xd: {  	[smem:$0x3FAD] =	sst s5  }
0xe: {  	[smem:$0x3FAE] =	sst s6  }
0xf: {  	[smem:$0x3FAF] =	sst s7  }
0x10: {  	[smem:$0x3FB0] =	sst s8  }
0x11: {  	[smem:$0x3FB1] =	sst s9;
	s0 =	simm.s32 @!p0 $0x0  }
0x12: {  	s1 =	sld [smem:$0x3F97];
	s0 =	simm.s32 @p0 $0x1  }
0x13: {  	[smem:$0x3FB2] =	sst s0;
	s0 =	simm.s32 @!p1 $0x0  }
0x14: {  	s2 =	sld [smem:$0x3F96];
	s0 =	simm.s32 @p1 $0x1  }
0x15: {  	[smem:$0x3FB3] =	sst s0;
	s0 =	simm.s32 @!p2 $0x0  }
0x16: {  	s3 =	sld [smem:$0x3FDB];
	s0 =	simm.s32 @p2 $0x1  }
0x17: {  	s4 =	simm.s32 $0x1BF5;
	[smem:$0x3FB5] =	sst s0  }
0x18: {  	s0 =	sld [smem:$0x3F98];
	_ =	swait.ge [sflag:s4], $0x0  }
0x19: {  	s7 =	sld [smem:$0x3F99]  }
0x1a: {  	s8 =	sadd.s32 $0xFFFFE003, lr  }
0x1b: {  	s9 =	sadd.s32 $0xFFFFFEF7, lr;
	s5 =	simm.s32 $0xFFFFFFFF;
	p2 =	slt.u32 s8, $0xFFFFF086  }
0x1c: {  	p1 =	slt.u32 s9, $0xF7A;
	s5 =	simm.s32 @!p2 $0x0  }
0x1d: {  	s5 =	simm.s32 @p1 $0x1;
	p0 =	seq.s32 s7, s2  }
0x1e: {  	s7 =	smul.u32 @!p0 $0xF7A, s2;
	p2 =	seq.s32 @!p0 s5, $0x0  }
0x1f: {  	s9 =	smul.u32 $0xF7A, s1;
	s8 =	simm.s32 @!p0 $0x1BF5;
	p2 =	por !p2, p0  }
0x20: {  	[sflag:s8] =	ssyncset.s32 @!p0 $0xFFFFF086;
	s6 =	sadd.s32 @!p0 s3, s7;
	s7 =	simm.s32 @!p0 $0x108  }
0x21: {  	s3 =	sadd.s32 s3, s9;
	s6 =	sadd.s32 @!p0 $0x88, s6;
	s7 =	simm.s32 @p2 $0x1082  }
0x22: {  	[simem:s7], [sflag:s8] =	dma.local @!p0 [hbm:s6], $0xF7A  }
0x23: {  	s9 =	sor.u32 $0xD0000000, s2;
	s6 =	simm.s32 $0x108;
	_ =	swait.ge @!p0 [sflag:s8], $0x0  }
0x24: {  	s3 =	sadd.s32 $0x88, s3;
	s6 =	simm.s32 @!p1 $0x1082;
	[sflag:s4] =	ssyncset.s32 $0xFFFFF086  }
0x25: {  	[simem:s6], [sflag:s4] =	dma.local [hbm:s3], $0xF7A  }
0x26: {  	[smem:$0x3F99] =	sst s1;
	(tag) =	ssettag s2;
	_ =	strace s9  }
0x27: {  	s1 =	sld [smem:$0x3FA9]  }
0x28: {  	s2 =	sld [smem:$0x3FAA]  }
0x29: {  	s4 =	sld [smem:$0x3FAC]  }
0x2a: {  	p0 =	seq.s32 s5, $0x0;
	s5 =	sld [smem:$0x3FAD]  }
0x2b: {  	s6 =	sld [smem:$0x3FAE]  }
0x2c: {  	s7 =	sld [smem:$0x3FAF]  }
0x2d: {  	s3 =	simm.s32 $0x108;
	s8 =	sld [smem:$0x3FB0]  }
0x2e: {  	s3 =	simm.s32 @!p0 $0x1082;
	s9 =	sld [smem:$0x3FB1]  }
0x2f: {  	lr =	sadd.s32 s0, s3;
	s0 =	sld [smem:$0x3FA8]  }
0x30: {  	s3 =	sld [smem:$0x3FAB]  }
0x31: {  	[smem:$0x3FB4] =	sst s10  }
0x32: {  	s10 =	sld [smem:$0x3FB2];
	_ =	sdelay $0x3  }
0x33: {  	p0 =	seq.s32 s10, $0x1;
	s10 =	sld [smem:$0x3FB4];
	_ =	sdelay $0x3  }
0x34: {  	[smem:$0x3FB4] =	sst s10  }
0x35: {  	s10 =	sld [smem:$0x3FB3];
	_ =	sdelay $0x3  }
0x36: {  	p1 =	seq.s32 s10, $0x1;
	s10 =	sld [smem:$0x3FB4];
	_ =	sdelay $0x3  }
0x37: {  	[smem:$0x3FB4] =	sst s10  }
0x38: {  	s10 =	sld [smem:$0x3FB5]  }
0x39: {  	_ = 	snop;
	(pc) =	sbr.ind lr, $3  }
0x3a: {  	_ = 	snop  }
0x3b: {  	_ = 	snop  }
0x3c: {  	p2 =	seq.s32 s10, $0x1;
	s10 =	sld [smem:$0x3FB4]  }
0x3d: {  	_ =	shalt  }
0x3e: {  	_ =	shalt  }
0x3f: {  	_ =	shalt  }
0x40: {  	_ =	shalt  }
0x41: {  	_ =	shalt  }
0x42: {  	_ =	shalt  }
0x43: {  	_ =	shalt  }
0x44: {  	_ =	shalt  }
0x45: {  	_ =	shalt  }
0x46: {  	_ =	shalt  }
0x47: {  	_ =	shalt  }
0x48: {  	_ =	shalt  }
0x49: {  	_ =	shalt  }
0x4a: {  	_ =	shalt  }
0x4b: {  	_ =	shalt  }
0x4c: {  	_ =	shalt  }
0x4d: {  	_ =	shalt  }
0x4e: {  	_ =	shalt  }
0x4f: {  	_ =	shalt  }
0x50: {  	_ =	shalt  }
0x51: {  	_ =	shalt  }
0x52: {  	_ =	shalt  }
0x53: {  	_ =	shalt  }
0x54: {  	_ =	shalt  }
0x55: {  	_ =	shalt  }
0x56: {  	_ =	shalt  }
0x57: {  	_ =	shalt  }
0x58: {  	_ =	shalt  }
0x59: {  	_ =	shalt  }
0x5a: {  	_ =	shalt  }
0x5b: {  	_ =	shalt  }
0x5c: {  	_ =	shalt  }
0x5d: {  	_ =	shalt  }
0x5e: {  	_ =	shalt  }
0x5f: {  	_ =	shalt  }
0x60: {  	_ =	shalt  }
0x61: {  	_ =	shalt  }
0x62: {  	_ =	shalt  }
0x63: {  	_ =	shalt  }
0x64: {  	_ =	shalt  }
0x65: {  	_ =	shalt  }
0x66: {  	_ =	shalt  }
0x67: {  	_ =	shalt  }
0x68: {  	_ =	shalt  }
0x69: {  	_ =	shalt  }
0x6a: {  	_ =	shalt  }
0x6b: {  	_ =	shalt  }
0x6c: {  	_ =	shalt  }
0x6d: {  	_ =	shalt  }
0x6e: {  	_ =	shalt  }
0x6f: {  	_ =	shalt  }
0x70: {  	_ =	shalt  }
0x71: {  	_ =	shalt  }
0x72: {  	_ =	shalt  }
0x73: {  	_ =	shalt  }
0x74: {  	_ =	shalt  }
0x75: {  	_ =	shalt  }
0x76: {  	_ =	shalt  }
0x77: {  	_ =	shalt  }
0x78: {  	_ =	shalt  }
0x79: {  	_ =	shalt  }
0x7a: {  	_ =	shalt  }
0x7b: {  	_ =	shalt  }
0x7c: {  	_ =	shalt  }
0x7d: {  	_ =	shalt  }
0x7e: {  	_ =	shalt  }
0x7f: {  	_ =	shalt  }
0x80: {  	_ =	shalt  }
0x81: {  	_ =	shalt  }
0x82: {  	_ =	shalt  }
0x83: {  	_ =	shalt  }
0x84: {  	_ =	shalt  }
0x85: {  	_ =	shalt  }
0x86: {  	_ =	shalt  }
0x87: {  	_ =	shalt  }
.Lfunc_end0:
.L_simem_size_0:
called_computation.1_lowered:
.L_overlay_start_0:
0x88: {  	s2 =	sld [smem:$0x3FD9]  }
0x89: {  	s3 =	sld [smem:$0x3FFE];
	_ =	sdelay $0x1  }
0x8a: {  	s1 =	srdreg.scid  }
0x8b: {  	s0 =	sand.u32 $0x1, s1  }
0x8c: {  	s16 =	sshll.u32 s0, $0xA;
	s2 =	sadd.s32 s3, s2  }
0x8d: {  	s2 =	sadd.s32 s2, s16  }
0x8e: {  	[smem:$0x3FC0] =	sst s2  }
0x8f: {  	_ = 	snop  }
0x90: {  	(tm) =	ssettm $0x1  }
0x91: {  	s17 =	sld [smem:$0x3FFB];
	_ =	sdelay $0x3  }
0x92: {  	_ =	strace s17  }
0x93: {  	s2 =	sld [smem:$0x3FFC];
	_ =	sdelay $0x3  }
0x94: {  	_ =	strace s2  }
0x95: {  	s2 =	sld [smem:$0x3FFD];
	_ =	sdelay $0x3  }
0x96: {  	_ =	strace s2  }
0x97: {  	_ =	strace $0x8FFFFFFF  }
0x98: {  	s18 =	sld [smem:$0x3FDB];
	_ =	sdelay $0x1  }
0x99: {  	s19 =	simm.s32 $_scs_section_size  }
0x9a: {  	s4 =	simm.s32 $_size__tile_overlayer_lowered;
	s5 =	simm.s32 $_tile_overlayer_lowered  }
0x9b: {  	s22 =	simm.s32 $0x1BFF;
	s21 =	sshll.u32 s5, $0x1;
	s2 =	sadd.s32 s19, s18  }
0x9c: {  	s6 =	simm.s32 $0x0;
	s20 =	sshll.u32 s4, $0x1;
	s4 =	sadd.s32 s21, s2  }
0x9d: {  	[timem:s6], [sflag:s22] =	dma.local [hbm:s4], s20  }
0x9e: {  	_ =	swait.ge [sflag:s22], s20  }
0x9f: {  	s3 =	ssub.s32 $0x0, s20;
	[sflag:s22] =	ssyncset.done $0x0  }
0xa0: {  	[sflag:s22] =	ssyncadd.s32 s3;
	_ =	sdelay $0x1  }
0xa1: {  	s23 =	simm.s32 $0x1B8B  }
0xa2: {  	_ =	swait.ge [sflag:s23], $0x1  }
0xa3: {  	[sflag:s23] =	ssyncset.done $0x0  }
0xa4: {  	s25 =	simm.s32 $0x1B8E;
	s24 =	sld [smem:$0x3FFE];
	[sflag:s23] =	ssyncadd.s32 $0xFFFFFFFF  }
0xa5: {  	s26 =	simm.s32 $execute0_lowered;
	[smem:$0x3FD2] =	sst s25  }
0xa6: {  	s4 =	sshll.u32 s26, $0x1;
	_ =	strace $0x80000049;
	[dreg:$0x1] =	wrdreg $0xFFFFFFFF  }
0xa7: {  	s28 =	simm.s32 $_size_execute0_lowered;
	s2 =	sadd.s32 s2, s4;
	[dreg:$0x0] =	wrdreg $0x0  }
0xa8: {  	s4 =	sshll.u32 s28, $0x1;
	[dreg:$0x2] =	wrdreg s2  }
0xa9: {  	[dreg:$0x3] =	wrdreg s4  }
0xaa: {  	[dreg:$0x4] =	wrdreg $0xC0  }
0xab: {  	_ =	task [dreg:s6], $0x5FFFF  }
0xac: {  	[dreg:$0x1] =	wrdreg $0xFFFFFFFF  }
0xad: {  	[dreg:$0x0] =	wrdreg $0x60  }
0xae: {  	[dreg:$0x2] =	wrdreg s24  }
0xaf: {  	[dreg:$0x3] =	wrdreg $0x92000  }
0xb0: {  	[dreg:$0x4] =	wrdreg $0x132000  }
0xb1: {  	[dreg:$0x5] =	wrdreg $0x9  }
0xb2: {  	_ =	task.clear_ibuf [dreg:s6], $0x6FFFF;
	_ =	strace $0x90000049  }
0xb3: {  	s29 =	simm.s32 $0x9;
	_ =	strace $0x8000004B  }
0xb4: {  	_ =	swait.ge [sflag:s29], $0x1  }
0xb5: {  	[sflag:s29] =	ssyncadd.s32 $0xFFFFFFFF  }
0xb6: {  	_ =	strace $0x9000004B  }
0xb7: {  	_ =	sfence  }
0xb8: {  	s30 =	sld [smem:$0x0];
	_ =	sdelay $0x2  }
0xb9: {  	s31 =	sshll.u32 s1, $0xD;
	s1 =	sshrl.u32 s1, $0x2  }
0xba: {  	s3 =	sand.u32 $0x4000, s31;
	s1 =	sadd.s32 s1, s30  }
0xbb: {  	s0 =	sor.u32 s3, s0;
	s1 =	sshll.u32 s1, $0x11  }
0xbc: {  	s0 =	sor.u32 s1, s0  }
0xbd: {  	s0 =	sadd.s32 $0x8F2B, s0  }
0xbe: {  	[sflag:s0] =	ssyncadd.remote.s32 $0x1  }
0xbf: {  	_ =	sfence.sel $0xFFFF  }
0xc0: {  	[dreg:$0x0] =	wrdreg $0xFFFFFFFF;
	(pc) =	sbr.abs _section_cstart, $3  }
0xc1: {  	[dreg:$0x1] =	wrdreg $0xFFFFFFFF  }
0xc2: {  	_ =	task.clear_ibuf [dreg:s6], $0x2FFFF;
	_ =	strace $0x9FFFFFFF  }
0xc3: {  	(tm) =	ssettm $0x7FFFFFFF  }
tec
execute0_lowered:
.L_overlay_start_1:
0x0: {  	(tag) =	ssettag $0x1  }
0x1: {  	s6 =	rddreg [dreg:$0x0];
	s0 =	stileid.u32  }
0x2: {  	s1 =	srdreg.scid;
	s2 =	rddreg [dreg:$0x1]  }
0x3: {  	s3 =	rddreg [dreg:$0x2];
	s4 =	simm.s32 $0x0;
	s16 =	simm.s32 $0x80  }
0x4: {  	s17 =	simm.s32 $0x5200;
	s18 =	simm.s32 $0x7200;
	s19 =	simm.s32 $0x1  }
0x5: {  	s20 =	simm.s32 $0x2;
	s21 =	simm.s32 $0x5100;
	s22 =	simm.s32 $0x5180  }
0x6: {  	s23 =	simm.s32 $0x0;
	s7 =	sand.u32 $0x1, s1;
	s1 =	rddreg [dreg:$0x3]  }
0x7: {  	s29 =	sshll.u32 s0, $0x1;
	s8 =	smul.u32 $0xA000, s0;
	[smem:$0x7FF] =	sst s4  }
0x8: {  	s31 =	sshll.u32 s0, $0x6;
	s5 =	sor.u32 s7, s29;
	s9 =	smul.u32 $0xA0000, s7  }
0x9: {  	_ =	strace $0x8000004A;
	s7 =	ssub.s32 $0x2, s7;
	s5 =	smul.u32 $0x520, s5  }
0xa: {  	s10 =	sshrl.u32 s8, $0x3;
	s30 =	sshrl.u32 s7, $0x1;
	s14 =	sadd.s32 s8, s2  }
0xb: {  	s15 =	sadd.s32 s8, s3;
	s10 =	sadd.s32 s10, s6;
	s9 =	sadd.s32 s8, s9  }
0xc: {  	s13 =	ssub.s32 s7, s30;
	s11 =	sadd.s32 s5, s6;
	s9 =	sshrl.u32 s9, $0x3  }
0xd: {  	s5 =	sadd.s32 $0xBA00, s6;
	s7 =	sadd.s32 $0x6FE00, s10;
	s12 =	sadd.s32 s9, s6  }
0xe: {  	s6 =	sor.u32 $0x1C03, s31;
	s8 =	sadd.s32 $0x15A00, s11;
	s9 =	sadd.s32 $0x1000, s11  }
0xf: {  	s11 =	smax.u32 s13, $0x1;
	s13 =	simm.s32 $0x3;
	s10 =	sadd.s32 $0x83E00, s12  }
0x10: {  	s12 =	sshrl.u32 s14, $0x3;
	s14 =	sshrl.u32 s15, $0x3;
	s15 =	simm.s32 $0x2900  }
.LBB2_1:
0x11: {  	[spmem:s12], [sflag:s6] =	dma.local [hbm:s5], $0x1400  }
0x12: {  	_ =	swait.ge [sflag:s13], $0x1400  }
0x13: {  	[sflag:s13] =	ssyncset.done $0x0  }
0x14: {  	[sflag:s13] =	ssyncadd.s32 $0xFFFFEC00  }
0x15: {  	[spmem:s14], [sflag:s6] =	dma.local [hbm:s7], $0x1400  }
0x16: {  	_ =	swait.ge [sflag:s13], $0x1400  }
0x17: {  	[sflag:s13] =	ssyncset.done $0x0  }
0x18: {  	[sflag:s13] =	ssyncadd.s32 $0xFFFFEC00  }
0x19: {  	[tilespmem:s4], [sflag:$0x3] =	stream.linear.gather [hbm4b:s8+s4], $0x2900, $0x38;
	[tilespmem:$0x1D200] =	vst v63  }
0x1a: {  	_ =	swait.ge [sflag:s13], $0x2900  }
0x1b: {  	[sflag:s13] =	ssyncset.done $0x0  }
0x1c: {  	[sflag:s13] =	ssyncadd.s32 $0xFFFFD700  }
0x1d: {  	[tilespmem:s15], [sflag:$0x3] =	stream.linear.gather [hbm4b:s9+s4], $0x2900, $0x38;
	[tilespmem:$0x1D200] =	vst v63  }
0x1e: {  	_ =	swait.ge [sflag:s13], $0x2900  }
0x1f: {  	[sflag:s13] =	ssyncset.done $0x0  }
0x20: {  	[sflag:s13] =	ssyncadd.s32 $0xFFFFD700  }
0x21: {  	[bflag:$0x0] =	sbarrier.arrive $0xFFFF  }
0x22: {  	[tilespmem:s17], [sflag:$0x1] =	stream.indirect.gather [spmem:s3], $0x40, s4, s16, $0xb8;
	[tilespmem:$0x1D200] =	vst v63  }
0x23: {  	_ = 	snop  }
0x24: {  	[tilespmem:s18], [sflag:$0x2] =	stream.indirect.gather [spmem:s3], $0x40, s16, s16, $0xb8;
	[tilespmem:$0x1D200] =	vst v63  }
0x25: {  	_ =	swait.ge [sflag:s19], $0x2000  }
0x26: {  	[sflag:s19] =	ssyncset.done $0x0  }
0x27: {  	s24 =	simm.s32 $0x2900;
	[sflag:s19] =	ssyncadd.s32 $0xFFFFE000  }
0x28: {  	[spmem:s2] =	stream.indirect.scatter.add.f32 [tilespmem:s17], [sflag:$0x3], $0x40, s24, s16, $0xb8;
	[tilespmem:$0x1D200] =	vst v63  }
0x29: {  	_ =	swait.ge [sflag:s13], $0x2000  }
0x2a: {  	[sflag:s13] =	ssyncset.done $0x0  }
0x2b: {  	s30 =	simm.s32 $0x100;
	[sflag:s13] =	ssyncadd.s32 $0xFFFFE000  }
0x2c: {  	[tilespmem:s17], [sflag:$0x1] =	stream.indirect.gather [spmem:s3], $0x40, s30, s16, $0xb8;
	[tilespmem:$0x1D200] =	vst v63  }
0x2d: {  	_ =	swait.ge [sflag:s20], $0x2000  }
0x2e: {  	[sflag:s20] =	ssyncset.done $0x0  }
0x2f: {  	s31 =	simm.s32 $0x2980;
	[sflag:s20] =	ssyncadd.s32 $0xFFFFE000  }
0x30: {  	[spmem:s2] =	stream.indirect.scatter.add.f32 [tilespmem:s18], [sflag:$0x3], $0x40, s31, s16, $0xb8;
	[tilespmem:$0x1D200] =	vst v63  }
0x31: {  	_ =	swait.ge [sflag:s13], $0x2000  }
0x32: {  	[sflag:s13] =	ssyncset.done $0x0  }
0x33: {  	s25 =	simm.s32 $0x180;
	s24 =	simm.s32 $0x400;
	[sflag:s13] =	ssyncadd.s32 $0xFFFFE000  }
.LBB2_2:
0x34: {  	[tilespmem:s18], [sflag:$0x2] =	stream.indirect.gather [spmem:s3], $0x40, s25, s16, $0xb8;
	[tilespmem:$0x1D200] =	vst v63  }
0x35: {  	s25 =	smov.u32 s24  }
0x36: {  	p0 =	sne.s32 s24, $0x9C00;
	s24 =	sadd.s32 $0x400, s24;
	_ =	swait.ge [sflag:s19], $0x2000  }
0x37: {  	s25 =	sshra.s32 s25, $0x2;
	[sflag:s19] =	ssyncset.done $0x0  }
0x38: {  	s26 =	sadd.s32 $0x2900, s25;
	[sflag:s19] =	ssyncadd.s32 $0xFFFFE000  }
0x39: {  	[spmem:s2] =	stream.indirect.scatter.add.f32 [tilespmem:s17], [sflag:$0x3], $0x40, s26, s16, $0xb8;
	[tilespmem:$0x1D200] =	vst v63  }
0x3a: {  	_ =	swait.ge [sflag:s13], $0x2000  }
0x3b: {  	[sflag:s13] =	ssyncset.done $0x0  }
0x3c: {  	s26 =	sadd.s32 $0x100, s25;
	[sflag:s13] =	ssyncadd.s32 $0xFFFFE000  }
0x3d: {  	[tilespmem:s17], [sflag:$0x1] =	stream.indirect.gather [spmem:s3], $0x40, s26, s16, $0xb8;
	[tilespmem:$0x1D200] =	vst v63  }
0x3e: {  	_ =	swait.ge [sflag:s20], $0x2000  }
0x3f: {  	[sflag:s20] =	ssyncset.done $0x0  }
.Ltmp0:
0x40: {  	s26 =	sadd.s32 $0x2980, s25;
	[sflag:s20] =	ssyncadd.s32 $0xFFFFE000;
	(pc) =	sbr.rel @p0 .LBB2_2-.Ltmp0, $4  }
0x41: {  	[spmem:s2] =	stream.indirect.scatter.add.f32 [tilespmem:s18], [sflag:$0x3], $0x40, s26, s16, $0xb8;
	[tilespmem:$0x1D200] =	vst v63  }
0x42: {  	_ =	swait.ge [sflag:s13], $0x2000  }
0x43: {  	[sflag:s13] =	ssyncset.done $0x0  }
0x44: {  	s25 =	sadd.s32 $0x180, s25;
	[sflag:s13] =	ssyncadd.s32 $0xFFFFE000  }
0x45: {  	[tilespmem:s18], [sflag:$0x2] =	stream.indirect.gather [spmem:s3], $0x40, s25, s16, $0xb8;
	[tilespmem:$0x1D200] =	vst v63  }
0x46: {  	_ =	swait.ge [sflag:s19], $0x2000  }
0x47: {  	[sflag:s19] =	ssyncset.done $0x0  }
0x48: {  	[sflag:s19] =	ssyncadd.s32 $0xFFFFE000  }
0x49: {  	[spmem:s2] =	stream.indirect.scatter.add.f32 [tilespmem:s17], [sflag:$0x3], $0x40, s21, s16, $0xb8;
	[tilespmem:$0x1D200] =	vst v63  }
0x4a: {  	_ =	swait.ge [sflag:s13], $0x2000  }
0x4b: {  	[sflag:s13] =	ssyncset.done $0x0  }
0x4c: {  	[sflag:s13] =	ssyncadd.s32 $0xFFFFE000  }
0x4d: {  	_ =	swait.ge [sflag:s20], $0x2000  }
0x4e: {  	[sflag:s20] =	ssyncset.done $0x0  }
0x4f: {  	[sflag:s20] =	ssyncadd.s32 $0xFFFFE000  }
0x50: {  	[spmem:s2] =	stream.indirect.scatter.add.f32 [tilespmem:s18], [sflag:$0x3], $0x40, s22, s16, $0xb8;
	[tilespmem:$0x1D200] =	vst v63  }
0x51: {  	_ =	swait.ge [sflag:s13], $0x2000  }
0x52: {  	s23 =	sadd.s32 $0x1, s23;
	[sflag:s13] =	ssyncset.done $0x0  }
0x53: {  	p0 =	sne.s32 s23, s11;
	[sflag:s13] =	ssyncadd.s32 $0xFFFFE000  }
.Ltmp1:
0x54: {  	[bflag:$0x0] =	sbarrier.arrive $0xFFFF;
	(pc) =	sbr.rel @p0 .LBB2_1-.Ltmp1, $4  }
0x55: {  	[hbm:s10], [sflag:s6] =	dma.local [spmem:s12], $0x1400  }
0x56: {  	_ =	swait.ge [sflag:s13], $0x1400  }
0x57: {  	[sflag:s13] =	ssyncset.done $0x0  }
0x58: {  	[sflag:s13] =	ssyncadd.s32 $0xFFFFEC00  }
0x59: {  	_ =	sfence.sel $0x180000  }
0x5a: {  	[bflag:$0x0] =	sbarrier.arrive $0xFFFF  }
0x5b: {  	p0 =	sne.s32 s0, $0x0;
	_ =	strace $0x9000004A  }
0x5c: {  	s0 =	sadd.s32 @!p0 $0x100000, s1;
	[bflag:$0x2] =	sbarrier.arrive $0xFFFF  }
0x5d: {  	[sflag:s0] =	ssyncadd.tile.s32 @!p0 $0x1;
	_ =	shalt  }
.Lfunc_end2:
_tile_overlayer_lowered:
.L_overlay_start_2:
0x5e: {  	(tag) =	ssettag $0x2  }
0x5f: {  	s0 =	rddreg [dreg:$0x0];
	s2 =	stileid.u32  }
0x60: {  	s1 =	rddreg [dreg:$0x1];
	p0 =	sne.s32 s2, $0x0  }
0x61: {  	s3 =	rddreg [dreg:$0x2];
	[bflag:$0x3] =	sbarrier.arrive $0xFFFF;
	s2 =	simm.s32 @!p0 $0x1C03  }
0x62: {  	[timem:s3], [sflag:s2] =	dma.local @!p0 [hbm:s0], s1  }
0x63: {  	s0 =	simm.s32 @!p0 $0x3  }
0x64: {  	_ =	swait.ge @!p0 [sflag:s0], s1  }
0x65: {  	s1 =	ssub.s32 @!p0 $0x0, s1;
	[sflag:s0] =	ssyncset.done @!p0 $0x0  }
0x66: {  	[sflag:s0] =	ssyncadd.s32 @!p0 s1  }
0x67: {  	[bflag:$0x3] =	sbarrier.arrive $0xFFFF  }
0x68: {  	_ =	shalt  }

// kernel: kernel.16.cloned.1.call-start
scs
__scs_entry_jumppad:
0x0: {  	(pc) =	sbr.rel $0x88, $3  }
0x1: {  	(tag) =	ssettag $0x0;
	lr =	simm.s32 $0x1  }
0x2: {  	[smem:$0x3F99] =	sst lr;
	_ =	strace $0xD0000000  }
0x3: {  	_ = 	snop  }
0x4: {  	_ = 	snop  }
0x5: {  	_ = 	snop  }
0x6: {  	_ = 	snop  }
0x7: {  	_ = 	snop  }
__scs_overlays_trampoline_lowered:
0x8: {  	[smem:$0x3FA8] =	sst s0  }
0x9: {  	[smem:$0x3FA9] =	sst s1  }
0xa: {  	[smem:$0x3FAA] =	sst s2  }
0xb: {  	[smem:$0x3FAB] =	sst s3  }
0xc: {  	[smem:$0x3FAC] =	sst s4  }
0xd: {  	[smem:$0x3FAD] =	sst s5  }
0xe: {  	[smem:$0x3FAE] =	sst s6  }
0xf: {  	[smem:$0x3FAF] =	sst s7  }
0x10: {  	[smem:$0x3FB0] =	sst s8  }
0x11: {  	[smem:$0x3FB1] =	sst s9;
	s0 =	simm.s32 @!p0 $0x0  }
0x12: {  	s1 =	sld [smem:$0x3F97];
	s0 =	simm.s32 @p0 $0x1  }
0x13: {  	[smem:$0x3FB2] =	sst s0;
	s0 =	simm.s32 @!p1 $0x0  }
0x14: {  	s2 =	sld [smem:$0x3F96];
	s0 =	simm.s32 @p1 $0x1  }
0x15: {  	[smem:$0x3FB3] =	sst s0;
	s0 =	simm.s32 @!p2 $0x0  }
0x16: {  	s3 =	sld [smem:$0x3FDB];
	s0 =	simm.s32 @p2 $0x1  }
0x17: {  	s4 =	simm.s32 $0x1BF5;
	[smem:$0x3FB5] =	sst s0  }
0x18: {  	s0 =	sld [smem:$0x3F98];
	_ =	swait.ge [sflag:s4], $0x0  }
0x19: {  	s7 =	sld [smem:$0x3F99]  }
0x1a: {  	s8 =	sadd.s32 $0xFFFFE003, lr  }
0x1b: {  	s9 =	sadd.s32 $0xFFFFFEF7, lr;
	s5 =	simm.s32 $0xFFFFFFFF;
	p2 =	slt.u32 s8, $0xFFFFF086  }
0x1c: {  	p1 =	slt.u32 s9, $0xF7A;
	s5 =	simm.s32 @!p2 $0x0  }
0x1d: {  	s5 =	simm.s32 @p1 $0x1;
	p0 =	seq.s32 s7, s2  }
0x1e: {  	s7 =	smul.u32 @!p0 $0xF7A, s2;
	p2 =	seq.s32 @!p0 s5, $0x0  }
0x1f: {  	s9 =	smul.u32 $0xF7A, s1;
	s8 =	simm.s32 @!p0 $0x1BF5;
	p2 =	por !p2, p0  }
0x20: {  	[sflag:s8] =	ssyncset.s32 @!p0 $0xFFFFF086;
	s6 =	sadd.s32 @!p0 s3, s7;
	s7 =	simm.s32 @!p0 $0x108  }
0x21: {  	s3 =	sadd.s32 s3, s9;
	s6 =	sadd.s32 @!p0 $0x88, s6;
	s7 =	simm.s32 @p2 $0x1082  }
0x22: {  	[simem:s7], [sflag:s8] =	dma.local @!p0 [hbm:s6], $0xF7A  }
0x23: {  	s9 =	sor.u32 $0xD0000000, s2;
	s6 =	simm.s32 $0x108;
	_ =	swait.ge @!p0 [sflag:s8], $0x0  }
0x24: {  	s3 =	sadd.s32 $0x88, s3;
	s6 =	simm.s32 @!p1 $0x1082;
	[sflag:s4] =	ssyncset.s32 $0xFFFFF086  }
0x25: {  	[simem:s6], [sflag:s4] =	dma.local [hbm:s3], $0xF7A  }
0x26: {  	[smem:$0x3F99] =	sst s1;
	(tag) =	ssettag s2;
	_ =	strace s9  }
0x27: {  	s1 =	sld [smem:$0x3FA9]  }
0x28: {  	s2 =	sld [smem:$0x3FAA]  }
0x29: {  	s4 =	sld [smem:$0x3FAC]  }
0x2a: {  	p0 =	seq.s32 s5, $0x0;
	s5 =	sld [smem:$0x3FAD]  }
0x2b: {  	s6 =	sld [smem:$0x3FAE]  }
0x2c: {  	s7 =	sld [smem:$0x3FAF]  }
0x2d: {  	s3 =	simm.s32 $0x108;
	s8 =	sld [smem:$0x3FB0]  }
0x2e: {  	s3 =	simm.s32 @!p0 $0x1082;
	s9 =	sld [smem:$0x3FB1]  }
0x2f: {  	lr =	sadd.s32 s0, s3;
	s0 =	sld [smem:$0x3FA8]  }
0x30: {  	s3 =	sld [smem:$0x3FAB]  }
0x31: {  	[smem:$0x3FB4] =	sst s10  }
0x32: {  	s10 =	sld [smem:$0x3FB2];
	_ =	sdelay $0x3  }
0x33: {  	p0 =	seq.s32 s10, $0x1;
	s10 =	sld [smem:$0x3FB4];
	_ =	sdelay $0x3  }
0x34: {  	[smem:$0x3FB4] =	sst s10  }
0x35: {  	s10 =	sld [smem:$0x3FB3];
	_ =	sdelay $0x3  }
0x36: {  	p1 =	seq.s32 s10, $0x1;
	s10 =	sld [smem:$0x3FB4];
	_ =	sdelay $0x3  }
0x37: {  	[smem:$0x3FB4] =	sst s10  }
0x38: {  	s10 =	sld [smem:$0x3FB5]  }
0x39: {  	_ = 	snop;
	(pc) =	sbr.ind lr, $3  }
0x3a: {  	_ = 	snop  }
0x3b: {  	_ = 	snop  }
0x3c: {  	p2 =	seq.s32 s10, $0x1;
	s10 =	sld [smem:$0x3FB4]  }
0x3d: {  	_ =	shalt  }
0x3e: {  	_ =	shalt  }
0x3f: {  	_ =	shalt  }
0x40: {  	_ =	shalt  }
0x41: {  	_ =	shalt  }
0x42: {  	_ =	shalt  }
0x43: {  	_ =	shalt  }
0x44: {  	_ =	shalt  }
0x45: {  	_ =	shalt  }
0x46: {  	_ =	shalt  }
0x47: {  	_ =	shalt  }
0x48: {  	_ =	shalt  }
0x49: {  	_ =	shalt  }
0x4a: {  	_ =	shalt  }
0x4b: {  	_ =	shalt  }
0x4c: {  	_ =	shalt  }
0x4d: {  	_ =	shalt  }
0x4e: {  	_ =	shalt  }
0x4f: {  	_ =	shalt  }
0x50: {  	_ =	shalt  }
0x51: {  	_ =	shalt  }
0x52: {  	_ =	shalt  }
0x53: {  	_ =	shalt  }
0x54: {  	_ =	shalt  }
0x55: {  	_ =	shalt  }
0x56: {  	_ =	shalt  }
0x57: {  	_ =	shalt  }
0x58: {  	_ =	shalt  }
0x59: {  	_ =	shalt  }
0x5a: {  	_ =	shalt  }
0x5b: {  	_ =	shalt  }
0x5c: {  	_ =	shalt  }
0x5d: {  	_ =	shalt  }
0x5e: {  	_ =	shalt  }
0x5f: {  	_ =	shalt  }
0x60: {  	_ =	shalt  }
0x61: {  	_ =	shalt  }
0x62: {  	_ =	shalt  }
0x63: {  	_ =	shalt  }
0x64: {  	_ =	shalt  }
0x65: {  	_ =	shalt  }
0x66: {  	_ =	shalt  }
0x67: {  	_ =	shalt  }
0x68: {  	_ =	shalt  }
0x69: {  	_ =	shalt  }
0x6a: {  	_ =	shalt  }
0x6b: {  	_ =	shalt  }
0x6c: {  	_ =	shalt  }
0x6d: {  	_ =	shalt  }
0x6e: {  	_ =	shalt  }
0x6f: {  	_ =	shalt  }
0x70: {  	_ =	shalt  }
0x71: {  	_ =	shalt  }
0x72: {  	_ =	shalt  }
0x73: {  	_ =	shalt  }
0x74: {  	_ =	shalt  }
0x75: {  	_ =	shalt  }
0x76: {  	_ =	shalt  }
0x77: {  	_ =	shalt  }
0x78: {  	_ =	shalt  }
0x79: {  	_ =	shalt  }
0x7a: {  	_ =	shalt  }
0x7b: {  	_ =	shalt  }
0x7c: {  	_ =	shalt  }
0x7d: {  	_ =	shalt  }
0x7e: {  	_ =	shalt  }
0x7f: {  	_ =	shalt  }
0x80: {  	_ =	shalt  }
0x81: {  	_ =	shalt  }
0x82: {  	_ =	shalt  }
0x83: {  	_ =	shalt  }
0x84: {  	_ =	shalt  }
0x85: {  	_ =	shalt  }
0x86: {  	_ =	shalt  }
0x87: {  	_ =	shalt  }
.Lfunc_end0:
.L_simem_size_0:
called_computation.2_lowered:
.L_overlay_start_0:
0x88: {  	s2 =	sld [smem:$0x3FD9]  }
0x89: {  	s3 =	sld [smem:$0x3FFE];
	_ =	sdelay $0x1  }
0x8a: {  	s1 =	srdreg.scid  }
0x8b: {  	s0 =	sand.u32 $0x1, s1  }
0x8c: {  	s16 =	sshll.u32 s0, $0xA;
	s2 =	sadd.s32 s3, s2  }
0x8d: {  	s2 =	sadd.s32 s2, s16  }
0x8e: {  	[smem:$0x3FC0] =	sst s2  }
0x8f: {  	_ = 	snop  }
0x90: {  	(tm) =	ssettm $0x1  }
0x91: {  	s17 =	sld [smem:$0x3FFB];
	_ =	sdelay $0x3  }
0x92: {  	_ =	strace s17  }
0x93: {  	s2 =	sld [smem:$0x3FFC];
	_ =	sdelay $0x3  }
0x94: {  	_ =	strace s2  }
0x95: {  	s2 =	sld [smem:$0x3FFD];
	_ =	sdelay $0x3  }
0x96: {  	_ =	strace s2  }
0x97: {  	_ =	strace $0x8FFFFFFF  }
0x98: {  	s18 =	sld [smem:$0x3FDB];
	_ =	sdelay $0x1  }
0x99: {  	s19 =	simm.s32 $_scs_section_size  }
0x9a: {  	s4 =	simm.s32 $_size__tile_overlayer_lowered;
	s5 =	simm.s32 $_tile_overlayer_lowered  }
0x9b: {  	s22 =	simm.s32 $0x1BFF;
	s21 =	sshll.u32 s5, $0x1;
	s2 =	sadd.s32 s19, s18  }
0x9c: {  	s6 =	simm.s32 $0x0;
	s20 =	sshll.u32 s4, $0x1;
	s4 =	sadd.s32 s21, s2  }
0x9d: {  	[timem:s6], [sflag:s22] =	dma.local [hbm:s4], s20  }
0x9e: {  	_ =	swait.ge [sflag:s22], s20  }
0x9f: {  	s3 =	ssub.s32 $0x0, s20;
	[sflag:s22] =	ssyncset.done $0x0  }
0xa0: {  	[sflag:s22] =	ssyncadd.s32 s3;
	_ =	sdelay $0x1  }
0xa1: {  	s23 =	simm.s32 $0x1B8B  }
0xa2: {  	_ =	swait.ge [sflag:s23], $0x1  }
0xa3: {  	[sflag:s23] =	ssyncset.done $0x0  }
0xa4: {  	s25 =	simm.s32 $0x1B8E;
	s24 =	sld [smem:$0x3FFE];
	[sflag:s23] =	ssyncadd.s32 $0xFFFFFFFF  }
0xa5: {  	s26 =	simm.s32 $execute0_lowered;
	[smem:$0x3FD2] =	sst s25  }
0xa6: {  	s4 =	sshll.u32 s26, $0x1;
	_ =	strace $0x8000004C;
	[dreg:$0x1] =	wrdreg $0xFFFFFFFF  }
0xa7: {  	s28 =	simm.s32 $_size_execute0_lowered;
	s2 =	sadd.s32 s2, s4;
	[dreg:$0x0] =	wrdreg $0x0  }
0xa8: {  	s4 =	sshll.u32 s28, $0x1;
	[dreg:$0x2] =	wrdreg s2  }
0xa9: {  	[dreg:$0x3] =	wrdreg s4  }
0xaa: {  	[dreg:$0x4] =	wrdreg $0xC0  }
0xab: {  	_ =	task [dreg:s6], $0x5FFFF  }
0xac: {  	[dreg:$0x1] =	wrdreg $0xFFFFFFFF  }
0xad: {  	[dreg:$0x0] =	wrdreg $0x60  }
0xae: {  	[dreg:$0x2] =	wrdreg s24  }
0xaf: {  	[dreg:$0x3] =	wrdreg $0x92000  }
0xb0: {  	[dreg:$0x4] =	wrdreg $0x132000  }
0xb1: {  	[dreg:$0x5] =	wrdreg $0x9  }
0xb2: {  	_ =	task.clear_ibuf [dreg:s6], $0x6FFFF;
	_ =	strace $0x9000004C  }
0xb3: {  	s29 =	simm.s32 $0x9;
	_ =	strace $0x8000004E  }
0xb4: {  	_ =	swait.ge [sflag:s29], $0x1  }
0xb5: {  	[sflag:s29] =	ssyncadd.s32 $0xFFFFFFFF  }
0xb6: {  	_ =	strace $0x9000004E  }
0xb7: {  	_ =	sfence  }
0xb8: {  	s30 =	sld [smem:$0x0];
	_ =	sdelay $0x2  }
0xb9: {  	s31 =	sshll.u32 s1, $0xD;
	s1 =	sshrl.u32 s1, $0x2  }
0xba: {  	s3 =	sand.u32 $0x4000, s31;
	s1 =	sadd.s32 s1, s30  }
0xbb: {  	s0 =	sor.u32 s3, s0;
	s1 =	sshll.u32 s1, $0x11  }
0xbc: {  	s0 =	sor.u32 s1, s0  }
0xbd: {  	s0 =	sadd.s32 $0x8F2B, s0  }
0xbe: {  	[sflag:s0] =	ssyncadd.remote.s32 $0x1  }
0xbf: {  	_ =	sfence.sel $0xFFFF  }
0xc0: {  	[dreg:$0x0] =	wrdreg $0xFFFFFFFF;
	(pc) =	sbr.abs _section_cstart, $3  }
0xc1: {  	[dreg:$0x1] =	wrdreg $0xFFFFFFFF  }
0xc2: {  	_ =	task.clear_ibuf [dreg:s6], $0x2FFFF;
	_ =	strace $0x9FFFFFFF  }
0xc3: {  	(tm) =	ssettm $0x7FFFFFFF  }
tec
execute0_lowered:
.L_overlay_start_1:
0x0: {  	(tag) =	ssettag $0x1  }
0x1: {  	s6 =	rddreg [dreg:$0x0];
	s0 =	stileid.u32  }
0x2: {  	s1 =	srdreg.scid;
	s2 =	rddreg [dreg:$0x1]  }
0x3: {  	s3 =	rddreg [dreg:$0x2];
	s4 =	simm.s32 $0x0;
	s16 =	simm.s32 $0x80  }
0x4: {  	s17 =	simm.s32 $0x5200;
	s18 =	simm.s32 $0x7200;
	s19 =	simm.s32 $0x1  }
0x5: {  	s20 =	simm.s32 $0x2;
	s21 =	simm.s32 $0x5100;
	s22 =	simm.s32 $0x5180  }
0x6: {  	s23 =	simm.s32 $0x0;
	s7 =	sand.u32 $0x1, s1;
	s1 =	rddreg [dreg:$0x3]  }
0x7: {  	s29 =	sshll.u32 s0, $0x1;
	s8 =	smul.u32 $0xA000, s0;
	[smem:$0x7FF] =	sst s4  }
0x8: {  	s31 =	sshll.u32 s0, $0x6;
	s5 =	sor.u32 s7, s29;
	s9 =	smul.u32 $0xA0000, s7  }
0x9: {  	_ =	strace $0x8000004D;
	s7 =	ssub.s32 $0x2, s7;
	s5 =	smul.u32 $0x520, s5  }
0xa: {  	s10 =	sshrl.u32 s8, $0x3;
	s30 =	sshrl.u32 s7, $0x1;
	s14 =	sadd.s32 s8, s2  }
0xb: {  	s15 =	sadd.s32 s8, s3;
	s10 =	sadd.s32 s10, s6;
	s9 =	sadd.s32 s8, s9  }
0xc: {  	s13 =	ssub.s32 s7, s30;
	s11 =	sadd.s32 s5, s6;
	s9 =	sshrl.u32 s9, $0x3  }
0xd: {  	s5 =	sadd.s32 $0xBA00, s6;
	s7 =	sadd.s32 $0x6FE00, s10;
	s12 =	sadd.s32 s9, s6  }
0xe: {  	s6 =	sor.u32 $0x1C03, s31;
	s8 =	sadd.s32 $0x15A00, s11;
	s9 =	sadd.s32 $0x1000, s11  }
0xf: {  	s11 =	smax.u32 s13, $0x1;
	s13 =	simm.s32 $0x3;
	s10 =	sadd.s32 $0x83E00, s12  }
0x10: {  	s12 =	sshrl.u32 s14, $0x3;
	s14 =	sshrl.u32 s15, $0x3;
	s15 =	simm.s32 $0x2900  }
.LBB2_1:
0x11: {  	[spmem:s12], [sflag:s6] =	dma.local [hbm:s5], $0x1400  }
0x12: {  	_ =	swait.ge [sflag:s13], $0x1400  }
0x13: {  	[sflag:s13] =	ssyncset.done $0x0  }
0x14: {  	[sflag:s13] =	ssyncadd.s32 $0xFFFFEC00  }
0x15: {  	[spmem:s14], [sflag:s6] =	dma.local [hbm:s7], $0x1400  }
0x16: {  	_ =	swait.ge [sflag:s13], $0x1400  }
0x17: {  	[sflag:s13] =	ssyncset.done $0x0  }
0x18: {  	[sflag:s13] =	ssyncadd.s32 $0xFFFFEC00  }
0x19: {  	[tilespmem:s4], [sflag:$0x3] =	stream.linear.gather [hbm4b:s8+s4], $0x2900, $0x38;
	[tilespmem:$0x1D200] =	vst v63  }
0x1a: {  	_ =	swait.ge [sflag:s13], $0x2900  }
0x1b: {  	[sflag:s13] =	ssyncset.done $0x0  }
0x1c: {  	[sflag:s13] =	ssyncadd.s32 $0xFFFFD700  }
0x1d: {  	[tilespmem:s15], [sflag:$0x3] =	stream.linear.gather [hbm4b:s9+s4], $0x2900, $0x38;
	[tilespmem:$0x1D200] =	vst v63  }
0x1e: {  	_ =	swait.ge [sflag:s13], $0x2900  }
0x1f: {  	[sflag:s13] =	ssyncset.done $0x0  }
0x20: {  	[sflag:s13] =	ssyncadd.s32 $0xFFFFD700  }
0x21: {  	[bflag:$0x0] =	sbarrier.arrive $0xFFFF  }
0x22: {  	[tilespmem:s17], [sflag:$0x1] =	stream.indirect.gather [spmem:s3], $0x40, s4, s16, $0xb8;
	[tilespmem:$0x1D200] =	vst v63  }
0x23: {  	_ = 	snop  }
0x24: {  	[tilespmem:s18], [sflag:$0x2] =	stream.indirect.gather [spmem:s3], $0x40, s16, s16, $0xb8;
	[tilespmem:$0x1D200] =	vst v63  }
0x25: {  	_ =	swait.ge [sflag:s19], $0x2000  }
0x26: {  	[sflag:s19] =	ssyncset.done $0x0  }
0x27: {  	s24 =	simm.s32 $0x2900;
	[sflag:s19] =	ssyncadd.s32 $0xFFFFE000  }
0x28: {  	[spmem:s2] =	stream.indirect.scatter.add.f32 [tilespmem:s17], [sflag:$0x3], $0x40, s24, s16, $0xb8;
	[tilespmem:$0x1D200] =	vst v63  }
0x29: {  	_ =	swait.ge [sflag:s13], $0x2000  }
0x2a: {  	[sflag:s13] =	ssyncset.done $0x0  }
0x2b: {  	s30 =	simm.s32 $0x100;
	[sflag:s13] =	ssyncadd.s32 $0xFFFFE000  }
0x2c: {  	[tilespmem:s17], [sflag:$0x1] =	stream.indirect.gather [spmem:s3], $0x40, s30, s16, $0xb8;
	[tilespmem:$0x1D200] =	vst v63  }
0x2d: {  	_ =	swait.ge [sflag:s20], $0x2000  }
0x2e: {  	[sflag:s20] =	ssyncset.done $0x0  }
0x2f: {  	s31 =	simm.s32 $0x2980;
	[sflag:s20] =	ssyncadd.s32 $0xFFFFE000  }
0x30: {  	[spmem:s2] =	stream.indirect.scatter.add.f32 [tilespmem:s18], [sflag:$0x3], $0x40, s31, s16, $0xb8;
	[tilespmem:$0x1D200] =	vst v63  }
0x31: {  	_ =	swait.ge [sflag:s13], $0x2000  }
0x32: {  	[sflag:s13] =	ssyncset.done $0x0  }
0x33: {  	s25 =	simm.s32 $0x180;
	s24 =	simm.s32 $0x400;
	[sflag:s13] =	ssyncadd.s32 $0xFFFFE000  }
.LBB2_2:
0x34: {  	[tilespmem:s18], [sflag:$0x2] =	stream.indirect.gather [spmem:s3], $0x40, s25, s16, $0xb8;
	[tilespmem:$0x1D200] =	vst v63  }
0x35: {  	s25 =	smov.u32 s24  }
0x36: {  	p0 =	sne.s32 s24, $0x9C00;
	s24 =	sadd.s32 $0x400, s24;
	_ =	swait.ge [sflag:s19], $0x2000  }
0x37: {  	s25 =	sshra.s32 s25, $0x2;
	[sflag:s19] =	ssyncset.done $0x0  }
0x38: {  	s26 =	sadd.s32 $0x2900, s25;
	[sflag:s19] =	ssyncadd.s32 $0xFFFFE000  }
0x39: {  	[spmem:s2] =	stream.indirect.scatter.add.f32 [tilespmem:s17], [sflag:$0x3], $0x40, s26, s16, $0xb8;
	[tilespmem:$0x1D200] =	vst v63  }
0x3a: {  	_ =	swait.ge [sflag:s13], $0x2000  }
0x3b: {  	[sflag:s13] =	ssyncset.done $0x0  }
0x3c: {  	s26 =	sadd.s32 $0x100, s25;
	[sflag:s13] =	ssyncadd.s32 $0xFFFFE000  }
0x3d: {  	[tilespmem:s17], [sflag:$0x1] =	stream.indirect.gather [spmem:s3], $0x40, s26, s16, $0xb8;
	[tilespmem:$0x1D200] =	vst v63  }
0x3e: {  	_ =	swait.ge [sflag:s20], $0x2000  }
0x3f: {  	[sflag:s20] =	ssyncset.done $0x0  }
.Ltmp0:
0x40: {  	s26 =	sadd.s32 $0x2980, s25;
	[sflag:s20] =	ssyncadd.s32 $0xFFFFE000;
	(pc) =	sbr.rel @p0 .LBB2_2-.Ltmp0, $4  }
0x41: {  	[spmem:s2] =	stream.indirect.scatter.add.f32 [tilespmem:s18], [sflag:$0x3], $0x40, s26, s16, $0xb8;
	[tilespmem:$0x1D200] =	vst v63  }
0x42: {  	_ =	swait.ge [sflag:s13], $0x2000  }
0x43: {  	[sflag:s13] =	ssyncset.done $0x0  }
0x44: {  	s25 =	sadd.s32 $0x180, s25;
	[sflag:s13] =	ssyncadd.s32 $0xFFFFE000  }
0x45: {  	[tilespmem:s18], [sflag:$0x2] =	stream.indirect.gather [spmem:s3], $0x40, s25, s16, $0xb8;
	[tilespmem:$0x1D200] =	vst v63  }
0x46: {  	_ =	swait.ge [sflag:s19], $0x2000  }
0x47: {  	[sflag:s19] =	ssyncset.done $0x0  }
0x48: {  	[sflag:s19] =	ssyncadd.s32 $0xFFFFE000  }
0x49: {  	[spmem:s2] =	stream.indirect.scatter.add.f32 [tilespmem:s17], [sflag:$0x3], $0x40, s21, s16, $0xb8;
	[tilespmem:$0x1D200] =	vst v63  }
0x4a: {  	_ =	swait.ge [sflag:s13], $0x2000  }
0x4b: {  	[sflag:s13] =	ssyncset.done $0x0  }
0x4c: {  	[sflag:s13] =	ssyncadd.s32 $0xFFFFE000  }
0x4d: {  	_ =	swait.ge [sflag:s20], $0x2000  }
0x4e: {  	[sflag:s20] =	ssyncset.done $0x0  }
0x4f: {  	[sflag:s20] =	ssyncadd.s32 $0xFFFFE000  }
0x50: {  	[spmem:s2] =	stream.indirect.scatter.add.f32 [tilespmem:s18], [sflag:$0x3], $0x40, s22, s16, $0xb8;
	[tilespmem:$0x1D200] =	vst v63  }
0x51: {  	_ =	swait.ge [sflag:s13], $0x2000  }
0x52: {  	s23 =	sadd.s32 $0x1, s23;
	[sflag:s13] =	ssyncset.done $0x0  }
0x53: {  	p0 =	sne.s32 s23, s11;
	[sflag:s13] =	ssyncadd.s32 $0xFFFFE000  }
.Ltmp1:
0x54: {  	[bflag:$0x0] =	sbarrier.arrive $0xFFFF;
	(pc) =	sbr.rel @p0 .LBB2_1-.Ltmp1, $4  }
0x55: {  	[hbm:s10], [sflag:s6] =	dma.local [spmem:s12], $0x1400  }
0x56: {  	_ =	swait.ge [sflag:s13], $0x1400  }
0x57: {  	[sflag:s13] =	ssyncset.done $0x0  }
0x58: {  	[sflag:s13] =	ssyncadd.s32 $0xFFFFEC00  }
0x59: {  	_ =	sfence.sel $0x180000  }
0x5a: {  	[bflag:$0x0] =	sbarrier.arrive $0xFFFF  }
0x5b: {  	p0 =	sne.s32 s0, $0x0;
	_ =	strace $0x9000004D  }
0x5c: {  	s0 =	sadd.s32 @!p0 $0x100000, s1;
	[bflag:$0x2] =	sbarrier.arrive $0xFFFF  }
0x5d: {  	[sflag:s0] =	ssyncadd.tile.s32 @!p0 $0x1;
	_ =	shalt  }
.Lfunc_end2:
_tile_overlayer_lowered:
.L_overlay_start_2:
0x5e: {  	(tag) =	ssettag $0x2  }
0x5f: {  	s0 =	rddreg [dreg:$0x0];
	s2 =	stileid.u32  }
0x60: {  	s1 =	rddreg [dreg:$0x1];
	p0 =	sne.s32 s2, $0x0  }
0x61: {  	s3 =	rddreg [dreg:$0x2];
	[bflag:$0x3] =	sbarrier.arrive $0xFFFF;
	s2 =	simm.s32 @!p0 $0x1C03  }
0x62: {  	[timem:s3], [sflag:s2] =	dma.local @!p0 [hbm:s0], s1  }
0x63: {  	s0 =	simm.s32 @!p0 $0x3  }
0x64: {  	_ =	swait.ge @!p0 [sflag:s0], s1  }
0x65: {  	s1 =	ssub.s32 @!p0 $0x0, s1;
	[sflag:s0] =	ssyncset.done @!p0 $0x0  }
0x66: {  	[sflag:s0] =	ssyncadd.s32 @!p0 s1  }
0x67: {  	[bflag:$0x3] =	sbarrier.arrive $0xFFFF  }
0x68: {  	_ =	shalt  }

// kernel: kernel.19.cloned.1.call-start
scs
__scs_entry_jumppad:
0x0: {  	(pc) =	sbr.rel $0x88, $3  }
0x1: {  	(tag) =	ssettag $0x0;
	lr =	simm.s32 $0x1  }
0x2: {  	[smem:$0x3F99] =	sst lr;
	_ =	strace $0xD0000000  }
0x3: {  	_ = 	snop  }
0x4: {  	_ = 	snop  }
0x5: {  	_ = 	snop  }
0x6: {  	_ = 	snop  }
0x7: {  	_ = 	snop  }
__scs_overlays_trampoline_lowered:
0x8: {  	[smem:$0x3FA8] =	sst s0  }
0x9: {  	[smem:$0x3FA9] =	sst s1  }
0xa: {  	[smem:$0x3FAA] =	sst s2  }
0xb: {  	[smem:$0x3FAB] =	sst s3  }
0xc: {  	[smem:$0x3FAC] =	sst s4  }
0xd: {  	[smem:$0x3FAD] =	sst s5  }
0xe: {  	[smem:$0x3FAE] =	sst s6  }
0xf: {  	[smem:$0x3FAF] =	sst s7  }
0x10: {  	[smem:$0x3FB0] =	sst s8  }
0x11: {  	[smem:$0x3FB1] =	sst s9;
	s0 =	simm.s32 @!p0 $0x0  }
0x12: {  	s1 =	sld [smem:$0x3F97];
	s0 =	simm.s32 @p0 $0x1  }
0x13: {  	[smem:$0x3FB2] =	sst s0;
	s0 =	simm.s32 @!p1 $0x0  }
0x14: {  	s2 =	sld [smem:$0x3F96];
	s0 =	simm.s32 @p1 $0x1  }
0x15: {  	[smem:$0x3FB3] =	sst s0;
	s0 =	simm.s32 @!p2 $0x0  }
0x16: {  	s3 =	sld [smem:$0x3FDB];
	s0 =	simm.s32 @p2 $0x1  }
0x17: {  	s4 =	simm.s32 $0x1BF5;
	[smem:$0x3FB5] =	sst s0  }
0x18: {  	s0 =	sld [smem:$0x3F98];
	_ =	swait.ge [sflag:s4], $0x0  }
0x19: {  	s7 =	sld [smem:$0x3F99]  }
0x1a: {  	s8 =	sadd.s32 $0xFFFFE003, lr  }
0x1b: {  	s9 =	sadd.s32 $0xFFFFFEF7, lr;
	s5 =	simm.s32 $0xFFFFFFFF;
	p2 =	slt.u32 s8, $0xFFFFF086  }
0x1c: {  	p1 =	slt.u32 s9, $0xF7A;
	s5 =	simm.s32 @!p2 $0x0  }
0x1d: {  	s5 =	simm.s32 @p1 $0x1;
	p0 =	seq.s32 s7, s2  }
0x1e: {  	s7 =	smul.u32 @!p0 $0xF7A, s2;
	p2 =	seq.s32 @!p0 s5, $0x0  }
0x1f: {  	s9 =	smul.u32 $0xF7A, s1;
	s8 =	simm.s32 @!p0 $0x1BF5;
	p2 =	por !p2, p0  }
0x20: {  	[sflag:s8] =	ssyncset.s32 @!p0 $0xFFFFF086;
	s6 =	sadd.s32 @!p0 s3, s7;
	s7 =	simm.s32 @!p0 $0x108  }
0x21: {  	s3 =	sadd.s32 s3, s9;
	s6 =	sadd.s32 @!p0 $0x88, s6;
	s7 =	simm.s32 @p2 $0x1082  }
0x22: {  	[simem:s7], [sflag:s8] =	dma.local @!p0 [hbm:s6], $0xF7A  }
0x23: {  	s9 =	sor.u32 $0xD0000000, s2;
	s6 =	simm.s32 $0x108;
	_ =	swait.ge @!p0 [sflag:s8], $0x0  }
0x24: {  	s3 =	sadd.s32 $0x88, s3;
	s6 =	simm.s32 @!p1 $0x1082;
	[sflag:s4] =	ssyncset.s32 $0xFFFFF086  }
0x25: {  	[simem:s6], [sflag:s4] =	dma.local [hbm:s3], $0xF7A  }
0x26: {  	[smem:$0x3F99] =	sst s1;
	(tag) =	ssettag s2;
	_ =	strace s9  }
0x27: {  	s1 =	sld [smem:$0x3FA9]  }
0x28: {  	s2 =	sld [smem:$0x3FAA]  }
0x29: {  	s4 =	sld [smem:$0x3FAC]  }
0x2a: {  	p0 =	seq.s32 s5, $0x0;
	s5 =	sld [smem:$0x3FAD]  }
0x2b: {  	s6 =	sld [smem:$0x3FAE]  }
0x2c: {  	s7 =	sld [smem:$0x3FAF]  }
0x2d: {  	s3 =	simm.s32 $0x108;
	s8 =	sld [smem:$0x3FB0]  }
0x2e: {  	s3 =	simm.s32 @!p0 $0x1082;
	s9 =	sld [smem:$0x3FB1]  }
0x2f: {  	lr =	sadd.s32 s0, s3;
	s0 =	sld [smem:$0x3FA8]  }
0x30: {  	s3 =	sld [smem:$0x3FAB]  }
0x31: {  	[smem:$0x3FB4] =	sst s10  }
0x32: {  	s10 =	sld [smem:$0x3FB2];
	_ =	sdelay $0x3  }
0x33: {  	p0 =	seq.s32 s10, $0x1;
	s10 =	sld [smem:$0x3FB4];
	_ =	sdelay $0x3  }
0x34: {  	[smem:$0x3FB4] =	sst s10  }
0x35: {  	s10 =	sld [smem:$0x3FB3];
	_ =	sdelay $0x3  }
0x36: {  	p1 =	seq.s32 s10, $0x1;
	s10 =	sld [smem:$0x3FB4];
	_ =	sdelay $0x3  }
0x37: {  	[smem:$0x3FB4] =	sst s10  }
0x38: {  	s10 =	sld [smem:$0x3FB5]  }
0x39: {  	_ = 	snop;
	(pc) =	sbr.ind lr, $3  }
0x3a: {  	_ = 	snop  }
0x3b: {  	_ = 	snop  }
0x3c: {  	p2 =	seq.s32 s10, $0x1;
	s10 =	sld [smem:$0x3FB4]  }
0x3d: {  	_ =	shalt  }
0x3e: {  	_ =	shalt  }
0x3f: {  	_ =	shalt  }
0x40: {  	_ =	shalt  }
0x41: {  	_ =	shalt  }
0x42: {  	_ =	shalt  }
0x43: {  	_ =	shalt  }
0x44: {  	_ =	shalt  }
0x45: {  	_ =	shalt  }
0x46: {  	_ =	shalt  }
0x47: {  	_ =	shalt  }
0x48: {  	_ =	shalt  }
0x49: {  	_ =	shalt  }
0x4a: {  	_ =	shalt  }
0x4b: {  	_ =	shalt  }
0x4c: {  	_ =	shalt  }
0x4d: {  	_ =	shalt  }
0x4e: {  	_ =	shalt  }
0x4f: {  	_ =	shalt  }
0x50: {  	_ =	shalt  }
0x51: {  	_ =	shalt  }
0x52: {  	_ =	shalt  }
0x53: {  	_ =	shalt  }
0x54: {  	_ =	shalt  }
0x55: {  	_ =	shalt  }
0x56: {  	_ =	shalt  }
0x57: {  	_ =	shalt  }
0x58: {  	_ =	shalt  }
0x59: {  	_ =	shalt  }
0x5a: {  	_ =	shalt  }
0x5b: {  	_ =	shalt  }
0x5c: {  	_ =	shalt  }
0x5d: {  	_ =	shalt  }
0x5e: {  	_ =	shalt  }
0x5f: {  	_ =	shalt  }
0x60: {  	_ =	shalt  }
0x61: {  	_ =	shalt  }
0x62: {  	_ =	shalt  }
0x63: {  	_ =	shalt  }
0x64: {  	_ =	shalt  }
0x65: {  	_ =	shalt  }
0x66: {  	_ =	shalt  }
0x67: {  	_ =	shalt  }
0x68: {  	_ =	shalt  }
0x69: {  	_ =	shalt  }
0x6a: {  	_ =	shalt  }
0x6b: {  	_ =	shalt  }
0x6c: {  	_ =	shalt  }
0x6d: {  	_ =	shalt  }
0x6e: {  	_ =	shalt  }
0x6f: {  	_ =	shalt  }
0x70: {  	_ =	shalt  }
0x71: {  	_ =	shalt  }
0x72: {  	_ =	shalt  }
0x73: {  	_ =	shalt  }
0x74: {  	_ =	shalt  }
0x75: {  	_ =	shalt  }
0x76: {  	_ =	shalt  }
0x77: {  	_ =	shalt  }
0x78: {  	_ =	shalt  }
0x79: {  	_ =	shalt  }
0x7a: {  	_ =	shalt  }
0x7b: {  	_ =	shalt  }
0x7c: {  	_ =	shalt  }
0x7d: {  	_ =	shalt  }
0x7e: {  	_ =	shalt  }
0x7f: {  	_ =	shalt  }
0x80: {  	_ =	shalt  }
0x81: {  	_ =	shalt  }
0x82: {  	_ =	shalt  }
0x83: {  	_ =	shalt  }
0x84: {  	_ =	shalt  }
0x85: {  	_ =	shalt  }
0x86: {  	_ =	shalt  }
0x87: {  	_ =	shalt  }
.Lfunc_end0:
.L_simem_size_0:
called_computation.3_lowered:
.L_overlay_start_0:
0x88: {  	s2 =	sld [smem:$0x3FD9]  }
0x89: {  	s3 =	sld [smem:$0x3FFE];
	_ =	sdelay $0x1  }
0x8a: {  	s1 =	srdreg.scid  }
0x8b: {  	s0 =	sand.u32 $0x1, s1  }
0x8c: {  	s16 =	sshll.u32 s0, $0xA;
	s2 =	sadd.s32 s3, s2  }
0x8d: {  	s2 =	sadd.s32 s2, s16  }
0x8e: {  	[smem:$0x3FC0] =	sst s2  }
0x8f: {  	_ = 	snop  }
0x90: {  	(tm) =	ssettm $0x1  }
0x91: {  	s17 =	sld [smem:$0x3FFB];
	_ =	sdelay $0x3  }
0x92: {  	_ =	strace s17  }
0x93: {  	s2 =	sld [smem:$0x3FFC];
	_ =	sdelay $0x3  }
0x94: {  	_ =	strace s2  }
0x95: {  	s2 =	sld [smem:$0x3FFD];
	_ =	sdelay $0x3  }
0x96: {  	_ =	strace s2  }
0x97: {  	_ =	strace $0x8FFFFFFF  }
0x98: {  	s18 =	sld [smem:$0x3FDB];
	_ =	sdelay $0x1  }
0x99: {  	s19 =	simm.s32 $_scs_section_size  }
0x9a: {  	s4 =	simm.s32 $_size__tile_overlayer_lowered;
	s5 =	simm.s32 $_tile_overlayer_lowered  }
0x9b: {  	s22 =	simm.s32 $0x1BFF;
	s21 =	sshll.u32 s5, $0x1;
	s2 =	sadd.s32 s19, s18  }
0x9c: {  	s6 =	simm.s32 $0x0;
	s20 =	sshll.u32 s4, $0x1;
	s4 =	sadd.s32 s21, s2  }
0x9d: {  	[timem:s6], [sflag:s22] =	dma.local [hbm:s4], s20  }
0x9e: {  	_ =	swait.ge [sflag:s22], s20  }
0x9f: {  	s3 =	ssub.s32 $0x0, s20;
	[sflag:s22] =	ssyncset.done $0x0  }
0xa0: {  	[sflag:s22] =	ssyncadd.s32 s3;
	_ =	sdelay $0x1  }
0xa1: {  	s23 =	simm.s32 $0x1B8B  }
0xa2: {  	_ =	swait.ge [sflag:s23], $0x1  }
0xa3: {  	[sflag:s23] =	ssyncset.done $0x0  }
0xa4: {  	s25 =	simm.s32 $0x1B8E;
	s24 =	sld [smem:$0x3FFE];
	[sflag:s23] =	ssyncadd.s32 $0xFFFFFFFF  }
0xa5: {  	s26 =	simm.s32 $execute0_lowered;
	[smem:$0x3FD2] =	sst s25  }
0xa6: {  	s4 =	sshll.u32 s26, $0x1;
	_ =	strace $0x8000004F;
	[dreg:$0x1] =	wrdreg $0xFFFFFFFF  }
0xa7: {  	s28 =	simm.s32 $_size_execute0_lowered;
	s2 =	sadd.s32 s2, s4;
	[dreg:$0x0] =	wrdreg $0x0  }
0xa8: {  	s4 =	sshll.u32 s28, $0x1;
	[dreg:$0x2] =	wrdreg s2  }
0xa9: {  	[dreg:$0x3] =	wrdreg s4  }
0xaa: {  	[dreg:$0x4] =	wrdreg $0xC0  }
0xab: {  	_ =	task [dreg:s6], $0x5FFFF  }
0xac: {  	[dreg:$0x1] =	wrdreg $0xFFFFFFFF  }
0xad: {  	[dreg:$0x0] =	wrdreg $0x60  }
0xae: {  	[dreg:$0x2] =	wrdreg s24  }
0xaf: {  	[dreg:$0x3] =	wrdreg $0x62000  }
0xb0: {  	[dreg:$0x4] =	wrdreg $0x8A000  }
0xb1: {  	[dreg:$0x5] =	wrdreg $0x9  }
0xb2: {  	_ =	task.clear_ibuf [dreg:s6], $0x6FFFF;
	_ =	strace $0x9000004F  }
0xb3: {  	s29 =	simm.s32 $0x9;
	_ =	strace $0x80000051  }
0xb4: {  	_ =	swait.ge [sflag:s29], $0x1  }
0xb5: {  	[sflag:s29] =	ssyncadd.s32 $0xFFFFFFFF  }
0xb6: {  	_ =	strace $0x90000051  }
0xb7: {  	_ =	sfence  }
0xb8: {  	s30 =	sld [smem:$0x0];
	_ =	sdelay $0x2  }
0xb9: {  	s31 =	sshll.u32 s1, $0xD;
	s1 =	sshrl.u32 s1, $0x2  }
0xba: {  	s3 =	sand.u32 $0x4000, s31;
	s1 =	sadd.s32 s1, s30  }
0xbb: {  	s0 =	sor.u32 s3, s0;
	s1 =	sshll.u32 s1, $0x11  }
0xbc: {  	s0 =	sor.u32 s1, s0  }
0xbd: {  	s0 =	sadd.s32 $0x8F2B, s0  }
0xbe: {  	[sflag:s0] =	ssyncadd.remote.s32 $0x1  }
0xbf: {  	_ =	sfence.sel $0xFFFF  }
0xc0: {  	[dreg:$0x0] =	wrdreg $0xFFFFFFFF;
	(pc) =	sbr.abs _section_cstart, $3  }
0xc1: {  	[dreg:$0x1] =	wrdreg $0xFFFFFFFF  }
0xc2: {  	_ =	task.clear_ibuf [dreg:s6], $0x2FFFF;
	_ =	strace $0x9FFFFFFF  }
0xc3: {  	(tm) =	ssettm $0x7FFFFFFF  }
tec
execute0_lowered:
.L_overlay_start_1:
0x0: {  	(tag) =	ssettag $0x1  }
0x1: {  	s6 =	rddreg [dreg:$0x0];
	s0 =	stileid.u32  }
0x2: {  	s1 =	srdreg.scid;
	s2 =	rddreg [dreg:$0x1]  }
0x3: {  	s3 =	rddreg [dreg:$0x2];
	s4 =	simm.s32 $0x0;
	s16 =	simm.s32 $0x80  }
0x4: {  	s17 =	simm.s32 $0x5200;
	s18 =	simm.s32 $0x5A00;
	s19 =	simm.s32 $0x1  }
0x5: {  	s20 =	simm.s32 $0x2;
	s21 =	simm.s32 $0x5100;
	s22 =	simm.s32 $0x5180  }
0x6: {  	s23 =	simm.s32 $0x0;
	s7 =	sand.u32 $0x1, s1;
	s1 =	rddreg [dreg:$0x3]  }
0x7: {  	s29 =	sshll.u32 s0, $0x1;
	s8 =	smul.u32 $0x2800, s0;
	[smem:$0x7FF] =	sst s4  }
0x8: {  	s31 =	sshll.u32 s0, $0x6;
	s5 =	sor.u32 s7, s29;
	s9 =	smul.u32 $0x28000, s7  }
0x9: {  	_ =	strace $0x80000050;
	s7 =	ssub.s32 $0x2, s7;
	s5 =	smul.u32 $0x520, s5  }
0xa: {  	s10 =	sshrl.u32 s8, $0x3;
	s30 =	sshrl.u32 s7, $0x1;
	s14 =	sadd.s32 s8, s2  }
0xb: {  	s15 =	sadd.s32 s8, s3;
	s10 =	sadd.s32 s10, s6;
	s9 =	sadd.s32 s8, s9  }
0xc: {  	s13 =	ssub.s32 s7, s30;
	s11 =	sadd.s32 s5, s6;
	s9 =	sshrl.u32 s9, $0x3  }
0xd: {  	s5 =	sadd.s32 $0xB400, s6;
	s7 =	sadd.s32 $0xBA00, s10;
	s12 =	sadd.s32 s9, s6  }
0xe: {  	s6 =	sor.u32 $0x1C03, s31;
	s8 =	sadd.s32 $0x15A00, s11;
	s9 =	sadd.s32 $0x1000, s11  }
0xf: {  	s11 =	smax.u32 s13, $0x1;
	s13 =	simm.s32 $0x3;
	s10 =	sadd.s32 $0x6FE00, s12  }
0x10: {  	s12 =	sshrl.u32 s14, $0x3;
	s14 =	sshrl.u32 s15, $0x3;
	s15 =	simm.s32 $0x2900  }
.LBB2_1:
0x11: {  	[spmem:s12], [sflag:s6] =	dma.local [hbm:s5], $0x500  }
0x12: {  	_ =	swait.ge [sflag:s13], $0x500  }
0x13: {  	[sflag:s13] =	ssyncset.done $0x0  }
0x14: {  	[sflag:s13] =	ssyncadd.s32 $0xFFFFFB00  }
0x15: {  	[spmem:s14], [sflag:s6] =	dma.local [hbm:s7], $0x500  }
0x16: {  	_ =	swait.ge [sflag:s13], $0x500  }
0x17: {  	[sflag:s13] =	ssyncset.done $0x0  }
0x18: {  	[sflag:s13] =	ssyncadd.s32 $0xFFFFFB00  }
0x19: {  	[tilespmem:s4], [sflag:$0x3] =	stream.linear.gather [hbm4b:s8+s4], $0x2900, $0x38;
	[tilespmem:$0xB200] =	vst v63  }
0x1a: {  	_ =	swait.ge [sflag:s13], $0x2900  }
0x1b: {  	[sflag:s13] =	ssyncset.done $0x0  }
0x1c: {  	[sflag:s13] =	ssyncadd.s32 $0xFFFFD700  }
0x1d: {  	[tilespmem:s15], [sflag:$0x3] =	stream.linear.gather [hbm4b:s9+s4], $0x2900, $0x38;
	[tilespmem:$0xB200] =	vst v63  }
0x1e: {  	_ =	swait.ge [sflag:s13], $0x2900  }
0x1f: {  	[sflag:s13] =	ssyncset.done $0x0  }
0x20: {  	[sflag:s13] =	ssyncadd.s32 $0xFFFFD700  }
0x21: {  	[bflag:$0x0] =	sbarrier.arrive $0xFFFF  }
0x22: {  	[tilespmem:s17], [sflag:$0x1] =	stream.indirect.gather [spmem:s3], $0x10, s4, s16, $0xb8;
	[tilespmem:$0xB200] =	vst v63  }
0x23: {  	_ = 	snop  }
0x24: {  	[tilespmem:s18], [sflag:$0x2] =	stream.indirect.gather [spmem:s3], $0x10, s16, s16, $0xb8;
	[tilespmem:$0xB200] =	vst v63  }
0x25: {  	_ =	swait.ge [sflag:s19], $0x800  }
0x26: {  	[sflag:s19] =	ssyncset.done $0x0  }
0x27: {  	s24 =	simm.s32 $0x2900;
	[sflag:s19] =	ssyncadd.s32 $0xFFFFF800  }
0x28: {  	[spmem:s2] =	stream.indirect.scatter.add.f32 [tilespmem:s17], [sflag:$0x3], $0x10, s24, s16, $0xb8;
	[tilespmem:$0xB200] =	vst v63  }
0x29: {  	_ =	swait.ge [sflag:s13], $0x800  }
0x2a: {  	[sflag:s13] =	ssyncset.done $0x0  }
0x2b: {  	s30 =	simm.s32 $0x100;
	[sflag:s13] =	ssyncadd.s32 $0xFFFFF800  }
0x2c: {  	[tilespmem:s17], [sflag:$0x1] =	stream.indirect.gather [spmem:s3], $0x10, s30, s16, $0xb8;
	[tilespmem:$0xB200] =	vst v63  }
0x2d: {  	_ =	swait.ge [sflag:s20], $0x800  }
0x2e: {  	[sflag:s20] =	ssyncset.done $0x0  }
0x2f: {  	s31 =	simm.s32 $0x2980;
	[sflag:s20] =	ssyncadd.s32 $0xFFFFF800  }
0x30: {  	[spmem:s2] =	stream.indirect.scatter.add.f32 [tilespmem:s18], [sflag:$0x3], $0x10, s31, s16, $0xb8;
	[tilespmem:$0xB200] =	vst v63  }
0x31: {  	_ =	swait.ge [sflag:s13], $0x800  }
0x32: {  	[sflag:s13] =	ssyncset.done $0x0  }
0x33: {  	s25 =	simm.s32 $0x180;
	s24 =	simm.s32 $0x400;
	[sflag:s13] =	ssyncadd.s32 $0xFFFFF800  }
.LBB2_2:
0x34: {  	[tilespmem:s18], [sflag:$0x2] =	stream.indirect.gather [spmem:s3], $0x10, s25, s16, $0xb8;
	[tilespmem:$0xB200] =	vst v63  }
0x35: {  	s25 =	smov.u32 s24  }
0x36: {  	p0 =	sne.s32 s24, $0x9C00;
	s24 =	sadd.s32 $0x400, s24;
	_ =	swait.ge [sflag:s19], $0x800  }
0x37: {  	s25 =	sshra.s32 s25, $0x2;
	[sflag:s19] =	ssyncset.done $0x0  }
0x38: {  	s26 =	sadd.s32 $0x2900, s25;
	[sflag:s19] =	ssyncadd.s32 $0xFFFFF800  }
0x39: {  	[spmem:s2] =	stream.indirect.scatter.add.f32 [tilespmem:s17], [sflag:$0x3], $0x10, s26, s16, $0xb8;
	[tilespmem:$0xB200] =	vst v63  }
0x3a: {  	_ =	swait.ge [sflag:s13], $0x800  }
0x3b: {  	[sflag:s13] =	ssyncset.done $0x0  }
0x3c: {  	s26 =	sadd.s32 $0x100, s25;
	[sflag:s13] =	ssyncadd.s32 $0xFFFFF800  }
0x3d: {  	[tilespmem:s17], [sflag:$0x1] =	stream.indirect.gather [spmem:s3], $0x10, s26, s16, $0xb8;
	[tilespmem:$0xB200] =	vst v63  }
0x3e: {  	_ =	swait.ge [sflag:s20], $0x800  }
0x3f: {  	[sflag:s20] =	ssyncset.done $0x0  }
.Ltmp0:
0x40: {  	s26 =	sadd.s32 $0x2980, s25;
	[sflag:s20] =	ssyncadd.s32 $0xFFFFF800;
	(pc) =	sbr.rel @p0 .LBB2_2-.Ltmp0, $4  }
0x41: {  	[spmem:s2] =	stream.indirect.scatter.add.f32 [tilespmem:s18], [sflag:$0x3], $0x10, s26, s16, $0xb8;
	[tilespmem:$0xB200] =	vst v63  }
0x42: {  	_ =	swait.ge [sflag:s13], $0x800  }
0x43: {  	[sflag:s13] =	ssyncset.done $0x0  }
0x44: {  	s25 =	sadd.s32 $0x180, s25;
	[sflag:s13] =	ssyncadd.s32 $0xFFFFF800  }
0x45: {  	[tilespmem:s18], [sflag:$0x2] =	stream.indirect.gather [spmem:s3], $0x10, s25, s16, $0xb8;
	[tilespmem:$0xB200] =	vst v63  }
0x46: {  	_ =	swait.ge [sflag:s19], $0x800  }
0x47: {  	[sflag:s19] =	ssyncset.done $0x0  }
0x48: {  	[sflag:s19] =	ssyncadd.s32 $0xFFFFF800  }
0x49: {  	[spmem:s2] =	stream.indirect.scatter.add.f32 [tilespmem:s17], [sflag:$0x3], $0x10, s21, s16, $0xb8;
	[tilespmem:$0xB200] =	vst v63  }
0x4a: {  	_ =	swait.ge [sflag:s13], $0x800  }
0x4b: {  	[sflag:s13] =	ssyncset.done $0x0  }
0x4c: {  	[sflag:s13] =	ssyncadd.s32 $0xFFFFF800  }
0x4d: {  	_ =	swait.ge [sflag:s20], $0x800  }
0x4e: {  	[sflag:s20] =	ssyncset.done $0x0  }
0x4f: {  	[sflag:s20] =	ssyncadd.s32 $0xFFFFF800  }
0x50: {  	[spmem:s2] =	stream.indirect.scatter.add.f32 [tilespmem:s18], [sflag:$0x3], $0x10, s22, s16, $0xb8;
	[tilespmem:$0xB200] =	vst v63  }
0x51: {  	_ =	swait.ge [sflag:s13], $0x800  }
0x52: {  	s23 =	sadd.s32 $0x1, s23;
	[sflag:s13] =	ssyncset.done $0x0  }
0x53: {  	p0 =	sne.s32 s23, s11;
	[sflag:s13] =	ssyncadd.s32 $0xFFFFF800  }
.Ltmp1:
0x54: {  	[bflag:$0x0] =	sbarrier.arrive $0xFFFF;
	(pc) =	sbr.rel @p0 .LBB2_1-.Ltmp1, $4  }
0x55: {  	[hbm:s10], [sflag:s6] =	dma.local [spmem:s12], $0x500  }
0x56: {  	_ =	swait.ge [sflag:s13], $0x500  }
0x57: {  	[sflag:s13] =	ssyncset.done $0x0  }
0x58: {  	[sflag:s13] =	ssyncadd.s32 $0xFFFFFB00  }
0x59: {  	_ =	sfence.sel $0x180000  }
0x5a: {  	[bflag:$0x0] =	sbarrier.arrive $0xFFFF  }
0x5b: {  	p0 =	sne.s32 s0, $0x0;
	_ =	strace $0x90000050  }
0x5c: {  	s0 =	sadd.s32 @!p0 $0x100000, s1;
	[bflag:$0x2] =	sbarrier.arrive $0xFFFF  }
0x5d: {  	[sflag:s0] =	ssyncadd.tile.s32 @!p0 $0x1;
	_ =	shalt  }
.Lfunc_end2:
_tile_overlayer_lowered:
.L_overlay_start_2:
0x5e: {  	(tag) =	ssettag $0x2  }
0x5f: {  	s0 =	rddreg [dreg:$0x0];
	s2 =	stileid.u32  }
0x60: {  	s1 =	rddreg [dreg:$0x1];
	p0 =	sne.s32 s2, $0x0  }
0x61: {  	s3 =	rddreg [dreg:$0x2];
	[bflag:$0x3] =	sbarrier.arrive $0xFFFF;
	s2 =	simm.s32 @!p0 $0x1C03  }
0x62: {  	[timem:s3], [sflag:s2] =	dma.local @!p0 [hbm:s0], s1  }
0x63: {  	s0 =	simm.s32 @!p0 $0x3  }
0x64: {  	_ =	swait.ge @!p0 [sflag:s0], s1  }
0x65: {  	s1 =	ssub.s32 @!p0 $0x0, s1;
	[sflag:s0] =	ssyncset.done @!p0 $0x0  }
0x66: {  	[sflag:s0] =	ssyncadd.s32 @!p0 s1  }
0x67: {  	[bflag:$0x3] =	sbarrier.arrive $0xFFFF  }
0x68: {  	_ =	shalt  }

</sc_bundles>
